<compile_context>
chip_gen: v7x
topology: tpu7x:2x2x1
jax: 0.10.2.dev20260603
libtpu: 0.0.44.dev20260713+nightly
codegen_flags: <defaults>
</compile_context>

<pallas_src>
import jax
import jax.numpy as jnp
from jax import lax
from jax.experimental import pallas as pl
from jax.experimental.pallas import tpu as pltpu
from jax.experimental.pallas import tpu_sc as plsc

_RADIUS = 0.2
_NSAMPLE = 16
_N = 8192
_NQ = 2048
_B = 2
_CR = 128
_L = 16
_NC, _NSUB = 2, 16
_NW = _NC * _NSUB
_QPW = (_B * _NQ) // _NW
_NVREG = _N // _L
_HALF = _CR // 2


def _body(p_h, q_h, f_h,
          nf_h, gx_h, bq_h, ig_h,
          pflat, pxv, pyv, pzv, qflat, idxg, idxg2, cand, bqs,
          planeA, planeB, stA, stA2, stB, stB2,
          semLA, semLB, semSA, semSB, semW,
          gxx, gxy, gxz, xfx, xfy, xfz):
    cid = lax.axis_index("c")
    sid = lax.axis_index("s")
    wid = sid * _NC + cid
    q0 = wid * _QPW
    b = q0 // _NQ
    qb = q0 - b * _NQ
    widp = (sid ^ 1) * _NC + cid
    qbp = widp * _QPW - b * _NQ

    pltpu.sync_copy(p_h.at[b], pflat)
    pltpu.sync_copy(q_h.at[b, pl.ds(qb * 3, _QPW * 3)], qflat)

    lane = jnp.arange(_L, dtype=jnp.int32)
    r2 = jnp.float32(_RADIUS * _RADIUS)

    def _splat(ref, i):
        return plsc.load_gather(ref, [jnp.full((_L,), i, dtype=jnp.int32)])

    def deint(v, carry):
        base = v * _L
        i3 = (lane + base) * 3
        pxv[pl.ds(base, _L)] = plsc.load_gather(pflat, [i3])
        pyv[pl.ds(base, _L)] = plsc.load_gather(pflat, [i3 + 1])
        pzv[pl.ds(base, _L)] = plsc.load_gather(pflat, [i3 + 2])
        return carry

    lax.fori_loop(0, _NVREG, deint, jnp.int32(0), unroll=4)

    shadow = jnp.full((_L,), 1000000.0, dtype=jnp.float32)
    pxv[pl.ds(_N, _L)] = shadow
    pyv[pl.ds(_N, _L)] = shadow
    pzv[pl.ds(_N, _L)] = shadow
    zeros = jnp.zeros((_L,), dtype=jnp.float32)
    planeA[pl.ds(_N, _L)] = zeros
    planeB[pl.ds(_N, _L)] = zeros

    _U = 8
    _NG = _NVREG // _U

    def ballq(i, carry):
        qx = _splat(qflat, 3 * i)
        qy = _splat(qflat, 3 * i + 1)
        qz = _splat(qflat, 3 * i + 2)

        def w_cond(st):
            g, cnt = st
            return jnp.logical_and(g < _NG, cnt < _NSAMPLE)

        def w_body(st):
            g, cnt = st
            base0 = g * (_U * _L)
            for u in range(_U):
                base = base0 + u * _L
                px = pxv[pl.ds(base, _L)]
                py = pyv[pl.ds(base, _L)]
                pz = pzv[pl.ds(base, _L)]
                dx = qx - px
                dy = qy - py
                dz = qz - pz
                d2 = dx * dx + dy * dy + dz * dz
                m = d2 < r2
                plsc.store_compressed(cand.at[pl.ds(cnt, _L)],
                                      lane + base, mask=m)
                pc = plsc.all_reduce_population_count(m)
                cnt = cnt + pc[0]
            return g + 1, cnt

        _, cnt = lax.while_loop(
            w_cond, w_body, (jnp.int32(0), jnp.int32(0)))

        row = cand[pl.ds(0, _L)]
        firstv = _splat(cand, jnp.int32(0))
        first = jnp.where(cnt > 0, firstv, jnp.int32(0))
        bq_row = jnp.where(lane < cnt, row, first)
        pad = jnp.logical_and(lane > 0, lane >= cnt)
        bqs[i] = bq_row
        idxg[i] = jnp.where(pad, jnp.int32(_N), bq_row)
        return carry

    lax.fori_loop(0, _QPW, ballq, jnp.int32(0))
    pltpu.async_copy(bqs, bq_h.at[b, pl.ds(qb, _QPW)], semW)
    pltpu.sync_copy(idxg, ig_h.at[b, pl.ds(qb, _QPW)])

    def xyzg(i, carry):
        idxv = idxg[i]
        qx = _splat(qflat, 3 * i)
        qy = _splat(qflat, 3 * i + 1)
        qz = _splat(qflat, 3 * i + 2)
        gx = plsc.load_gather(pxv, [idxv]) - qx
        gy = plsc.load_gather(pyv, [idxv]) - qy
        gz = plsc.load_gather(pzv, [idxv]) - qz
        gxx[i] = gx
        gxy[i] = gy
        gxz[i] = gz
        thr = jnp.float32(100000.0)
        zero = jnp.float32(0.0)
        rad = jnp.float32(_RADIUS)
        xfx[i] = jnp.where(gx > thr, zero, gx) / rad
        xfy[i] = jnp.where(gy > thr, zero, gy) / rad
        xfz[i] = jnp.where(gz > thr, zero, gz) / rad
        return carry

    lax.fori_loop(0, _QPW, xyzg, jnp.int32(0), unroll=2)
    qsl = pl.ds(qb, _QPW)
    pltpu.async_copy(gxx, gx_h.at[b, 0, qsl], semW)
    pltpu.async_copy(gxy, gx_h.at[b, 1, qsl], semW)
    pltpu.async_copy(gxz, gx_h.at[b, 2, qsl], semW)
    for r in range(4):
        pltpu.async_copy(xfx, nf_h.at[b, 0, r, qsl], semW)
        pltpu.async_copy(xfy, nf_h.at[b, 1, r, qsl], semW)
        pltpu.async_copy(xfz, nf_h.at[b, 2, r, qsl], semW)

    plsc.subcore_barrier()
    pltpu.sync_copy(ig_h.at[b, pl.ds(qbp, _QPW)], idxg2)

    def gq(plane, stage, iref):
        def qloop(i, c2):
            stage[i] = plsc.load_gather(plane, [iref[i]])
            return c2
        lax.fori_loop(0, _QPW, qloop, jnp.int32(0), unroll=4)

    pbase = (sid % 2) * _HALF

    def _nf_dst(p, qoff):
        return nf_h.at[b, 3 + p // 4, p % 4, pl.ds(qoff, _QPW)]

    def _pl_src(p):
        return f_h.at[b, p]

    npair = _HALF // 2
    pltpu.async_copy(_pl_src(pbase), planeA.at[pl.ds(0, _N)], semLA)

    def pair(j, carry):
        p = pbase + j * 2
        pltpu.make_async_copy(_pl_src(p), planeA.at[pl.ds(0, _N)],
                              semLA).wait()
        pltpu.async_copy(_pl_src(p + 1), planeB.at[pl.ds(0, _N)], semLB)

        @pl.when(j > 0)
        def _():
            pltpu.make_async_copy(stA, _nf_dst(p - 2, qb), semSA).wait()
            pltpu.make_async_copy(stA2, _nf_dst(p - 2, qbp), semSA).wait()

        gq(planeA, stA, idxg)
        gq(planeA, stA2, idxg2)
        pltpu.async_copy(stA, _nf_dst(p, qb), semSA)
        pltpu.async_copy(stA2, _nf_dst(p, qbp), semSA)

        pltpu.make_async_copy(_pl_src(p + 1), planeB.at[pl.ds(0, _N)],
                              semLB).wait()

        @pl.when(j + 1 < npair)
        def _():
            pltpu.async_copy(_pl_src(p + 2), planeA.at[pl.ds(0, _N)], semLA)

        @pl.when(j > 0)
        def _():
            pltpu.make_async_copy(stB, _nf_dst(p - 1, qb), semSB).wait()
            pltpu.make_async_copy(stB2, _nf_dst(p - 1, qbp), semSB).wait()

        gq(planeB, stB, idxg)
        gq(planeB, stB2, idxg2)
        pltpu.async_copy(stB, _nf_dst(p + 1, qb), semSB)
        pltpu.async_copy(stB2, _nf_dst(p + 1, qbp), semSB)
        return carry

    lax.fori_loop(0, npair, pair, jnp.int32(0))

    plast = pbase + _HALF - 2
    pltpu.make_async_copy(stA, _nf_dst(plast, qb), semSA).wait()
    pltpu.make_async_copy(stA2, _nf_dst(plast, qbp), semSA).wait()
    pltpu.make_async_copy(stB, _nf_dst(plast + 1, qb), semSB).wait()
    pltpu.make_async_copy(stB2, _nf_dst(plast + 1, qbp), semSB).wait()
    pltpu.make_async_copy(bqs, bq_h.at[b, pl.ds(qb, _QPW)], semW).wait()
    pltpu.make_async_copy(gxx, gx_h.at[b, 0, qsl], semW).wait()
    pltpu.make_async_copy(gxy, gx_h.at[b, 1, qsl], semW).wait()
    pltpu.make_async_copy(gxz, gx_h.at[b, 2, qsl], semW).wait()
    for r in range(4):
        pltpu.make_async_copy(xfx, nf_h.at[b, 0, r, qsl], semW).wait()
        pltpu.make_async_copy(xfy, nf_h.at[b, 1, r, qsl], semW).wait()
        pltpu.make_async_copy(xfz, nf_h.at[b, 2, r, qsl], semW).wait()


def kernel(xyz, new_xyz, features):
    B, N, _ = xyz.shape
    pts = xyz.reshape(B, N * 3)
    qs = new_xyz.reshape(B, _NQ * 3)
    feats = features.reshape(B, _CR, N)

    mesh = plsc.VectorSubcoreMesh(
        core_axis_name="c", subcore_axis_name="s",
        num_cores=_NC, num_subcores=_NSUB)

    f32 = jnp.float32
    out_type = (
        jax.ShapeDtypeStruct((B, 35, 4, _NQ, _NSAMPLE), f32),
        jax.ShapeDtypeStruct((B, 3, _NQ, _NSAMPLE), f32),
        jax.ShapeDtypeStruct((B, _NQ, _NSAMPLE), jnp.int32),
        jax.ShapeDtypeStruct((B, _NQ, _NSAMPLE), jnp.int32),
    )
    scratch_types = [
        pltpu.VMEM((N * 3,), f32),
        pltpu.VMEM((N + _L,), f32),
        pltpu.VMEM((N + _L,), f32),
        pltpu.VMEM((N + _L,), f32),
        pltpu.VMEM((_QPW * 3,), f32),
        pltpu.VMEM((_QPW, _L), jnp.int32),
        pltpu.VMEM((_QPW, _L), jnp.int32),
        pltpu.VMEM((160,), jnp.int32),
        pltpu.VMEM((_QPW, _L), jnp.int32),
        pltpu.VMEM((N + _L,), f32),
        pltpu.VMEM((N + _L,), f32),
        pltpu.VMEM((_QPW, _L), f32),
        pltpu.VMEM((_QPW, _L), f32),
        pltpu.VMEM((_QPW, _L), f32),
        pltpu.VMEM((_QPW, _L), f32),
        pltpu.SemaphoreType.DMA,
        pltpu.SemaphoreType.DMA,
        pltpu.SemaphoreType.DMA,
        pltpu.SemaphoreType.DMA,
        pltpu.SemaphoreType.DMA,
        pltpu.VMEM((_QPW, _L), f32),
        pltpu.VMEM((_QPW, _L), f32),
        pltpu.VMEM((_QPW, _L), f32),
        pltpu.VMEM((_QPW, _L), f32),
        pltpu.VMEM((_QPW, _L), f32),
        pltpu.VMEM((_QPW, _L), f32),
    ]
    run = pl.kernel(_body, out_type=out_type, mesh=mesh,
                    scratch_types=scratch_types,
                    compiler_params=pltpu.CompilerParams(
                        needs_layout_passes=False,
                        use_tc_tiling_on_sc=False))
    nf, gx, bq, _ = run(pts, qs, feats)
    return (nf, gx, bq)

# --- scband reference (transcript-rebuilt; emitter-appended) ---
"""Pipeline reference for scband-query-and-group-equiv-38044820308019 (READ-ONLY COPY).

The authoritative reference and input builder live on the scoring server;
editing this copy changes nothing except your own understanding.
"""

import jax, jax.numpy as jnp
import numpy as np

RADIUS = 0.2
NSAMPLE = 16
USE_XYZ = True


def ball_query(radius, nsample, xyz, new_xyz):
    # xyz: (B, N, 3), new_xyz: (B, Np, 3) -> idx: (B, Np, nsample) int
    B, N, _ = xyz.shape
    d2 = jnp.sum((new_xyz[:, :, None, :] - xyz[:, None, :, :]) ** 2, axis=-1)  # (B, Np, N)
    mask = d2 < (radius * radius)
    cand = jnp.where(mask, jnp.arange(N, dtype=jnp.int32)[None, None, :], N)
    srt = jnp.sort(cand, axis=-1)[:, :, :nsample]  # first nsample in-ball indices, N = sentinel
    first = srt[:, :, 0:1]
    first_valid = jnp.where(first == N, 0, first)  # CUDA bq leaves zeros when no point in ball
    idx = jnp.where(srt == N, first_valid, srt)    # pad missing slots with first found index
    return idx


def setup_inputs(seed: int = 0):
    key = jax.random.key(seed)
    k1, k2, k3 = jax.random.split(key, 3)
    xyz = jax.random.uniform(k1, (2, 8192, 3), dtype=jnp.float32)
    new_xyz = jax.random.uniform(k2, (2, 2048, 3), dtype=jnp.float32)
    features = jax.random.normal(k3, (2, 32, 4, 8192), dtype=jnp.float32)
    return {"xyz": xyz, "new_xyz": new_xyz, "features": features}


def reference(xyz, new_xyz, features):
    radius, nsample = RADIUS, NSAMPLE
    idx = ball_query(radius, nsample, xyz, new_xyz)  # (B, Np, Nnb)
    bq_idx = idx
    N = xyz.shape[1]
    # mark duplicate padded indices (equal to slot-0 index) and redirect them to shadow point N
    first_idxs = idx[:, :, 0:1]
    idx_zeroed = idx - first_idxs
    dup = (idx_zeroed == 0)
    dup = dup.at[:, :, 0].set(False)
    idx_g = jnp.where(dup, N, idx)
    # append shadow xyz point at index N
    shadow_xyz = 1000000.0 * jnp.ones_like(xyz[:, 0:1, :])
    xyz_cat = jnp.concatenate([xyz, shadow_xyz], axis=1)  # (B, N+1, 3)
    grouped_xyz = jax.vmap(lambda pts, ii: pts[ii])(xyz_cat, idx_g)  # (B, Np, Nnb, 3)
    grouped_xyz = jnp.transpose(grouped_xyz, (0, 3, 1, 2))  # (B, 3, Np, Nnb)
    grouped_xyz = grouped_xyz - jnp.transpose(new_xyz, (0, 2, 1))[..., None]
    # append shadow (zero) feature at index N
    shadow_features = jnp.zeros_like(features[..., 0:1])
    feats = jnp.concatenate([features, shadow_features], axis=-1)  # (B, C, Nr, N+1)
    B, C, Nr, N1 = feats.shape
    Np, Nnb = idx_g.shape[1], idx_g.shape[2]
    feats_flat = feats.reshape(B, C * Nr, N1)
    feats_t = jnp.transpose(feats_flat, (0, 2, 1))  # (B, N+1, C*Nr)
    grouped_features = jax.vmap(lambda f, ii: f[ii])(feats_t, idx_g)  # (B, Np, Nnb, C*Nr)
    grouped_features = jnp.transpose(grouped_features, (0, 3, 1, 2)).reshape(B, C, Nr, Np, Nnb)
    if USE_XYZ:
        xyz_feature = jnp.where(grouped_xyz > 100000.0, 0.0, grouped_xyz)
        xyz_feature = xyz_feature / radius
        xyz_feature = jnp.broadcast_to(xyz_feature[:, :, None, :, :], (B, 3, Nr, Np, Nnb))
        new_features = jnp.concatenate([xyz_feature, grouped_features], axis=1)
    else:
        new_features = grouped_features
    return (new_features, grouped_xyz, bq_idx)

if __name__ == "__main__":
    import jax
    _d = setup_inputs()
    print(jax.jit(kernel)(*tuple(_d.values())))

</pallas_src>

<mosaic_0001>
#map = affine_map<(d0, d1) -> (0, 0)>
#map1 = affine_map<(d0, d1) -> (0, 0, 0)>
#map2 = affine_map<(d0, d1) -> (0, 0, 0, 0, 0)>
#map3 = affine_map<(d0, d1) -> (0, 0, 0, 0)>
module attributes {stable_mosaic.version = 14 : i64} {
  func.func @_body(%arg0: i32, %arg1: i32, %arg2: memref<2x24576xf32, #tpu.memory_space<hbm>>, %arg3: memref<2x6144xf32, #tpu.memory_space<hbm>>, %arg4: memref<2x128x8192xf32, #tpu.memory_space<hbm>>, %arg5: memref<2x35x4x2048x16xf32, #tpu.memory_space<hbm>>, %arg6: memref<2x3x2048x16xf32, #tpu.memory_space<hbm>>, %arg7: memref<2x2048x16xi32, #tpu.memory_space<hbm>>, %arg8: memref<2x2048x16xi32, #tpu.memory_space<hbm>>, %arg9: memref<24576xf32, #tpu.memory_space<vmem>>, %arg10: memref<8208xf32, #tpu.memory_space<vmem>>, %arg11: memref<8208xf32, #tpu.memory_space<vmem>>, %arg12: memref<8208xf32, #tpu.memory_space<vmem>>, %arg13: memref<384xf32, #tpu.memory_space<vmem>>, %arg14: memref<128x16xi32, #tpu.memory_space<vmem>>, %arg15: memref<128x16xi32, #tpu.memory_space<vmem>>, %arg16: memref<160xi32, #tpu.memory_space<vmem>>, %arg17: memref<128x16xi32, #tpu.memory_space<vmem>>, %arg18: memref<8208xf32, #tpu.memory_space<vmem>>, %arg19: memref<8208xf32, #tpu.memory_space<vmem>>, %arg20: memref<128x16xf32, #tpu.memory_space<vmem>>, %arg21: memref<128x16xf32, #tpu.memory_space<vmem>>, %arg22: memref<128x16xf32, #tpu.memory_space<vmem>>, %arg23: memref<128x16xf32, #tpu.memory_space<vmem>>, %arg24: memref<!tpu.dma_semaphore, #tpu.memory_space<semaphore_mem>>, %arg25: memref<!tpu.dma_semaphore, #tpu.memory_space<semaphore_mem>>, %arg26: memref<!tpu.dma_semaphore, #tpu.memory_space<semaphore_mem>>, %arg27: memref<!tpu.dma_semaphore, #tpu.memory_space<semaphore_mem>>, %arg28: memref<!tpu.dma_semaphore, #tpu.memory_space<semaphore_mem>>, %arg29: memref<128x16xf32, #tpu.memory_space<vmem>>, %arg30: memref<128x16xf32, #tpu.memory_space<vmem>>, %arg31: memref<128x16xf32, #tpu.memory_space<vmem>>, %arg32: memref<128x16xf32, #tpu.memory_space<vmem>>, %arg33: memref<128x16xf32, #tpu.memory_space<vmem>>, %arg34: memref<128x16xf32, #tpu.memory_space<vmem>>) attributes {dimension_semantics = [#tpu.dimension_semantics<core_parallel>, #tpu.dimension_semantics<subcore_parallel>], iteration_bounds = array<i64: 2, 16>, scalar_prefetch = 0 : i64, scratch_operands = 26 : i64, tpu.core_type = #tpu.core_type<sc_vector_subcore>, window_params = [{transform_indices = #map}, {transform_indices = #map}, {transform_indices = #map1}, {transform_indices = #map2}, {transform_indices = #map3}, {transform_indices = #map1}, {transform_indices = #map1}]} {
    %mul3A = arith.constant 2 : i32
    %mul3A_0 = arith.muli %arg1, %mul3A : i32
    %add3A = arith.addi %mul3A_0, %arg0 : i32
    %mul3A_1 = arith.constant 128 : i32
    %mul3A_2 = arith.muli %add3A, %mul3A_1 : i32
    %jit3A = arith.constant 2048 : i32
    %div3A = arith.divsi %mul3A_2, %jit3A : i32
    %sign3A = arith.constant 0 : i32
    %sign3A_3 = arith.cmpi sgt, %mul3A_2, %sign3A : i32
    %sign3A_4 = arith.extui %sign3A_3 : i1 to i32
    %sign3A_5 = arith.constant 0 : i32
    %sign3A_6 = arith.cmpi slt, %mul3A_2, %sign3A_5 : i32
    %sign3A_7 = arith.extui %sign3A_6 : i1 to i32
    %sign3A_8 = arith.subi %sign3A_4, %sign3A_7 : i32
    %sign3A_9 = arith.constant 0 : i32
    %sign3A_10 = arith.cmpi sgt, %jit3A, %sign3A_9 : i32
    %sign3A_11 = arith.extui %sign3A_10 : i1 to i32
    %sign3A_12 = arith.constant 0 : i32
    %sign3A_13 = arith.cmpi slt, %jit3A, %sign3A_12 : i32
    %sign3A_14 = arith.extui %sign3A_13 : i1 to i32
    %sign3A_15 = arith.subi %sign3A_11, %sign3A_14 : i32
    %ne3A = arith.cmpi ne, %sign3A_8, %sign3A_15 : i32
    %rem3A = arith.remsi %mul3A_2, %jit3A : i32
    %ne3A_16 = arith.constant 0 : i32
    %ne3A_17 = arith.cmpi ne, %rem3A, %ne3A_16 : i32
    %and3A = arith.andi %ne3A, %ne3A_17 : i1
    %sub3A = arith.constant 1 : i32
    %sub3A_18 = arith.subi %div3A, %sub3A : i32
    %select_n3A = arith.select %and3A, %sub3A_18, %div3A : i32
    %mul3A_19 = arith.constant 2048 : i32
    %mul3A_20 = arith.muli %select_n3A, %mul3A_19 : i32
    %sub3A_21 = arith.subi %mul3A_2, %mul3A_20 : i32
    %xor3A = arith.constant 1 : i32
    %xor3A_22 = arith.xori %arg1, %xor3A : i32
    %mul3A_23 = arith.constant 2 : i32
    %mul3A_24 = arith.muli %xor3A_22, %mul3A_23 : i32
    %add3A_25 = arith.addi %mul3A_24, %arg0 : i32
    %mul3A_26 = arith.constant 128 : i32
    %mul3A_27 = arith.muli %add3A_25, %mul3A_26 : i32
    %mul3A_28 = arith.constant 2048 : i32
    %mul3A_29 = arith.muli %select_n3A, %mul3A_28 : i32
    %sub3A_30 = arith.subi %mul3A_27, %mul3A_29 : i32
    "tpu.region"() ({
      %run_scoped3A = tpu.sem_alloc : memref<!tpu.dma_semaphore, #tpu.memory_space<semaphore_mem>>
      %dma_start3A_539 = arith.constant 0 : i32
      %dma_start3A_540 = tpu.memref_slice %arg2[%select_n3A, %dma_start3A_539] : memref<2x24576xf32, #tpu.memory_space<hbm>> -> memref<1x24576xf32, #tpu.memory_space<hbm>>
      %dma_start3A_541 = tpu.memref_squeeze %dma_start3A_540 : memref<1x24576xf32, #tpu.memory_space<hbm>> -> memref<24576xf32, #tpu.memory_space<hbm>>
      %dma_start3A_542 = arith.constant 0 : i32
      %dma_start3A_543 = tpu.memref_slice %arg2[%select_n3A, %dma_start3A_542] : memref<2x24576xf32, #tpu.memory_space<hbm>> -> memref<1x24576xf32, #tpu.memory_space<hbm>>
      %dma_start3A_544 = tpu.memref_squeeze %dma_start3A_543 : memref<1x24576xf32, #tpu.memory_space<hbm>> -> memref<24576xf32, #tpu.memory_space<hbm>>
      tpu.enqueue_dma source(%dma_start3A_544 : memref<24576xf32, #tpu.memory_space<hbm>>) target(%arg9 : memref<24576xf32, #tpu.memory_space<vmem>>) target_semaphore(%run_scoped3A : memref<!tpu.dma_semaphore, #tpu.memory_space<semaphore_mem>>)
      %dma_wait3A_545 = arith.constant 0 : i32
      %dma_wait3A_546 = tpu.memref_slice %arg2[%select_n3A, %dma_wait3A_545] : memref<2x24576xf32, #tpu.memory_space<hbm>> -> memref<1x24576xf32, #tpu.memory_space<hbm>>
      %dma_wait3A_547 = tpu.memref_squeeze %dma_wait3A_546 : memref<1x24576xf32, #tpu.memory_space<hbm>> -> memref<24576xf32, #tpu.memory_space<hbm>>
      %dma_wait3A_548 = arith.constant 0 : i32
      %dma_wait3A_549 = tpu.memref_slice %arg2[%select_n3A, %dma_wait3A_548] : memref<2x24576xf32, #tpu.memory_space<hbm>> -> memref<1x24576xf32, #tpu.memory_space<hbm>>
      %dma_wait3A_550 = tpu.memref_squeeze %dma_wait3A_549 : memref<1x24576xf32, #tpu.memory_space<hbm>> -> memref<24576xf32, #tpu.memory_space<hbm>>
      tpu.wait_dma2 semaphore(%run_scoped3A : memref<!tpu.dma_semaphore, #tpu.memory_space<semaphore_mem>>) src(%dma_wait3A_550 : memref<24576xf32, #tpu.memory_space<hbm>>) dst(%arg9 : memref<24576xf32, #tpu.memory_space<vmem>>)
      tpu.yield
    }) : () -> ()
    %mul3A_31 = arith.constant 3 : i32
    %mul3A_32 = arith.muli %sub3A_21, %mul3A_31 : i32
    "tpu.region"() ({
      %run_scoped3A = tpu.sem_alloc : memref<!tpu.dma_semaphore, #tpu.memory_space<semaphore_mem>>
      %dma_start3A_539 = tpu.memref_slice %arg3[%select_n3A, %mul3A_32] : memref<2x6144xf32, #tpu.memory_space<hbm>> -> memref<1x384xf32, #tpu.memory_space<hbm>>
      %dma_start3A_540 = tpu.memref_squeeze %dma_start3A_539 : memref<1x384xf32, #tpu.memory_space<hbm>> -> memref<384xf32, #tpu.memory_space<hbm>>
      %dma_start3A_541 = tpu.memref_slice %arg3[%select_n3A, %mul3A_32] : memref<2x6144xf32, #tpu.memory_space<hbm>> -> memref<1x384xf32, #tpu.memory_space<hbm>>
      %dma_start3A_542 = tpu.memref_squeeze %dma_start3A_541 : memref<1x384xf32, #tpu.memory_space<hbm>> -> memref<384xf32, #tpu.memory_space<hbm>>
      tpu.enqueue_dma source(%dma_start3A_542 : memref<384xf32, #tpu.memory_space<hbm>>) target(%arg13 : memref<384xf32, #tpu.memory_space<vmem>>) target_semaphore(%run_scoped3A : memref<!tpu.dma_semaphore, #tpu.memory_space<semaphore_mem>>)
      %dma_wait3A_543 = tpu.memref_slice %arg3[%select_n3A, %mul3A_32] : memref<2x6144xf32, #tpu.memory_space<hbm>> -> memref<1x384xf32, #tpu.memory_space<hbm>>
      %dma_wait3A_544 = tpu.memref_squeeze %dma_wait3A_543 : memref<1x384xf32, #tpu.memory_space<hbm>> -> memref<384xf32, #tpu.memory_space<hbm>>
      %dma_wait3A_545 = tpu.memref_slice %arg3[%select_n3A, %mul3A_32] : memref<2x6144xf32, #tpu.memory_space<hbm>> -> memref<1x384xf32, #tpu.memory_space<hbm>>
      %dma_wait3A_546 = tpu.memref_squeeze %dma_wait3A_545 : memref<1x384xf32, #tpu.memory_space<hbm>> -> memref<384xf32, #tpu.memory_space<hbm>>
      tpu.wait_dma2 semaphore(%run_scoped3A : memref<!tpu.dma_semaphore, #tpu.memory_space<semaphore_mem>>) src(%dma_wait3A_546 : memref<384xf32, #tpu.memory_space<hbm>>) dst(%arg13 : memref<384xf32, #tpu.memory_space<vmem>>)
      tpu.yield
    }) : () -> ()
    %iota3A = tpu.iota {dimensions = array<i32: 0>} : vector<16xi32>
    %scan3A = arith.constant 0 : i32
    %scan3A_33 = arith.constant 0 : i32
    %scan3A_34 = arith.constant 512 : i32
    %scan3A_35 = arith.addi %scan3A_33, %scan3A_34 : i32
    %scan3A_36 = arith.constant 4 : i32
    scf.for %scan3A_539 = %scan3A_33 to %scan3A_35 step %scan3A_36  : i32 {
      %mul3A_540 = arith.constant 16 : i32
      %mul3A_541 = arith.muli %scan3A_539, %mul3A_540 : i32
      %add3A_542 = vector.broadcast %mul3A_541 : i32 to vector<16xi32>
      %add3A_543 = arith.addi %iota3A, %add3A_542 : vector<16xi32>
      %mul3A_544 = arith.constant 3 : i32
      %mul3A_545 = vector.broadcast %mul3A_544 : i32 to vector<16xi32>
      %mul3A_546 = arith.muli %add3A_543, %mul3A_545 : vector<16xi32>
      %gather3A = tpu.vector_load_idx %arg9[%mul3A_546] : memref<24576xf32, #tpu.memory_space<vmem>>[vector<16xi32>], vector<16xf32>,
      %swap3A_547 = arith.index_cast %mul3A_541 : i32 to index
      %swap3A_548 = tpu.vector_load %arg10[%swap3A_547] {strides = array<i32>} : memref<8208xf32, #tpu.memory_space<vmem>>, vector<16xf32>,
      tpu.vector_store %arg10[%swap3A_547], %gather3A {strides = array<i32>} : memref<8208xf32, #tpu.memory_space<vmem>>, vector<16xf32>,
      %add3A_549 = arith.constant 1 : i32
      %add3A_550 = vector.broadcast %add3A_549 : i32 to vector<16xi32>
      %add3A_551 = arith.addi %mul3A_546, %add3A_550 : vector<16xi32>
      %gather3A_552 = tpu.vector_load_idx %arg9[%add3A_551] : memref<24576xf32, #tpu.memory_space<vmem>>[vector<16xi32>], vector<16xf32>,
      %swap3A_553 = arith.index_cast %mul3A_541 : i32 to index
      %swap3A_554 = tpu.vector_load %arg11[%swap3A_553] {strides = array<i32>} : memref<8208xf32, #tpu.memory_space<vmem>>, vector<16xf32>,
      tpu.vector_store %arg11[%swap3A_553], %gather3A_552 {strides = array<i32>} : memref<8208xf32, #tpu.memory_space<vmem>>, vector<16xf32>,
      %add3A_555 = arith.constant 2 : i32
      %add3A_556 = vector.broadcast %add3A_555 : i32 to vector<16xi32>
      %add3A_557 = arith.addi %mul3A_546, %add3A_556 : vector<16xi32>
      %gather3A_558 = tpu.vector_load_idx %arg9[%add3A_557] : memref<24576xf32, #tpu.memory_space<vmem>>[vector<16xi32>], vector<16xf32>,
      %swap3A_559 = arith.index_cast %mul3A_541 : i32 to index
      %swap3A_560 = tpu.vector_load %arg12[%swap3A_559] {strides = array<i32>} : memref<8208xf32, #tpu.memory_space<vmem>>, vector<16xf32>,
      tpu.vector_store %arg12[%swap3A_559], %gather3A_558 {strides = array<i32>} : memref<8208xf32, #tpu.memory_space<vmem>>, vector<16xf32>,
      %scan3A_561 = arith.constant 1 : i32
      %scan3A_562 = arith.addi %scan3A_539, %scan3A_561 : i32
      %mul3A_563 = arith.constant 16 : i32
      %mul3A_564 = arith.muli %scan3A_562, %mul3A_563 : i32
      %add3A_565 = vector.broadcast %mul3A_564 : i32 to vector<16xi32>
      %add3A_566 = arith.addi %iota3A, %add3A_565 : vector<16xi32>
      %mul3A_567 = arith.constant 3 : i32
      %mul3A_568 = vector.broadcast %mul3A_567 : i32 to vector<16xi32>
      %mul3A_569 = arith.muli %add3A_566, %mul3A_568 : vector<16xi32>
      %gather3A_570 = tpu.vector_load_idx %arg9[%mul3A_569] : memref<24576xf32, #tpu.memory_space<vmem>>[vector<16xi32>], vector<16xf32>,
      %swap3A_571 = arith.index_cast %mul3A_564 : i32 to index
      %swap3A_572 = tpu.vector_load %arg10[%swap3A_571] {strides = array<i32>} : memref<8208xf32, #tpu.memory_space<vmem>>, vector<16xf32>,
      tpu.vector_store %arg10[%swap3A_571], %gather3A_570 {strides = array<i32>} : memref<8208xf32, #tpu.memory_space<vmem>>, vector<16xf32>,
      %add3A_573 = arith.constant 1 : i32
      %add3A_574 = vector.broadcast %add3A_573 : i32 to vector<16xi32>
      %add3A_575 = arith.addi %mul3A_569, %add3A_574 : vector<16xi32>
      %gather3A_576 = tpu.vector_load_idx %arg9[%add3A_575] : memref<24576xf32, #tpu.memory_space<vmem>>[vector<16xi32>], vector<16xf32>,
      %swap3A_577 = arith.index_cast %mul3A_564 : i32 to index
      %swap3A_578 = tpu.vector_load %arg11[%swap3A_577] {strides = array<i32>} : memref<8208xf32, #tpu.memory_space<vmem>>, vector<16xf32>,
      tpu.vector_store %arg11[%swap3A_577], %gather3A_576 {strides = array<i32>} : memref<8208xf32, #tpu.memory_space<vmem>>, vector<16xf32>,
      %add3A_579 = arith.constant 2 : i32
      %add3A_580 = vector.broadcast %add3A_579 : i32 to vector<16xi32>
      %add3A_581 = arith.addi %mul3A_569, %add3A_580 : vector<16xi32>
      %gather3A_582 = tpu.vector_load_idx %arg9[%add3A_581] : memref<24576xf32, #tpu.memory_space<vmem>>[vector<16xi32>], vector<16xf32>,
      %swap3A_583 = arith.index_cast %mul3A_564 : i32 to index
      %swap3A_584 = tpu.vector_load %arg12[%swap3A_583] {strides = array<i32>} : memref<8208xf32, #tpu.memory_space<vmem>>, vector<16xf32>,
      tpu.vector_store %arg12[%swap3A_583], %gather3A_582 {strides = array<i32>} : memref<8208xf32, #tpu.memory_space<vmem>>, vector<16xf32>,
      %scan3A_585 = arith.constant 2 : i32
      %scan3A_586 = arith.addi %scan3A_539, %scan3A_585 : i32
      %mul3A_587 = arith.constant 16 : i32
      %mul3A_588 = arith.muli %scan3A_586, %mul3A_587 : i32
      %add3A_589 = vector.broadcast %mul3A_588 : i32 to vector<16xi32>
      %add3A_590 = arith.addi %iota3A, %add3A_589 : vector<16xi32>
      %mul3A_591 = arith.constant 3 : i32
      %mul3A_592 = vector.broadcast %mul3A_591 : i32 to vector<16xi32>
      %mul3A_593 = arith.muli %add3A_590, %mul3A_592 : vector<16xi32>
      %gather3A_594 = tpu.vector_load_idx %arg9[%mul3A_593] : memref<24576xf32, #tpu.memory_space<vmem>>[vector<16xi32>], vector<16xf32>,
      %swap3A_595 = arith.index_cast %mul3A_588 : i32 to index
      %swap3A_596 = tpu.vector_load %arg10[%swap3A_595] {strides = array<i32>} : memref<8208xf32, #tpu.memory_space<vmem>>, vector<16xf32>,
      tpu.vector_store %arg10[%swap3A_595], %gather3A_594 {strides = array<i32>} : memref<8208xf32, #tpu.memory_space<vmem>>, vector<16xf32>,
      %add3A_597 = arith.constant 1 : i32
      %add3A_598 = vector.broadcast %add3A_597 : i32 to vector<16xi32>
      %add3A_599 = arith.addi %mul3A_593, %add3A_598 : vector<16xi32>
      %gather3A_600 = tpu.vector_load_idx %arg9[%add3A_599] : memref<24576xf32, #tpu.memory_space<vmem>>[vector<16xi32>], vector<16xf32>,
      %swap3A_601 = arith.index_cast %mul3A_588 : i32 to index
      %swap3A_602 = tpu.vector_load %arg11[%swap3A_601] {strides = array<i32>} : memref<8208xf32, #tpu.memory_space<vmem>>, vector<16xf32>,
      tpu.vector_store %arg11[%swap3A_601], %gather3A_600 {strides = array<i32>} : memref<8208xf32, #tpu.memory_space<vmem>>, vector<16xf32>,
      %add3A_603 = arith.constant 2 : i32
      %add3A_604 = vector.broadcast %add3A_603 : i32 to vector<16xi32>
      %add3A_605 = arith.addi %mul3A_593, %add3A_604 : vector<16xi32>
      %gather3A_606 = tpu.vector_load_idx %arg9[%add3A_605] : memref<24576xf32, #tpu.memory_space<vmem>>[vector<16xi32>], vector<16xf32>,
      %swap3A_607 = arith.index_cast %mul3A_588 : i32 to index
      %swap3A_608 = tpu.vector_load %arg12[%swap3A_607] {strides = array<i32>} : memref<8208xf32, #tpu.memory_space<vmem>>, vector<16xf32>,
      tpu.vector_store %arg12[%swap3A_607], %gather3A_606 {strides = array<i32>} : memref<8208xf32, #tpu.memory_space<vmem>>, vector<16xf32>,
      %scan3A_609 = arith.constant 3 : i32
      %scan3A_610 = arith.addi %scan3A_539, %scan3A_609 : i32
      %mul3A_611 = arith.constant 16 : i32
      %mul3A_612 = arith.muli %scan3A_610, %mul3A_611 : i32
      %add3A_613 = vector.broadcast %mul3A_612 : i32 to vector<16xi32>
      %add3A_614 = arith.addi %iota3A, %add3A_613 : vector<16xi32>
      %mul3A_615 = arith.constant 3 : i32
      %mul3A_616 = vector.broadcast %mul3A_615 : i32 to vector<16xi32>
      %mul3A_617 = arith.muli %add3A_614, %mul3A_616 : vector<16xi32>
      %gather3A_618 = tpu.vector_load_idx %arg9[%mul3A_617] : memref<24576xf32, #tpu.memory_space<vmem>>[vector<16xi32>], vector<16xf32>,
      %swap3A_619 = arith.index_cast %mul3A_612 : i32 to index
      %swap3A_620 = tpu.vector_load %arg10[%swap3A_619] {strides = array<i32>} : memref<8208xf32, #tpu.memory_space<vmem>>, vector<16xf32>,
      tpu.vector_store %arg10[%swap3A_619], %gather3A_618 {strides = array<i32>} : memref<8208xf32, #tpu.memory_space<vmem>>, vector<16xf32>,
      %add3A_621 = arith.constant 1 : i32
      %add3A_622 = vector.broadcast %add3A_621 : i32 to vector<16xi32>
      %add3A_623 = arith.addi %mul3A_617, %add3A_622 : vector<16xi32>
      %gather3A_624 = tpu.vector_load_idx %arg9[%add3A_623] : memref<24576xf32, #tpu.memory_space<vmem>>[vector<16xi32>], vector<16xf32>,
      %swap3A_625 = arith.index_cast %mul3A_612 : i32 to index
      %swap3A_626 = tpu.vector_load %arg11[%swap3A_625] {strides = array<i32>} : memref<8208xf32, #tpu.memory_space<vmem>>, vector<16xf32>,
      tpu.vector_store %arg11[%swap3A_625], %gather3A_624 {strides = array<i32>} : memref<8208xf32, #tpu.memory_space<vmem>>, vector<16xf32>,
      %add3A_627 = arith.constant 2 : i32
      %add3A_628 = vector.broadcast %add3A_627 : i32 to vector<16xi32>
      %add3A_629 = arith.addi %mul3A_617, %add3A_628 : vector<16xi32>
      %gather3A_630 = tpu.vector_load_idx %arg9[%add3A_629] : memref<24576xf32, #tpu.memory_space<vmem>>[vector<16xi32>], vector<16xf32>,
      %swap3A_631 = arith.index_cast %mul3A_612 : i32 to index
      %swap3A_632 = tpu.vector_load %arg12[%swap3A_631] {strides = array<i32>} : memref<8208xf32, #tpu.memory_space<vmem>>, vector<16xf32>,
      tpu.vector_store %arg12[%swap3A_631], %gather3A_630 {strides = array<i32>} : memref<8208xf32, #tpu.memory_space<vmem>>, vector<16xf32>,
    }
    %scan3A_37 = arith.constant 512 : i32
    %broadcast_in_dim3A = arith.constant 1.000000e+06 : f32
    %broadcast_in_dim3A_38 = vector.broadcast %broadcast_in_dim3A : f32 to vector<16xf32>
    %swap3A = arith.constant 8192 : index
    %swap3A_39 = tpu.vector_load %arg10[%swap3A] {strides = array<i32>} : memref<8208xf32, #tpu.memory_space<vmem>>, vector<16xf32>,
    tpu.vector_store %arg10[%swap3A], %broadcast_in_dim3A_38 {strides = array<i32>} : memref<8208xf32, #tpu.memory_space<vmem>>, vector<16xf32>,
    %swap3A_40 = arith.constant 8192 : index
    %swap3A_41 = tpu.vector_load %arg11[%swap3A_40] {strides = array<i32>} : memref<8208xf32, #tpu.memory_space<vmem>>, vector<16xf32>,
    tpu.vector_store %arg11[%swap3A_40], %broadcast_in_dim3A_38 {strides = array<i32>} : memref<8208xf32, #tpu.memory_space<vmem>>, vector<16xf32>,
    %swap3A_42 = arith.constant 8192 : index
    %swap3A_43 = tpu.vector_load %arg12[%swap3A_42] {strides = array<i32>} : memref<8208xf32, #tpu.memory_space<vmem>>, vector<16xf32>,
    tpu.vector_store %arg12[%swap3A_42], %broadcast_in_dim3A_38 {strides = array<i32>} : memref<8208xf32, #tpu.memory_space<vmem>>, vector<16xf32>,
    %broadcast_in_dim3A_44 = arith.constant 0.000000e+00 : f32
    %broadcast_in_dim3A_45 = vector.broadcast %broadcast_in_dim3A_44 : f32 to vector<16xf32>
    %swap3A_46 = arith.constant 8192 : index
    %swap3A_47 = tpu.vector_load %arg18[%swap3A_46] {strides = array<i32>} : memref<8208xf32, #tpu.memory_space<vmem>>, vector<16xf32>,
    tpu.vector_store %arg18[%swap3A_46], %broadcast_in_dim3A_45 {strides = array<i32>} : memref<8208xf32, #tpu.memory_space<vmem>>, vector<16xf32>,
    %swap3A_48 = arith.constant 8192 : index
    %swap3A_49 = tpu.vector_load %arg19[%swap3A_48] {strides = array<i32>} : memref<8208xf32, #tpu.memory_space<vmem>>, vector<16xf32>,
    tpu.vector_store %arg19[%swap3A_48], %broadcast_in_dim3A_45 {strides = array<i32>} : memref<8208xf32, #tpu.memory_space<vmem>>, vector<16xf32>,
    %scan3A_50 = arith.constant 0 : i32
    %scan3A_51 = arith.constant 4.000000e-02 : f32
    %scan3A_52 = arith.constant 0 : i32
    %scan3A_53 = arith.constant 128 : i32
    %scan3A_54 = arith.addi %scan3A_52, %scan3A_53 : i32
    %scan3A_55 = arith.constant 1 : i32
    scf.for %scan3A_539 = %scan3A_52 to %scan3A_54 step %scan3A_55  : i32 {
      %mul3A_540 = arith.constant 3 : i32
      %mul3A_541 = arith.muli %mul3A_540, %scan3A_539 : i32
      %broadcast_in_dim3A_542 = vector.broadcast %mul3A_541 : i32 to vector<16xi32>
      %gather3A = tpu.vector_load_idx %arg13[%broadcast_in_dim3A_542] : memref<384xf32, #tpu.memory_space<vmem>>[vector<16xi32>], vector<16xf32>,
      %mul3A_543 = arith.constant 3 : i32
      %mul3A_544 = arith.muli %mul3A_543, %scan3A_539 : i32
      %add3A_545 = arith.constant 1 : i32
      %add3A_546 = arith.addi %mul3A_544, %add3A_545 : i32
      %broadcast_in_dim3A_547 = vector.broadcast %add3A_546 : i32 to vector<16xi32>
      %gather3A_548 = tpu.vector_load_idx %arg13[%broadcast_in_dim3A_547] : memref<384xf32, #tpu.memory_space<vmem>>[vector<16xi32>], vector<16xf32>,
      %mul3A_549 = arith.constant 3 : i32
      %mul3A_550 = arith.muli %mul3A_549, %scan3A_539 : i32
      %add3A_551 = arith.constant 2 : i32
      %add3A_552 = arith.addi %mul3A_550, %add3A_551 : i32
      %broadcast_in_dim3A_553 = vector.broadcast %add3A_552 : i32 to vector<16xi32>
      %gather3A_554 = tpu.vector_load_idx %arg13[%broadcast_in_dim3A_553] : memref<384xf32, #tpu.memory_space<vmem>>[vector<16xi32>], vector<16xf32>,
      %while3A = arith.constant 0 : i32
      %while3A_555 = arith.constant 0 : i32
      %while3A_556:2 = scf.while (%while3A_582 = %while3A, %while3A_583 = %while3A_555) : (i32, i32) -> (i32, i32) {
        %lt3A_584 = arith.constant 64 : i32
        %lt3A_585 = arith.cmpi slt, %while3A_582, %lt3A_584 : i32
        %lt3A_586 = arith.constant 16 : i32
        %lt3A_587 = arith.cmpi slt, %while3A_583, %lt3A_586 : i32
        %and3A_588 = arith.andi %lt3A_585, %lt3A_587 : i1
        scf.condition(%and3A_588) %while3A_582, %while3A_583 : i32, i32
      } do {
      ^bb0(%while3A_582: i32, %while3A_583: i32):
        %mul3A_584 = arith.constant 128 : i32
        %mul3A_585 = arith.muli %while3A_582, %mul3A_584 : i32
        %add3A_586 = arith.constant 0 : i32
        %add3A_587 = arith.addi %mul3A_585, %add3A_586 : i32
        %get3A_588 = arith.index_cast %add3A_587 : i32 to index
        %get3A_589 = tpu.vector_load %arg10[%get3A_588] {strides = array<i32>} : memref<8208xf32, #tpu.memory_space<vmem>>, vector<16xf32>,
        %get3A_590 = arith.index_cast %add3A_587 : i32 to index
        %get3A_591 = tpu.vector_load %arg11[%get3A_590] {strides = array<i32>} : memref<8208xf32, #tpu.memory_space<vmem>>, vector<16xf32>,
        %get3A_592 = arith.index_cast %add3A_587 : i32 to index
        %get3A_593 = tpu.vector_load %arg12[%get3A_592] {strides = array<i32>} : memref<8208xf32, #tpu.memory_space<vmem>>, vector<16xf32>,
        %sub3A_594 = arith.subf %gather3A, %get3A_589 : vector<16xf32>
        %sub3A_595 = arith.subf %gather3A_548, %get3A_591 : vector<16xf32>
        %sub3A_596 = arith.subf %gather3A_554, %get3A_593 : vector<16xf32>
        %mul3A_597 = arith.mulf %sub3A_594, %sub3A_594 : vector<16xf32>
        %mul3A_598 = arith.mulf %sub3A_595, %sub3A_595 : vector<16xf32>
        %add3A_599 = arith.addf %mul3A_597, %mul3A_598 : vector<16xf32>
        %mul3A_600 = arith.mulf %sub3A_596, %sub3A_596 : vector<16xf32>
        %add3A_601 = arith.addf %add3A_599, %mul3A_600 : vector<16xf32>
        %lt3A_602 = vector.broadcast %scan3A_51 : f32 to vector<16xf32>
        %lt3A_603 = arith.cmpf olt, %add3A_601, %lt3A_602 : vector<16xf32>
        %add3A_604 = vector.broadcast %add3A_587 : i32 to vector<16xi32>
        %add3A_605 = arith.addi %iota3A, %add3A_604 : vector<16xi32>
        %swap3A_606 = arith.index_cast %while3A_583 : i32 to index
        %swap3A_607 = tpu.vector_load %arg16[%swap3A_606] masked %lt3A_603 {strides = array<i32>} : memref<160xi32, #tpu.memory_space<vmem>>, vector<16xi32>, vector<16xi1>
        tpu.vector_store %arg16[%swap3A_606], %add3A_605 masked %lt3A_603 {strides = array<i32>} : memref<160xi32, #tpu.memory_space<vmem>>, vector<16xi32>, vector<16xi1>
        %all_reduce_population_count3A = tpu.all_reduce %lt3A_603 {dim = 0 : i64, kind = #tpu.reduction_kind<sum>} : vector<16xi1> -> vector<16xi32>
        %slice3A = vector.extract_strided_slice %all_reduce_population_count3A {offsets = [0], sizes = [1], strides = [1]} : vector<16xi32> to vector<1xi32>
        %squeeze3A = vector.extract %slice3A[0] : i32 from vector<1xi32>
        %add3A_608 = arith.addi %while3A_583, %squeeze3A : i32
        %add3A_609 = arith.constant 16 : i32
        %add3A_610 = arith.addi %mul3A_585, %add3A_609 : i32
        %get3A_611 = arith.index_cast %add3A_610 : i32 to index
        %get3A_612 = tpu.vector_load %arg10[%get3A_611] {strides = array<i32>} : memref<8208xf32, #tpu.memory_space<vmem>>, vector<16xf32>,
        %get3A_613 = arith.index_cast %add3A_610 : i32 to index
        %get3A_614 = tpu.vector_load %arg11[%get3A_613] {strides = array<i32>} : memref<8208xf32, #tpu.memory_space<vmem>>, vector<16xf32>,
        %get3A_615 = arith.index_cast %add3A_610 : i32 to index
        %get3A_616 = tpu.vector_load %arg12[%get3A_615] {strides = array<i32>} : memref<8208xf32, #tpu.memory_space<vmem>>, vector<16xf32>,
        %sub3A_617 = arith.subf %gather3A, %get3A_612 : vector<16xf32>
        %sub3A_618 = arith.subf %gather3A_548, %get3A_614 : vector<16xf32>
        %sub3A_619 = arith.subf %gather3A_554, %get3A_616 : vector<16xf32>
        %mul3A_620 = arith.mulf %sub3A_617, %sub3A_617 : vector<16xf32>
        %mul3A_621 = arith.mulf %sub3A_618, %sub3A_618 : vector<16xf32>
        %add3A_622 = arith.addf %mul3A_620, %mul3A_621 : vector<16xf32>
        %mul3A_623 = arith.mulf %sub3A_619, %sub3A_619 : vector<16xf32>
        %add3A_624 = arith.addf %add3A_622, %mul3A_623 : vector<16xf32>
        %lt3A_625 = vector.broadcast %scan3A_51 : f32 to vector<16xf32>
        %lt3A_626 = arith.cmpf olt, %add3A_624, %lt3A_625 : vector<16xf32>
        %add3A_627 = vector.broadcast %add3A_610 : i32 to vector<16xi32>
        %add3A_628 = arith.addi %iota3A, %add3A_627 : vector<16xi32>
        %swap3A_629 = arith.index_cast %add3A_608 : i32 to index
        %swap3A_630 = tpu.vector_load %arg16[%swap3A_629] masked %lt3A_626 {strides = array<i32>} : memref<160xi32, #tpu.memory_space<vmem>>, vector<16xi32>, vector<16xi1>
        tpu.vector_store %arg16[%swap3A_629], %add3A_628 masked %lt3A_626 {strides = array<i32>} : memref<160xi32, #tpu.memory_space<vmem>>, vector<16xi32>, vector<16xi1>
        %all_reduce_population_count3A_631 = tpu.all_reduce %lt3A_626 {dim = 0 : i64, kind = #tpu.reduction_kind<sum>} : vector<16xi1> -> vector<16xi32>
        %slice3A_632 = vector.extract_strided_slice %all_reduce_population_count3A_631 {offsets = [0], sizes = [1], strides = [1]} : vector<16xi32> to vector<1xi32>
        %squeeze3A_633 = vector.extract %slice3A_632[0] : i32 from vector<1xi32>
        %add3A_634 = arith.addi %add3A_608, %squeeze3A_633 : i32
        %add3A_635 = arith.constant 32 : i32
        %add3A_636 = arith.addi %mul3A_585, %add3A_635 : i32
        %get3A_637 = arith.index_cast %add3A_636 : i32 to index
        %get3A_638 = tpu.vector_load %arg10[%get3A_637] {strides = array<i32>} : memref<8208xf32, #tpu.memory_space<vmem>>, vector<16xf32>,
        %get3A_639 = arith.index_cast %add3A_636 : i32 to index
        %get3A_640 = tpu.vector_load %arg11[%get3A_639] {strides = array<i32>} : memref<8208xf32, #tpu.memory_space<vmem>>, vector<16xf32>,
        %get3A_641 = arith.index_cast %add3A_636 : i32 to index
        %get3A_642 = tpu.vector_load %arg12[%get3A_641] {strides = array<i32>} : memref<8208xf32, #tpu.memory_space<vmem>>, vector<16xf32>,
        %sub3A_643 = arith.subf %gather3A, %get3A_638 : vector<16xf32>
        %sub3A_644 = arith.subf %gather3A_548, %get3A_640 : vector<16xf32>
        %sub3A_645 = arith.subf %gather3A_554, %get3A_642 : vector<16xf32>
        %mul3A_646 = arith.mulf %sub3A_643, %sub3A_643 : vector<16xf32>
        %mul3A_647 = arith.mulf %sub3A_644, %sub3A_644 : vector<16xf32>
        %add3A_648 = arith.addf %mul3A_646, %mul3A_647 : vector<16xf32>
        %mul3A_649 = arith.mulf %sub3A_645, %sub3A_645 : vector<16xf32>
        %add3A_650 = arith.addf %add3A_648, %mul3A_649 : vector<16xf32>
        %lt3A_651 = vector.broadcast %scan3A_51 : f32 to vector<16xf32>
        %lt3A_652 = arith.cmpf olt, %add3A_650, %lt3A_651 : vector<16xf32>
        %add3A_653 = vector.broadcast %add3A_636 : i32 to vector<16xi32>
        %add3A_654 = arith.addi %iota3A, %add3A_653 : vector<16xi32>
        %swap3A_655 = arith.index_cast %add3A_634 : i32 to index
        %swap3A_656 = tpu.vector_load %arg16[%swap3A_655] masked %lt3A_652 {strides = array<i32>} : memref<160xi32, #tpu.memory_space<vmem>>, vector<16xi32>, vector<16xi1>
        tpu.vector_store %arg16[%swap3A_655], %add3A_654 masked %lt3A_652 {strides = array<i32>} : memref<160xi32, #tpu.memory_space<vmem>>, vector<16xi32>, vector<16xi1>
        %all_reduce_population_count3A_657 = tpu.all_reduce %lt3A_652 {dim = 0 : i64, kind = #tpu.reduction_kind<sum>} : vector<16xi1> -> vector<16xi32>
        %slice3A_658 = vector.extract_strided_slice %all_reduce_population_count3A_657 {offsets = [0], sizes = [1], strides = [1]} : vector<16xi32> to vector<1xi32>
        %squeeze3A_659 = vector.extract %slice3A_658[0] : i32 from vector<1xi32>
        %add3A_660 = arith.addi %add3A_634, %squeeze3A_659 : i32
        %add3A_661 = arith.constant 48 : i32
        %add3A_662 = arith.addi %mul3A_585, %add3A_661 : i32
        %get3A_663 = arith.index_cast %add3A_662 : i32 to index
        %get3A_664 = tpu.vector_load %arg10[%get3A_663] {strides = array<i32>} : memref<8208xf32, #tpu.memory_space<vmem>>, vector<16xf32>,
        %get3A_665 = arith.index_cast %add3A_662 : i32 to index
        %get3A_666 = tpu.vector_load %arg11[%get3A_665] {strides = array<i32>} : memref<8208xf32, #tpu.memory_space<vmem>>, vector<16xf32>,
        %get3A_667 = arith.index_cast %add3A_662 : i32 to index
        %get3A_668 = tpu.vector_load %arg12[%get3A_667] {strides = array<i32>} : memref<8208xf32, #tpu.memory_space<vmem>>, vector<16xf32>,
        %sub3A_669 = arith.subf %gather3A, %get3A_664 : vector<16xf32>
        %sub3A_670 = arith.subf %gather3A_548, %get3A_666 : vector<16xf32>
        %sub3A_671 = arith.subf %gather3A_554, %get3A_668 : vector<16xf32>
        %mul3A_672 = arith.mulf %sub3A_669, %sub3A_669 : vector<16xf32>
        %mul3A_673 = arith.mulf %sub3A_670, %sub3A_670 : vector<16xf32>
        %add3A_674 = arith.addf %mul3A_672, %mul3A_673 : vector<16xf32>
        %mul3A_675 = arith.mulf %sub3A_671, %sub3A_671 : vector<16xf32>
        %add3A_676 = arith.addf %add3A_674, %mul3A_675 : vector<16xf32>
        %lt3A_677 = vector.broadcast %scan3A_51 : f32 to vector<16xf32>
        %lt3A_678 = arith.cmpf olt, %add3A_676, %lt3A_677 : vector<16xf32>
        %add3A_679 = vector.broadcast %add3A_662 : i32 to vector<16xi32>
        %add3A_680 = arith.addi %iota3A, %add3A_679 : vector<16xi32>
        %swap3A_681 = arith.index_cast %add3A_660 : i32 to index
        %swap3A_682 = tpu.vector_load %arg16[%swap3A_681] masked %lt3A_678 {strides = array<i32>} : memref<160xi32, #tpu.memory_space<vmem>>, vector<16xi32>, vector<16xi1>
        tpu.vector_store %arg16[%swap3A_681], %add3A_680 masked %lt3A_678 {strides = array<i32>} : memref<160xi32, #tpu.memory_space<vmem>>, vector<16xi32>, vector<16xi1>
        %all_reduce_population_count3A_683 = tpu.all_reduce %lt3A_678 {dim = 0 : i64, kind = #tpu.reduction_kind<sum>} : vector<16xi1> -> vector<16xi32>
        %slice3A_684 = vector.extract_strided_slice %all_reduce_population_count3A_683 {offsets = [0], sizes = [1], strides = [1]} : vector<16xi32> to vector<1xi32>
        %squeeze3A_685 = vector.extract %slice3A_684[0] : i32 from vector<1xi32>
        %add3A_686 = arith.addi %add3A_660, %squeeze3A_685 : i32
        %add3A_687 = arith.constant 64 : i32
        %add3A_688 = arith.addi %mul3A_585, %add3A_687 : i32
        %get3A_689 = arith.index_cast %add3A_688 : i32 to index
        %get3A_690 = tpu.vector_load %arg10[%get3A_689] {strides = array<i32>} : memref<8208xf32, #tpu.memory_space<vmem>>, vector<16xf32>,
        %get3A_691 = arith.index_cast %add3A_688 : i32 to index
        %get3A_692 = tpu.vector_load %arg11[%get3A_691] {strides = array<i32>} : memref<8208xf32, #tpu.memory_space<vmem>>, vector<16xf32>,
        %get3A_693 = arith.index_cast %add3A_688 : i32 to index
        %get3A_694 = tpu.vector_load %arg12[%get3A_693] {strides = array<i32>} : memref<8208xf32, #tpu.memory_space<vmem>>, vector<16xf32>,
        %sub3A_695 = arith.subf %gather3A, %get3A_690 : vector<16xf32>
        %sub3A_696 = arith.subf %gather3A_548, %get3A_692 : vector<16xf32>
        %sub3A_697 = arith.subf %gather3A_554, %get3A_694 : vector<16xf32>
        %mul3A_698 = arith.mulf %sub3A_695, %sub3A_695 : vector<16xf32>
        %mul3A_699 = arith.mulf %sub3A_696, %sub3A_696 : vector<16xf32>
        %add3A_700 = arith.addf %mul3A_698, %mul3A_699 : vector<16xf32>
        %mul3A_701 = arith.mulf %sub3A_697, %sub3A_697 : vector<16xf32>
        %add3A_702 = arith.addf %add3A_700, %mul3A_701 : vector<16xf32>
        %lt3A_703 = vector.broadcast %scan3A_51 : f32 to vector<16xf32>
        %lt3A_704 = arith.cmpf olt, %add3A_702, %lt3A_703 : vector<16xf32>
        %add3A_705 = vector.broadcast %add3A_688 : i32 to vector<16xi32>
        %add3A_706 = arith.addi %iota3A, %add3A_705 : vector<16xi32>
        %swap3A_707 = arith.index_cast %add3A_686 : i32 to index
        %swap3A_708 = tpu.vector_load %arg16[%swap3A_707] masked %lt3A_704 {strides = array<i32>} : memref<160xi32, #tpu.memory_space<vmem>>, vector<16xi32>, vector<16xi1>
        tpu.vector_store %arg16[%swap3A_707], %add3A_706 masked %lt3A_704 {strides = array<i32>} : memref<160xi32, #tpu.memory_space<vmem>>, vector<16xi32>, vector<16xi1>
        %all_reduce_population_count3A_709 = tpu.all_reduce %lt3A_704 {dim = 0 : i64, kind = #tpu.reduction_kind<sum>} : vector<16xi1> -> vector<16xi32>
        %slice3A_710 = vector.extract_strided_slice %all_reduce_population_count3A_709 {offsets = [0], sizes = [1], strides = [1]} : vector<16xi32> to vector<1xi32>
        %squeeze3A_711 = vector.extract %slice3A_710[0] : i32 from vector<1xi32>
        %add3A_712 = arith.addi %add3A_686, %squeeze3A_711 : i32
        %add3A_713 = arith.constant 80 : i32
        %add3A_714 = arith.addi %mul3A_585, %add3A_713 : i32
        %get3A_715 = arith.index_cast %add3A_714 : i32 to index
        %get3A_716 = tpu.vector_load %arg10[%get3A_715] {strides = array<i32>} : memref<8208xf32, #tpu.memory_space<vmem>>, vector<16xf32>,
        %get3A_717 = arith.index_cast %add3A_714 : i32 to index
        %get3A_718 = tpu.vector_load %arg11[%get3A_717] {strides = array<i32>} : memref<8208xf32, #tpu.memory_space<vmem>>, vector<16xf32>,
        %get3A_719 = arith.index_cast %add3A_714 : i32 to index
        %get3A_720 = tpu.vector_load %arg12[%get3A_719] {strides = array<i32>} : memref<8208xf32, #tpu.memory_space<vmem>>, vector<16xf32>,
        %sub3A_721 = arith.subf %gather3A, %get3A_716 : vector<16xf32>
        %sub3A_722 = arith.subf %gather3A_548, %get3A_718 : vector<16xf32>
        %sub3A_723 = arith.subf %gather3A_554, %get3A_720 : vector<16xf32>
        %mul3A_724 = arith.mulf %sub3A_721, %sub3A_721 : vector<16xf32>
        %mul3A_725 = arith.mulf %sub3A_722, %sub3A_722 : vector<16xf32>
        %add3A_726 = arith.addf %mul3A_724, %mul3A_725 : vector<16xf32>
        %mul3A_727 = arith.mulf %sub3A_723, %sub3A_723 : vector<16xf32>
        %add3A_728 = arith.addf %add3A_726, %mul3A_727 : vector<16xf32>
        %lt3A_729 = vector.broadcast %scan3A_51 : f32 to vector<16xf32>
        %lt3A_730 = arith.cmpf olt, %add3A_728, %lt3A_729 : vector<16xf32>
        %add3A_731 = vector.broadcast %add3A_714 : i32 to vector<16xi32>
        %add3A_732 = arith.addi %iota3A, %add3A_731 : vector<16xi32>
        %swap3A_733 = arith.index_cast %add3A_712 : i32 to index
        %swap3A_734 = tpu.vector_load %arg16[%swap3A_733] masked %lt3A_730 {strides = array<i32>} : memref<160xi32, #tpu.memory_space<vmem>>, vector<16xi32>, vector<16xi1>
        tpu.vector_store %arg16[%swap3A_733], %add3A_732 masked %lt3A_730 {strides = array<i32>} : memref<160xi32, #tpu.memory_space<vmem>>, vector<16xi32>, vector<16xi1>
        %all_reduce_population_count3A_735 = tpu.all_reduce %lt3A_730 {dim = 0 : i64, kind = #tpu.reduction_kind<sum>} : vector<16xi1> -> vector<16xi32>
        %slice3A_736 = vector.extract_strided_slice %all_reduce_population_count3A_735 {offsets = [0], sizes = [1], strides = [1]} : vector<16xi32> to vector<1xi32>
        %squeeze3A_737 = vector.extract %slice3A_736[0] : i32 from vector<1xi32>
        %add3A_738 = arith.addi %add3A_712, %squeeze3A_737 : i32
        %add3A_739 = arith.constant 96 : i32
        %add3A_740 = arith.addi %mul3A_585, %add3A_739 : i32
        %get3A_741 = arith.index_cast %add3A_740 : i32 to index
        %get3A_742 = tpu.vector_load %arg10[%get3A_741] {strides = array<i32>} : memref<8208xf32, #tpu.memory_space<vmem>>, vector<16xf32>,
        %get3A_743 = arith.index_cast %add3A_740 : i32 to index
        %get3A_744 = tpu.vector_load %arg11[%get3A_743] {strides = array<i32>} : memref<8208xf32, #tpu.memory_space<vmem>>, vector<16xf32>,
        %get3A_745 = arith.index_cast %add3A_740 : i32 to index
        %get3A_746 = tpu.vector_load %arg12[%get3A_745] {strides = array<i32>} : memref<8208xf32, #tpu.memory_space<vmem>>, vector<16xf32>,
        %sub3A_747 = arith.subf %gather3A, %get3A_742 : vector<16xf32>
        %sub3A_748 = arith.subf %gather3A_548, %get3A_744 : vector<16xf32>
        %sub3A_749 = arith.subf %gather3A_554, %get3A_746 : vector<16xf32>
        %mul3A_750 = arith.mulf %sub3A_747, %sub3A_747 : vector<16xf32>
        %mul3A_751 = arith.mulf %sub3A_748, %sub3A_748 : vector<16xf32>
        %add3A_752 = arith.addf %mul3A_750, %mul3A_751 : vector<16xf32>
        %mul3A_753 = arith.mulf %sub3A_749, %sub3A_749 : vector<16xf32>
        %add3A_754 = arith.addf %add3A_752, %mul3A_753 : vector<16xf32>
        %lt3A_755 = vector.broadcast %scan3A_51 : f32 to vector<16xf32>
        %lt3A_756 = arith.cmpf olt, %add3A_754, %lt3A_755 : vector<16xf32>
        %add3A_757 = vector.broadcast %add3A_740 : i32 to vector<16xi32>
        %add3A_758 = arith.addi %iota3A, %add3A_757 : vector<16xi32>
        %swap3A_759 = arith.index_cast %add3A_738 : i32 to index
        %swap3A_760 = tpu.vector_load %arg16[%swap3A_759] masked %lt3A_756 {strides = array<i32>} : memref<160xi32, #tpu.memory_space<vmem>>, vector<16xi32>, vector<16xi1>
        tpu.vector_store %arg16[%swap3A_759], %add3A_758 masked %lt3A_756 {strides = array<i32>} : memref<160xi32, #tpu.memory_space<vmem>>, vector<16xi32>, vector<16xi1>
        %all_reduce_population_count3A_761 = tpu.all_reduce %lt3A_756 {dim = 0 : i64, kind = #tpu.reduction_kind<sum>} : vector<16xi1> -> vector<16xi32>
        %slice3A_762 = vector.extract_strided_slice %all_reduce_population_count3A_761 {offsets = [0], sizes = [1], strides = [1]} : vector<16xi32> to vector<1xi32>
        %squeeze3A_763 = vector.extract %slice3A_762[0] : i32 from vector<1xi32>
        %add3A_764 = arith.addi %add3A_738, %squeeze3A_763 : i32
        %add3A_765 = arith.constant 112 : i32
        %add3A_766 = arith.addi %mul3A_585, %add3A_765 : i32
        %get3A_767 = arith.index_cast %add3A_766 : i32 to index
        %get3A_768 = tpu.vector_load %arg10[%get3A_767] {strides = array<i32>} : memref<8208xf32, #tpu.memory_space<vmem>>, vector<16xf32>,
        %get3A_769 = arith.index_cast %add3A_766 : i32 to index
        %get3A_770 = tpu.vector_load %arg11[%get3A_769] {strides = array<i32>} : memref<8208xf32, #tpu.memory_space<vmem>>, vector<16xf32>,
        %get3A_771 = arith.index_cast %add3A_766 : i32 to index
        %get3A_772 = tpu.vector_load %arg12[%get3A_771] {strides = array<i32>} : memref<8208xf32, #tpu.memory_space<vmem>>, vector<16xf32>,
        %sub3A_773 = arith.subf %gather3A, %get3A_768 : vector<16xf32>
        %sub3A_774 = arith.subf %gather3A_548, %get3A_770 : vector<16xf32>
        %sub3A_775 = arith.subf %gather3A_554, %get3A_772 : vector<16xf32>
        %mul3A_776 = arith.mulf %sub3A_773, %sub3A_773 : vector<16xf32>
        %mul3A_777 = arith.mulf %sub3A_774, %sub3A_774 : vector<16xf32>
        %add3A_778 = arith.addf %mul3A_776, %mul3A_777 : vector<16xf32>
        %mul3A_779 = arith.mulf %sub3A_775, %sub3A_775 : vector<16xf32>
        %add3A_780 = arith.addf %add3A_778, %mul3A_779 : vector<16xf32>
        %lt3A_781 = vector.broadcast %scan3A_51 : f32 to vector<16xf32>
        %lt3A_782 = arith.cmpf olt, %add3A_780, %lt3A_781 : vector<16xf32>
        %add3A_783 = vector.broadcast %add3A_766 : i32 to vector<16xi32>
        %add3A_784 = arith.addi %iota3A, %add3A_783 : vector<16xi32>
        %swap3A_785 = arith.index_cast %add3A_764 : i32 to index
        %swap3A_786 = tpu.vector_load %arg16[%swap3A_785] masked %lt3A_782 {strides = array<i32>} : memref<160xi32, #tpu.memory_space<vmem>>, vector<16xi32>, vector<16xi1>
        tpu.vector_store %arg16[%swap3A_785], %add3A_784 masked %lt3A_782 {strides = array<i32>} : memref<160xi32, #tpu.memory_space<vmem>>, vector<16xi32>, vector<16xi1>
        %all_reduce_population_count3A_787 = tpu.all_reduce %lt3A_782 {dim = 0 : i64, kind = #tpu.reduction_kind<sum>} : vector<16xi1> -> vector<16xi32>
        %slice3A_788 = vector.extract_strided_slice %all_reduce_population_count3A_787 {offsets = [0], sizes = [1], strides = [1]} : vector<16xi32> to vector<1xi32>
        %squeeze3A_789 = vector.extract %slice3A_788[0] : i32 from vector<1xi32>
        %add3A_790 = arith.addi %add3A_764, %squeeze3A_789 : i32
        %add3A_791 = arith.constant 1 : i32
        %add3A_792 = arith.addi %while3A_582, %add3A_791 : i32
        scf.yield %add3A_792, %add3A_790 : i32, i32
      }
      %get3A = arith.constant 0 : index
      %get3A_557 = tpu.vector_load %arg16[%get3A] {strides = array<i32>} : memref<160xi32, #tpu.memory_space<vmem>>, vector<16xi32>,
      %broadcast_in_dim3A_558 = arith.constant 0 : i32
      %broadcast_in_dim3A_559 = vector.broadcast %broadcast_in_dim3A_558 : i32 to vector<16xi32>
      %gather3A_560 = tpu.vector_load_idx %arg16[%broadcast_in_dim3A_559] : memref<160xi32, #tpu.memory_space<vmem>>[vector<16xi32>], vector<16xi32>,
      %gt3A = arith.constant 0 : i32
      %gt3A_561 = arith.cmpi sgt, %while3A_556#1, %gt3A : i32
      %jit3A_562 = arith.constant 0 : i32
      %broadcast_in_dim3A_563 = vector.broadcast %jit3A_562 : i32 to vector<16xi32>
      %select_n3A_564 = arith.select %gt3A_561, %gather3A_560, %broadcast_in_dim3A_563 : vector<16xi32>
      %lt3A_565 = vector.broadcast %while3A_556#1 : i32 to vector<16xi32>
      %lt3A_566 = arith.cmpi slt, %iota3A, %lt3A_565 : vector<16xi32>
      %select_n3A_567 = arith.select %lt3A_566, %get3A_557, %select_n3A_564 : vector<16xi1>, vector<16xi32>
      %gt3A_568 = arith.constant 0 : i32
      %gt3A_569 = vector.broadcast %gt3A_568 : i32 to vector<16xi32>
      %gt3A_570 = arith.cmpi sgt, %iota3A, %gt3A_569 : vector<16xi32>
      %ge3A = vector.broadcast %while3A_556#1 : i32 to vector<16xi32>
      %ge3A_571 = arith.cmpi sge, %iota3A, %ge3A : vector<16xi32>
      %and3A_572 = arith.andi %gt3A_570, %ge3A_571 : vector<16xi1>
      %swap3A_573 = arith.index_cast %scan3A_539 : i32 to index
      %swap3A_574 = arith.constant 0 : index
      %swap3A_575 = tpu.vector_load %arg17[%swap3A_573, %swap3A_574] {strides = array<i32>} : memref<128x16xi32, #tpu.memory_space<vmem>>, vector<16xi32>,
      tpu.vector_store %arg17[%swap3A_573, %swap3A_574], %select_n3A_567 {strides = array<i32>} : memref<128x16xi32, #tpu.memory_space<vmem>>, vector<16xi32>,
      %jit3A_576 = arith.constant 8192 : i32
      %broadcast_in_dim3A_577 = vector.broadcast %jit3A_576 : i32 to vector<16xi32>
      %select_n3A_578 = arith.select %and3A_572, %broadcast_in_dim3A_577, %select_n3A_567 : vector<16xi1>, vector<16xi32>
      %swap3A_579 = arith.index_cast %scan3A_539 : i32 to index
      %swap3A_580 = arith.constant 0 : index
      %swap3A_581 = tpu.vector_load %arg14[%swap3A_579, %swap3A_580] {strides = array<i32>} : memref<128x16xi32, #tpu.memory_space<vmem>>, vector<16xi32>,
      tpu.vector_store %arg14[%swap3A_579, %swap3A_580], %select_n3A_578 {strides = array<i32>} : memref<128x16xi32, #tpu.memory_space<vmem>>, vector<16xi32>,
    }
    %scan3A_56 = arith.constant 128 : i32
    %dma_start3A = arith.constant 0 : i32
    %dma_start3A_57 = tpu.memref_slice %arg7[%select_n3A, %sub3A_21, %dma_start3A] : memref<2x2048x16xi32, #tpu.memory_space<hbm>> -> memref<1x128x16xi32, #tpu.memory_space<hbm>>
    %dma_start3A_58 = tpu.memref_squeeze %dma_start3A_57 : memref<1x128x16xi32, #tpu.memory_space<hbm>> -> memref<128x16xi32, #tpu.memory_space<hbm>>
    %dma_start3A_59 = arith.constant 0 : i32
    %dma_start3A_60 = tpu.memref_slice %arg7[%select_n3A, %sub3A_21, %dma_start3A_59] : memref<2x2048x16xi32, #tpu.memory_space<hbm>> -> memref<1x128x16xi32, #tpu.memory_space<hbm>>
    %dma_start3A_61 = tpu.memref_squeeze %dma_start3A_60 : memref<1x128x16xi32, #tpu.memory_space<hbm>> -> memref<128x16xi32, #tpu.memory_space<hbm>>
    tpu.enqueue_dma source(%arg17 : memref<128x16xi32, #tpu.memory_space<vmem>>) target(%dma_start3A_61 : memref<128x16xi32, #tpu.memory_space<hbm>>) target_semaphore(%arg28 : memref<!tpu.dma_semaphore, #tpu.memory_space<semaphore_mem>>)
    "tpu.region"() ({
      %run_scoped3A = tpu.sem_alloc : memref<!tpu.dma_semaphore, #tpu.memory_space<semaphore_mem>>
      %dma_start3A_539 = arith.constant 0 : i32
      %dma_start3A_540 = tpu.memref_slice %arg8[%select_n3A, %sub3A_21, %dma_start3A_539] : memref<2x2048x16xi32, #tpu.memory_space<hbm>> -> memref<1x128x16xi32, #tpu.memory_space<hbm>>
      %dma_start3A_541 = tpu.memref_squeeze %dma_start3A_540 : memref<1x128x16xi32, #tpu.memory_space<hbm>> -> memref<128x16xi32, #tpu.memory_space<hbm>>
      %dma_start3A_542 = arith.constant 0 : i32
      %dma_start3A_543 = tpu.memref_slice %arg8[%select_n3A, %sub3A_21, %dma_start3A_542] : memref<2x2048x16xi32, #tpu.memory_space<hbm>> -> memref<1x128x16xi32, #tpu.memory_space<hbm>>
      %dma_start3A_544 = tpu.memref_squeeze %dma_start3A_543 : memref<1x128x16xi32, #tpu.memory_space<hbm>> -> memref<128x16xi32, #tpu.memory_space<hbm>>
      tpu.enqueue_dma source(%arg14 : memref<128x16xi32, #tpu.memory_space<vmem>>) target(%dma_start3A_544 : memref<128x16xi32, #tpu.memory_space<hbm>>) target_semaphore(%run_scoped3A : memref<!tpu.dma_semaphore, #tpu.memory_space<semaphore_mem>>)
      %dma_wait3A_545 = arith.constant 0 : i32
      %dma_wait3A_546 = tpu.memref_slice %arg8[%select_n3A, %sub3A_21, %dma_wait3A_545] : memref<2x2048x16xi32, #tpu.memory_space<hbm>> -> memref<1x128x16xi32, #tpu.memory_space<hbm>>
      %dma_wait3A_547 = tpu.memref_squeeze %dma_wait3A_546 : memref<1x128x16xi32, #tpu.memory_space<hbm>> -> memref<128x16xi32, #tpu.memory_space<hbm>>
      %dma_wait3A_548 = arith.constant 0 : i32
      %dma_wait3A_549 = tpu.memref_slice %arg8[%select_n3A, %sub3A_21, %dma_wait3A_548] : memref<2x2048x16xi32, #tpu.memory_space<hbm>> -> memref<1x128x16xi32, #tpu.memory_space<hbm>>
      %dma_wait3A_550 = tpu.memref_squeeze %dma_wait3A_549 : memref<1x128x16xi32, #tpu.memory_space<hbm>> -> memref<128x16xi32, #tpu.memory_space<hbm>>
      tpu.wait_dma2 semaphore(%run_scoped3A : memref<!tpu.dma_semaphore, #tpu.memory_space<semaphore_mem>>) src(%arg14 : memref<128x16xi32, #tpu.memory_space<vmem>>) dst(%dma_wait3A_550 : memref<128x16xi32, #tpu.memory_space<hbm>>)
      tpu.yield
    }) : () -> ()
    %scan3A_62 = arith.constant 0 : i32
    %scan3A_63 = arith.constant 0 : i32
    %scan3A_64 = arith.constant 128 : i32
    %scan3A_65 = arith.addi %scan3A_63, %scan3A_64 : i32
    %scan3A_66 = arith.constant 2 : i32
    scf.for %scan3A_539 = %scan3A_63 to %scan3A_65 step %scan3A_66  : i32 {
      %get3A = arith.index_cast %scan3A_539 : i32 to index
      %get3A_540 = arith.constant 0 : index
      %get3A_541 = tpu.vector_load %arg14[%get3A, %get3A_540] {strides = array<i32>} : memref<128x16xi32, #tpu.memory_space<vmem>>, vector<16xi32>,
      %mul3A_542 = arith.constant 3 : i32
      %mul3A_543 = arith.muli %mul3A_542, %scan3A_539 : i32
      %broadcast_in_dim3A_544 = vector.broadcast %mul3A_543 : i32 to vector<16xi32>
      %gather3A = tpu.vector_load_idx %arg13[%broadcast_in_dim3A_544] : memref<384xf32, #tpu.memory_space<vmem>>[vector<16xi32>], vector<16xf32>,
      %mul3A_545 = arith.constant 3 : i32
      %mul3A_546 = arith.muli %mul3A_545, %scan3A_539 : i32
      %add3A_547 = arith.constant 1 : i32
      %add3A_548 = arith.addi %mul3A_546, %add3A_547 : i32
      %broadcast_in_dim3A_549 = vector.broadcast %add3A_548 : i32 to vector<16xi32>
      %gather3A_550 = tpu.vector_load_idx %arg13[%broadcast_in_dim3A_549] : memref<384xf32, #tpu.memory_space<vmem>>[vector<16xi32>], vector<16xf32>,
      %mul3A_551 = arith.constant 3 : i32
      %mul3A_552 = arith.muli %mul3A_551, %scan3A_539 : i32
      %add3A_553 = arith.constant 2 : i32
      %add3A_554 = arith.addi %mul3A_552, %add3A_553 : i32
      %broadcast_in_dim3A_555 = vector.broadcast %add3A_554 : i32 to vector<16xi32>
      %gather3A_556 = tpu.vector_load_idx %arg13[%broadcast_in_dim3A_555] : memref<384xf32, #tpu.memory_space<vmem>>[vector<16xi32>], vector<16xf32>,
      %gather3A_557 = tpu.vector_load_idx %arg10[%get3A_541] : memref<8208xf32, #tpu.memory_space<vmem>>[vector<16xi32>], vector<16xf32>,
      %sub3A_558 = arith.subf %gather3A_557, %gather3A : vector<16xf32>
      %gather3A_559 = tpu.vector_load_idx %arg11[%get3A_541] : memref<8208xf32, #tpu.memory_space<vmem>>[vector<16xi32>], vector<16xf32>,
      %sub3A_560 = arith.subf %gather3A_559, %gather3A_550 : vector<16xf32>
      %gather3A_561 = tpu.vector_load_idx %arg12[%get3A_541] : memref<8208xf32, #tpu.memory_space<vmem>>[vector<16xi32>], vector<16xf32>,
      %sub3A_562 = arith.subf %gather3A_561, %gather3A_556 : vector<16xf32>
      %swap3A_563 = arith.index_cast %scan3A_539 : i32 to index
      %swap3A_564 = arith.constant 0 : index
      %swap3A_565 = tpu.vector_load %arg29[%swap3A_563, %swap3A_564] {strides = array<i32>} : memref<128x16xf32, #tpu.memory_space<vmem>>, vector<16xf32>,
      tpu.vector_store %arg29[%swap3A_563, %swap3A_564], %sub3A_558 {strides = array<i32>} : memref<128x16xf32, #tpu.memory_space<vmem>>, vector<16xf32>,
      %swap3A_566 = arith.index_cast %scan3A_539 : i32 to index
      %swap3A_567 = arith.constant 0 : index
      %swap3A_568 = tpu.vector_load %arg30[%swap3A_566, %swap3A_567] {strides = array<i32>} : memref<128x16xf32, #tpu.memory_space<vmem>>, vector<16xf32>,
      tpu.vector_store %arg30[%swap3A_566, %swap3A_567], %sub3A_560 {strides = array<i32>} : memref<128x16xf32, #tpu.memory_space<vmem>>, vector<16xf32>,
      %swap3A_569 = arith.index_cast %scan3A_539 : i32 to index
      %swap3A_570 = arith.constant 0 : index
      %swap3A_571 = tpu.vector_load %arg31[%swap3A_569, %swap3A_570] {strides = array<i32>} : memref<128x16xf32, #tpu.memory_space<vmem>>, vector<16xf32>,
      tpu.vector_store %arg31[%swap3A_569, %swap3A_570], %sub3A_562 {strides = array<i32>} : memref<128x16xf32, #tpu.memory_space<vmem>>, vector<16xf32>,
      %gt3A = arith.constant 1.000000e+05 : f32
      %gt3A_572 = vector.broadcast %gt3A : f32 to vector<16xf32>
      %gt3A_573 = arith.cmpf ogt, %sub3A_558, %gt3A_572 : vector<16xf32>
      %jit3A_574 = arith.constant 0.000000e+00 : f32
      %broadcast_in_dim3A_575 = vector.broadcast %jit3A_574 : f32 to vector<16xf32>
      %select_n3A_576 = arith.select %gt3A_573, %broadcast_in_dim3A_575, %sub3A_558 : vector<16xi1>, vector<16xf32>
      %div3A_577 = arith.constant 2.000000e-01 : f32
      %div3A_578 = vector.broadcast %div3A_577 : f32 to vector<16xf32>
      %div3A_579 = arith.divf %select_n3A_576, %div3A_578 : vector<16xf32>
      %swap3A_580 = arith.index_cast %scan3A_539 : i32 to index
      %swap3A_581 = arith.constant 0 : index
      %swap3A_582 = tpu.vector_load %arg32[%swap3A_580, %swap3A_581] {strides = array<i32>} : memref<128x16xf32, #tpu.memory_space<vmem>>, vector<16xf32>,
      tpu.vector_store %arg32[%swap3A_580, %swap3A_581], %div3A_579 {strides = array<i32>} : memref<128x16xf32, #tpu.memory_space<vmem>>, vector<16xf32>,
      %gt3A_583 = arith.constant 1.000000e+05 : f32
      %gt3A_584 = vector.broadcast %gt3A_583 : f32 to vector<16xf32>
      %gt3A_585 = arith.cmpf ogt, %sub3A_560, %gt3A_584 : vector<16xf32>
      %jit3A_586 = arith.constant 0.000000e+00 : f32
      %broadcast_in_dim3A_587 = vector.broadcast %jit3A_586 : f32 to vector<16xf32>
      %select_n3A_588 = arith.select %gt3A_585, %broadcast_in_dim3A_587, %sub3A_560 : vector<16xi1>, vector<16xf32>
      %div3A_589 = arith.constant 2.000000e-01 : f32
      %div3A_590 = vector.broadcast %div3A_589 : f32 to vector<16xf32>
      %div3A_591 = arith.divf %select_n3A_588, %div3A_590 : vector<16xf32>
      %swap3A_592 = arith.index_cast %scan3A_539 : i32 to index
      %swap3A_593 = arith.constant 0 : index
      %swap3A_594 = tpu.vector_load %arg33[%swap3A_592, %swap3A_593] {strides = array<i32>} : memref<128x16xf32, #tpu.memory_space<vmem>>, vector<16xf32>,
      tpu.vector_store %arg33[%swap3A_592, %swap3A_593], %div3A_591 {strides = array<i32>} : memref<128x16xf32, #tpu.memory_space<vmem>>, vector<16xf32>,
      %gt3A_595 = arith.constant 1.000000e+05 : f32
      %gt3A_596 = vector.broadcast %gt3A_595 : f32 to vector<16xf32>
      %gt3A_597 = arith.cmpf ogt, %sub3A_562, %gt3A_596 : vector<16xf32>
      %jit3A_598 = arith.constant 0.000000e+00 : f32
      %broadcast_in_dim3A_599 = vector.broadcast %jit3A_598 : f32 to vector<16xf32>
      %select_n3A_600 = arith.select %gt3A_597, %broadcast_in_dim3A_599, %sub3A_562 : vector<16xi1>, vector<16xf32>
      %div3A_601 = arith.constant 2.000000e-01 : f32
      %div3A_602 = vector.broadcast %div3A_601 : f32 to vector<16xf32>
      %div3A_603 = arith.divf %select_n3A_600, %div3A_602 : vector<16xf32>
      %swap3A_604 = arith.index_cast %scan3A_539 : i32 to index
      %swap3A_605 = arith.constant 0 : index
      %swap3A_606 = tpu.vector_load %arg34[%swap3A_604, %swap3A_605] {strides = array<i32>} : memref<128x16xf32, #tpu.memory_space<vmem>>, vector<16xf32>,
      tpu.vector_store %arg34[%swap3A_604, %swap3A_605], %div3A_603 {strides = array<i32>} : memref<128x16xf32, #tpu.memory_space<vmem>>, vector<16xf32>,
      %scan3A_607 = arith.constant 1 : i32
      %scan3A_608 = arith.addi %scan3A_539, %scan3A_607 : i32
      %get3A_609 = arith.index_cast %scan3A_608 : i32 to index
      %get3A_610 = arith.constant 0 : index
      %get3A_611 = tpu.vector_load %arg14[%get3A_609, %get3A_610] {strides = array<i32>} : memref<128x16xi32, #tpu.memory_space<vmem>>, vector<16xi32>,
      %mul3A_612 = arith.constant 3 : i32
      %mul3A_613 = arith.muli %mul3A_612, %scan3A_608 : i32
      %broadcast_in_dim3A_614 = vector.broadcast %mul3A_613 : i32 to vector<16xi32>
      %gather3A_615 = tpu.vector_load_idx %arg13[%broadcast_in_dim3A_614] : memref<384xf32, #tpu.memory_space<vmem>>[vector<16xi32>], vector<16xf32>,
      %mul3A_616 = arith.constant 3 : i32
      %mul3A_617 = arith.muli %mul3A_616, %scan3A_608 : i32
      %add3A_618 = arith.constant 1 : i32
      %add3A_619 = arith.addi %mul3A_617, %add3A_618 : i32
      %broadcast_in_dim3A_620 = vector.broadcast %add3A_619 : i32 to vector<16xi32>
      %gather3A_621 = tpu.vector_load_idx %arg13[%broadcast_in_dim3A_620] : memref<384xf32, #tpu.memory_space<vmem>>[vector<16xi32>], vector<16xf32>,
      %mul3A_622 = arith.constant 3 : i32
      %mul3A_623 = arith.muli %mul3A_622, %scan3A_608 : i32
      %add3A_624 = arith.constant 2 : i32
      %add3A_625 = arith.addi %mul3A_623, %add3A_624 : i32
      %broadcast_in_dim3A_626 = vector.broadcast %add3A_625 : i32 to vector<16xi32>
      %gather3A_627 = tpu.vector_load_idx %arg13[%broadcast_in_dim3A_626] : memref<384xf32, #tpu.memory_space<vmem>>[vector<16xi32>], vector<16xf32>,
      %gather3A_628 = tpu.vector_load_idx %arg10[%get3A_611] : memref<8208xf32, #tpu.memory_space<vmem>>[vector<16xi32>], vector<16xf32>,
      %sub3A_629 = arith.subf %gather3A_628, %gather3A_615 : vector<16xf32>
      %gather3A_630 = tpu.vector_load_idx %arg11[%get3A_611] : memref<8208xf32, #tpu.memory_space<vmem>>[vector<16xi32>], vector<16xf32>,
      %sub3A_631 = arith.subf %gather3A_630, %gather3A_621 : vector<16xf32>
      %gather3A_632 = tpu.vector_load_idx %arg12[%get3A_611] : memref<8208xf32, #tpu.memory_space<vmem>>[vector<16xi32>], vector<16xf32>,
      %sub3A_633 = arith.subf %gather3A_632, %gather3A_627 : vector<16xf32>
      %swap3A_634 = arith.index_cast %scan3A_608 : i32 to index
      %swap3A_635 = arith.constant 0 : index
      %swap3A_636 = tpu.vector_load %arg29[%swap3A_634, %swap3A_635] {strides = array<i32>} : memref<128x16xf32, #tpu.memory_space<vmem>>, vector<16xf32>,
      tpu.vector_store %arg29[%swap3A_634, %swap3A_635], %sub3A_629 {strides = array<i32>} : memref<128x16xf32, #tpu.memory_space<vmem>>, vector<16xf32>,
      %swap3A_637 = arith.index_cast %scan3A_608 : i32 to index
      %swap3A_638 = arith.constant 0 : index
      %swap3A_639 = tpu.vector_load %arg30[%swap3A_637, %swap3A_638] {strides = array<i32>} : memref<128x16xf32, #tpu.memory_space<vmem>>, vector<16xf32>,
      tpu.vector_store %arg30[%swap3A_637, %swap3A_638], %sub3A_631 {strides = array<i32>} : memref<128x16xf32, #tpu.memory_space<vmem>>, vector<16xf32>,
      %swap3A_640 = arith.index_cast %scan3A_608 : i32 to index
      %swap3A_641 = arith.constant 0 : index
      %swap3A_642 = tpu.vector_load %arg31[%swap3A_640, %swap3A_641] {strides = array<i32>} : memref<128x16xf32, #tpu.memory_space<vmem>>, vector<16xf32>,
      tpu.vector_store %arg31[%swap3A_640, %swap3A_641], %sub3A_633 {strides = array<i32>} : memref<128x16xf32, #tpu.memory_space<vmem>>, vector<16xf32>,
      %gt3A_643 = arith.constant 1.000000e+05 : f32
      %gt3A_644 = vector.broadcast %gt3A_643 : f32 to vector<16xf32>
      %gt3A_645 = arith.cmpf ogt, %sub3A_629, %gt3A_644 : vector<16xf32>
      %jit3A_646 = arith.constant 0.000000e+00 : f32
      %broadcast_in_dim3A_647 = vector.broadcast %jit3A_646 : f32 to vector<16xf32>
      %select_n3A_648 = arith.select %gt3A_645, %broadcast_in_dim3A_647, %sub3A_629 : vector<16xi1>, vector<16xf32>
      %div3A_649 = arith.constant 2.000000e-01 : f32
      %div3A_650 = vector.broadcast %div3A_649 : f32 to vector<16xf32>
      %div3A_651 = arith.divf %select_n3A_648, %div3A_650 : vector<16xf32>
      %swap3A_652 = arith.index_cast %scan3A_608 : i32 to index
      %swap3A_653 = arith.constant 0 : index
      %swap3A_654 = tpu.vector_load %arg32[%swap3A_652, %swap3A_653] {strides = array<i32>} : memref<128x16xf32, #tpu.memory_space<vmem>>, vector<16xf32>,
      tpu.vector_store %arg32[%swap3A_652, %swap3A_653], %div3A_651 {strides = array<i32>} : memref<128x16xf32, #tpu.memory_space<vmem>>, vector<16xf32>,
      %gt3A_655 = arith.constant 1.000000e+05 : f32
      %gt3A_656 = vector.broadcast %gt3A_655 : f32 to vector<16xf32>
      %gt3A_657 = arith.cmpf ogt, %sub3A_631, %gt3A_656 : vector<16xf32>
      %jit3A_658 = arith.constant 0.000000e+00 : f32
      %broadcast_in_dim3A_659 = vector.broadcast %jit3A_658 : f32 to vector<16xf32>
      %select_n3A_660 = arith.select %gt3A_657, %broadcast_in_dim3A_659, %sub3A_631 : vector<16xi1>, vector<16xf32>
      %div3A_661 = arith.constant 2.000000e-01 : f32
      %div3A_662 = vector.broadcast %div3A_661 : f32 to vector<16xf32>
      %div3A_663 = arith.divf %select_n3A_660, %div3A_662 : vector<16xf32>
      %swap3A_664 = arith.index_cast %scan3A_608 : i32 to index
      %swap3A_665 = arith.constant 0 : index
      %swap3A_666 = tpu.vector_load %arg33[%swap3A_664, %swap3A_665] {strides = array<i32>} : memref<128x16xf32, #tpu.memory_space<vmem>>, vector<16xf32>,
      tpu.vector_store %arg33[%swap3A_664, %swap3A_665], %div3A_663 {strides = array<i32>} : memref<128x16xf32, #tpu.memory_space<vmem>>, vector<16xf32>,
      %gt3A_667 = arith.constant 1.000000e+05 : f32
      %gt3A_668 = vector.broadcast %gt3A_667 : f32 to vector<16xf32>
      %gt3A_669 = arith.cmpf ogt, %sub3A_633, %gt3A_668 : vector<16xf32>
      %jit3A_670 = arith.constant 0.000000e+00 : f32
      %broadcast_in_dim3A_671 = vector.broadcast %jit3A_670 : f32 to vector<16xf32>
      %select_n3A_672 = arith.select %gt3A_669, %broadcast_in_dim3A_671, %sub3A_633 : vector<16xi1>, vector<16xf32>
      %div3A_673 = arith.constant 2.000000e-01 : f32
      %div3A_674 = vector.broadcast %div3A_673 : f32 to vector<16xf32>
      %div3A_675 = arith.divf %select_n3A_672, %div3A_674 : vector<16xf32>
      %swap3A_676 = arith.index_cast %scan3A_608 : i32 to index
      %swap3A_677 = arith.constant 0 : index
      %swap3A_678 = tpu.vector_load %arg34[%swap3A_676, %swap3A_677] {strides = array<i32>} : memref<128x16xf32, #tpu.memory_space<vmem>>, vector<16xf32>,
      tpu.vector_store %arg34[%swap3A_676, %swap3A_677], %div3A_675 {strides = array<i32>} : memref<128x16xf32, #tpu.memory_space<vmem>>, vector<16xf32>,
    }
    %scan3A_67 = arith.constant 128 : i32
    %dma_start3A_68 = arith.constant 0 : i32
    %dma_start3A_69 = arith.constant 0 : i32
    %dma_start3A_70 = tpu.memref_slice %arg6[%select_n3A, %dma_start3A_68, %sub3A_21, %dma_start3A_69] : memref<2x3x2048x16xf32, #tpu.memory_space<hbm>> -> memref<1x1x128x16xf32, #tpu.memory_space<hbm>>
    %dma_start3A_71 = tpu.memref_squeeze %dma_start3A_70 : memref<1x1x128x16xf32, #tpu.memory_space<hbm>> -> memref<128x16xf32, #tpu.memory_space<hbm>>
    %dma_start3A_72 = arith.constant 0 : i32
    %dma_start3A_73 = tpu.memref_slice %arg6[%select_n3A, %dma_start3A_68, %sub3A_21, %dma_start3A_72] : memref<2x3x2048x16xf32, #tpu.memory_space<hbm>> -> memref<1x1x128x16xf32, #tpu.memory_space<hbm>>
    %dma_start3A_74 = tpu.memref_squeeze %dma_start3A_73 : memref<1x1x128x16xf32, #tpu.memory_space<hbm>> -> memref<128x16xf32, #tpu.memory_space<hbm>>
    tpu.enqueue_dma source(%arg29 : memref<128x16xf32, #tpu.memory_space<vmem>>) target(%dma_start3A_74 : memref<128x16xf32, #tpu.memory_space<hbm>>) target_semaphore(%arg28 : memref<!tpu.dma_semaphore, #tpu.memory_space<semaphore_mem>>)
    %dma_start3A_75 = arith.constant 1 : i32
    %dma_start3A_76 = arith.constant 0 : i32
    %dma_start3A_77 = tpu.memref_slice %arg6[%select_n3A, %dma_start3A_75, %sub3A_21, %dma_start3A_76] : memref<2x3x2048x16xf32, #tpu.memory_space<hbm>> -> memref<1x1x128x16xf32, #tpu.memory_space<hbm>>
    %dma_start3A_78 = tpu.memref_squeeze %dma_start3A_77 : memref<1x1x128x16xf32, #tpu.memory_space<hbm>> -> memref<128x16xf32, #tpu.memory_space<hbm>>
    %dma_start3A_79 = arith.constant 0 : i32
    %dma_start3A_80 = tpu.memref_slice %arg6[%select_n3A, %dma_start3A_75, %sub3A_21, %dma_start3A_79] : memref<2x3x2048x16xf32, #tpu.memory_space<hbm>> -> memref<1x1x128x16xf32, #tpu.memory_space<hbm>>
    %dma_start3A_81 = tpu.memref_squeeze %dma_start3A_80 : memref<1x1x128x16xf32, #tpu.memory_space<hbm>> -> memref<128x16xf32, #tpu.memory_space<hbm>>
    tpu.enqueue_dma source(%arg30 : memref<128x16xf32, #tpu.memory_space<vmem>>) target(%dma_start3A_81 : memref<128x16xf32, #tpu.memory_space<hbm>>) target_semaphore(%arg28 : memref<!tpu.dma_semaphore, #tpu.memory_space<semaphore_mem>>)
    %dma_start3A_82 = arith.constant 2 : i32
    %dma_start3A_83 = arith.constant 0 : i32
    %dma_start3A_84 = tpu.memref_slice %arg6[%select_n3A, %dma_start3A_82, %sub3A_21, %dma_start3A_83] : memref<2x3x2048x16xf32, #tpu.memory_space<hbm>> -> memref<1x1x128x16xf32, #tpu.memory_space<hbm>>
    %dma_start3A_85 = tpu.memref_squeeze %dma_start3A_84 : memref<1x1x128x16xf32, #tpu.memory_space<hbm>> -> memref<128x16xf32, #tpu.memory_space<hbm>>
    %dma_start3A_86 = arith.constant 0 : i32
    %dma_start3A_87 = tpu.memref_slice %arg6[%select_n3A, %dma_start3A_82, %sub3A_21, %dma_start3A_86] : memref<2x3x2048x16xf32, #tpu.memory_space<hbm>> -> memref<1x1x128x16xf32, #tpu.memory_space<hbm>>
    %dma_start3A_88 = tpu.memref_squeeze %dma_start3A_87 : memref<1x1x128x16xf32, #tpu.memory_space<hbm>> -> memref<128x16xf32, #tpu.memory_space<hbm>>
    tpu.enqueue_dma source(%arg31 : memref<128x16xf32, #tpu.memory_space<vmem>>) target(%dma_start3A_88 : memref<128x16xf32, #tpu.memory_space<hbm>>) target_semaphore(%arg28 : memref<!tpu.dma_semaphore, #tpu.memory_space<semaphore_mem>>)
    %dma_start3A_89 = arith.constant 0 : i32
    %dma_start3A_90 = arith.constant 0 : i32
    %dma_start3A_91 = arith.constant 0 : i32
    %dma_start3A_92 = tpu.memref_slice %arg5[%select_n3A, %dma_start3A_89, %dma_start3A_90, %sub3A_21, %dma_start3A_91] : memref<2x35x4x2048x16xf32, #tpu.memory_space<hbm>> -> memref<1x1x1x128x16xf32, #tpu.memory_space<hbm>>
    %dma_start3A_93 = tpu.memref_squeeze %dma_start3A_92 : memref<1x1x1x128x16xf32, #tpu.memory_space<hbm>> -> memref<128x16xf32, #tpu.memory_space<hbm>>
    %dma_start3A_94 = arith.constant 0 : i32
    %dma_start3A_95 = tpu.memref_slice %arg5[%select_n3A, %dma_start3A_89, %dma_start3A_90, %sub3A_21, %dma_start3A_94] : memref<2x35x4x2048x16xf32, #tpu.memory_space<hbm>> -> memref<1x1x1x128x16xf32, #tpu.memory_space<hbm>>
    %dma_start3A_96 = tpu.memref_squeeze %dma_start3A_95 : memref<1x1x1x128x16xf32, #tpu.memory_space<hbm>> -> memref<128x16xf32, #tpu.memory_space<hbm>>
    tpu.enqueue_dma source(%arg32 : memref<128x16xf32, #tpu.memory_space<vmem>>) target(%dma_start3A_96 : memref<128x16xf32, #tpu.memory_space<hbm>>) target_semaphore(%arg28 : memref<!tpu.dma_semaphore, #tpu.memory_space<semaphore_mem>>)
    %dma_start3A_97 = arith.constant 1 : i32
    %dma_start3A_98 = arith.constant 0 : i32
    %dma_start3A_99 = arith.constant 0 : i32
    %dma_start3A_100 = tpu.memref_slice %arg5[%select_n3A, %dma_start3A_97, %dma_start3A_98, %sub3A_21, %dma_start3A_99] : memref<2x35x4x2048x16xf32, #tpu.memory_space<hbm>> -> memref<1x1x1x128x16xf32, #tpu.memory_space<hbm>>
    %dma_start3A_101 = tpu.memref_squeeze %dma_start3A_100 : memref<1x1x1x128x16xf32, #tpu.memory_space<hbm>> -> memref<128x16xf32, #tpu.memory_space<hbm>>
    %dma_start3A_102 = arith.constant 0 : i32
    %dma_start3A_103 = tpu.memref_slice %arg5[%select_n3A, %dma_start3A_97, %dma_start3A_98, %sub3A_21, %dma_start3A_102] : memref<2x35x4x2048x16xf32, #tpu.memory_space<hbm>> -> memref<1x1x1x128x16xf32, #tpu.memory_space<hbm>>
    %dma_start3A_104 = tpu.memref_squeeze %dma_start3A_103 : memref<1x1x1x128x16xf32, #tpu.memory_space<hbm>> -> memref<128x16xf32, #tpu.memory_space<hbm>>
    tpu.enqueue_dma source(%arg33 : memref<128x16xf32, #tpu.memory_space<vmem>>) target(%dma_start3A_104 : memref<128x16xf32, #tpu.memory_space<hbm>>) target_semaphore(%arg28 : memref<!tpu.dma_semaphore, #tpu.memory_space<semaphore_mem>>)
    %dma_start3A_105 = arith.constant 2 : i32
    %dma_start3A_106 = arith.constant 0 : i32
    %dma_start3A_107 = arith.constant 0 : i32
    %dma_start3A_108 = tpu.memref_slice %arg5[%select_n3A, %dma_start3A_105, %dma_start3A_106, %sub3A_21, %dma_start3A_107] : memref<2x35x4x2048x16xf32, #tpu.memory_space<hbm>> -> memref<1x1x1x128x16xf32, #tpu.memory_space<hbm>>
    %dma_start3A_109 = tpu.memref_squeeze %dma_start3A_108 : memref<1x1x1x128x16xf32, #tpu.memory_space<hbm>> -> memref<128x16xf32, #tpu.memory_space<hbm>>
    %dma_start3A_110 = arith.constant 0 : i32
    %dma_start3A_111 = tpu.memref_slice %arg5[%select_n3A, %dma_start3A_105, %dma_start3A_106, %sub3A_21, %dma_start3A_110] : memref<2x35x4x2048x16xf32, #tpu.memory_space<hbm>> -> memref<1x1x1x128x16xf32, #tpu.memory_space<hbm>>
    %dma_start3A_112 = tpu.memref_squeeze %dma_start3A_111 : memref<1x1x1x128x16xf32, #tpu.memory_space<hbm>> -> memref<128x16xf32, #tpu.memory_space<hbm>>
    tpu.enqueue_dma source(%arg34 : memref<128x16xf32, #tpu.memory_space<vmem>>) target(%dma_start3A_112 : memref<128x16xf32, #tpu.memory_space<hbm>>) target_semaphore(%arg28 : memref<!tpu.dma_semaphore, #tpu.memory_space<semaphore_mem>>)
    %dma_start3A_113 = arith.constant 0 : i32
    %dma_start3A_114 = arith.constant 1 : i32
    %dma_start3A_115 = arith.constant 0 : i32
    %dma_start3A_116 = tpu.memref_slice %arg5[%select_n3A, %dma_start3A_113, %dma_start3A_114, %sub3A_21, %dma_start3A_115] : memref<2x35x4x2048x16xf32, #tpu.memory_space<hbm>> -> memref<1x1x1x128x16xf32, #tpu.memory_space<hbm>>
    %dma_start3A_117 = tpu.memref_squeeze %dma_start3A_116 : memref<1x1x1x128x16xf32, #tpu.memory_space<hbm>> -> memref<128x16xf32, #tpu.memory_space<hbm>>
    %dma_start3A_118 = arith.constant 0 : i32
    %dma_start3A_119 = tpu.memref_slice %arg5[%select_n3A, %dma_start3A_113, %dma_start3A_114, %sub3A_21, %dma_start3A_118] : memref<2x35x4x2048x16xf32, #tpu.memory_space<hbm>> -> memref<1x1x1x128x16xf32, #tpu.memory_space<hbm>>
    %dma_start3A_120 = tpu.memref_squeeze %dma_start3A_119 : memref<1x1x1x128x16xf32, #tpu.memory_space<hbm>> -> memref<128x16xf32, #tpu.memory_space<hbm>>
    tpu.enqueue_dma source(%arg32 : memref<128x16xf32, #tpu.memory_space<vmem>>) target(%dma_start3A_120 : memref<128x16xf32, #tpu.memory_space<hbm>>) target_semaphore(%arg28 : memref<!tpu.dma_semaphore, #tpu.memory_space<semaphore_mem>>)
    %dma_start3A_121 = arith.constant 1 : i32
    %dma_start3A_122 = arith.constant 1 : i32
    %dma_start3A_123 = arith.constant 0 : i32
    %dma_start3A_124 = tpu.memref_slice %arg5[%select_n3A, %dma_start3A_121, %dma_start3A_122, %sub3A_21, %dma_start3A_123] : memref<2x35x4x2048x16xf32, #tpu.memory_space<hbm>> -> memref<1x1x1x128x16xf32, #tpu.memory_space<hbm>>
    %dma_start3A_125 = tpu.memref_squeeze %dma_start3A_124 : memref<1x1x1x128x16xf32, #tpu.memory_space<hbm>> -> memref<128x16xf32, #tpu.memory_space<hbm>>
    %dma_start3A_126 = arith.constant 0 : i32
    %dma_start3A_127 = tpu.memref_slice %arg5[%select_n3A, %dma_start3A_121, %dma_start3A_122, %sub3A_21, %dma_start3A_126] : memref<2x35x4x2048x16xf32, #tpu.memory_space<hbm>> -> memref<1x1x1x128x16xf32, #tpu.memory_space<hbm>>
    %dma_start3A_128 = tpu.memref_squeeze %dma_start3A_127 : memref<1x1x1x128x16xf32, #tpu.memory_space<hbm>> -> memref<128x16xf32, #tpu.memory_space<hbm>>
    tpu.enqueue_dma source(%arg33 : memref<128x16xf32, #tpu.memory_space<vmem>>) target(%dma_start3A_128 : memref<128x16xf32, #tpu.memory_space<hbm>>) target_semaphore(%arg28 : memref<!tpu.dma_semaphore, #tpu.memory_space<semaphore_mem>>)
    %dma_start3A_129 = arith.constant 2 : i32
    %dma_start3A_130 = arith.constant 1 : i32
    %dma_start3A_131 = arith.constant 0 : i32
    %dma_start3A_132 = tpu.memref_slice %arg5[%select_n3A, %dma_start3A_129, %dma_start3A_130, %sub3A_21, %dma_start3A_131] : memref<2x35x4x2048x16xf32, #tpu.memory_space<hbm>> -> memref<1x1x1x128x16xf32, #tpu.memory_space<hbm>>
    %dma_start3A_133 = tpu.memref_squeeze %dma_start3A_132 : memref<1x1x1x128x16xf32, #tpu.memory_space<hbm>> -> memref<128x16xf32, #tpu.memory_space<hbm>>
    %dma_start3A_134 = arith.constant 0 : i32
    %dma_start3A_135 = tpu.memref_slice %arg5[%select_n3A, %dma_start3A_129, %dma_start3A_130, %sub3A_21, %dma_start3A_134] : memref<2x35x4x2048x16xf32, #tpu.memory_space<hbm>> -> memref<1x1x1x128x16xf32, #tpu.memory_space<hbm>>
    %dma_start3A_136 = tpu.memref_squeeze %dma_start3A_135 : memref<1x1x1x128x16xf32, #tpu.memory_space<hbm>> -> memref<128x16xf32, #tpu.memory_space<hbm>>
    tpu.enqueue_dma source(%arg34 : memref<128x16xf32, #tpu.memory_space<vmem>>) target(%dma_start3A_136 : memref<128x16xf32, #tpu.memory_space<hbm>>) target_semaphore(%arg28 : memref<!tpu.dma_semaphore, #tpu.memory_space<semaphore_mem>>)
    %dma_start3A_137 = arith.constant 0 : i32
    %dma_start3A_138 = arith.constant 2 : i32
    %dma_start3A_139 = arith.constant 0 : i32
    %dma_start3A_140 = tpu.memref_slice %arg5[%select_n3A, %dma_start3A_137, %dma_start3A_138, %sub3A_21, %dma_start3A_139] : memref<2x35x4x2048x16xf32, #tpu.memory_space<hbm>> -> memref<1x1x1x128x16xf32, #tpu.memory_space<hbm>>
    %dma_start3A_141 = tpu.memref_squeeze %dma_start3A_140 : memref<1x1x1x128x16xf32, #tpu.memory_space<hbm>> -> memref<128x16xf32, #tpu.memory_space<hbm>>
    %dma_start3A_142 = arith.constant 0 : i32
    %dma_start3A_143 = tpu.memref_slice %arg5[%select_n3A, %dma_start3A_137, %dma_start3A_138, %sub3A_21, %dma_start3A_142] : memref<2x35x4x2048x16xf32, #tpu.memory_space<hbm>> -> memref<1x1x1x128x16xf32, #tpu.memory_space<hbm>>
    %dma_start3A_144 = tpu.memref_squeeze %dma_start3A_143 : memref<1x1x1x128x16xf32, #tpu.memory_space<hbm>> -> memref<128x16xf32, #tpu.memory_space<hbm>>
    tpu.enqueue_dma source(%arg32 : memref<128x16xf32, #tpu.memory_space<vmem>>) target(%dma_start3A_144 : memref<128x16xf32, #tpu.memory_space<hbm>>) target_semaphore(%arg28 : memref<!tpu.dma_semaphore, #tpu.memory_space<semaphore_mem>>)
    %dma_start3A_145 = arith.constant 1 : i32
    %dma_start3A_146 = arith.constant 2 : i32
    %dma_start3A_147 = arith.constant 0 : i32
    %dma_start3A_148 = tpu.memref_slice %arg5[%select_n3A, %dma_start3A_145, %dma_start3A_146, %sub3A_21, %dma_start3A_147] : memref<2x35x4x2048x16xf32, #tpu.memory_space<hbm>> -> memref<1x1x1x128x16xf32, #tpu.memory_space<hbm>>
    %dma_start3A_149 = tpu.memref_squeeze %dma_start3A_148 : memref<1x1x1x128x16xf32, #tpu.memory_space<hbm>> -> memref<128x16xf32, #tpu.memory_space<hbm>>
    %dma_start3A_150 = arith.constant 0 : i32
    %dma_start3A_151 = tpu.memref_slice %arg5[%select_n3A, %dma_start3A_145, %dma_start3A_146, %sub3A_21, %dma_start3A_150] : memref<2x35x4x2048x16xf32, #tpu.memory_space<hbm>> -> memref<1x1x1x128x16xf32, #tpu.memory_space<hbm>>
    %dma_start3A_152 = tpu.memref_squeeze %dma_start3A_151 : memref<1x1x1x128x16xf32, #tpu.memory_space<hbm>> -> memref<128x16xf32, #tpu.memory_space<hbm>>
    tpu.enqueue_dma source(%arg33 : memref<128x16xf32, #tpu.memory_space<vmem>>) target(%dma_start3A_152 : memref<128x16xf32, #tpu.memory_space<hbm>>) target_semaphore(%arg28 : memref<!tpu.dma_semaphore, #tpu.memory_space<semaphore_mem>>)
    %dma_start3A_153 = arith.constant 2 : i32
    %dma_start3A_154 = arith.constant 2 : i32
    %dma_start3A_155 = arith.constant 0 : i32
    %dma_start3A_156 = tpu.memref_slice %arg5[%select_n3A, %dma_start3A_153, %dma_start3A_154, %sub3A_21, %dma_start3A_155] : memref<2x35x4x2048x16xf32, #tpu.memory_space<hbm>> -> memref<1x1x1x128x16xf32, #tpu.memory_space<hbm>>
    %dma_start3A_157 = tpu.memref_squeeze %dma_start3A_156 : memref<1x1x1x128x16xf32, #tpu.memory_space<hbm>> -> memref<128x16xf32, #tpu.memory_space<hbm>>
    %dma_start3A_158 = arith.constant 0 : i32
    %dma_start3A_159 = tpu.memref_slice %arg5[%select_n3A, %dma_start3A_153, %dma_start3A_154, %sub3A_21, %dma_start3A_158] : memref<2x35x4x2048x16xf32, #tpu.memory_space<hbm>> -> memref<1x1x1x128x16xf32, #tpu.memory_space<hbm>>
    %dma_start3A_160 = tpu.memref_squeeze %dma_start3A_159 : memref<1x1x1x128x16xf32, #tpu.memory_space<hbm>> -> memref<128x16xf32, #tpu.memory_space<hbm>>
    tpu.enqueue_dma source(%arg34 : memref<128x16xf32, #tpu.memory_space<vmem>>) target(%dma_start3A_160 : memref<128x16xf32, #tpu.memory_space<hbm>>) target_semaphore(%arg28 : memref<!tpu.dma_semaphore, #tpu.memory_space<semaphore_mem>>)
    %dma_start3A_161 = arith.constant 0 : i32
    %dma_start3A_162 = arith.constant 3 : i32
    %dma_start3A_163 = arith.constant 0 : i32
    %dma_start3A_164 = tpu.memref_slice %arg5[%select_n3A, %dma_start3A_161, %dma_start3A_162, %sub3A_21, %dma_start3A_163] : memref<2x35x4x2048x16xf32, #tpu.memory_space<hbm>> -> memref<1x1x1x128x16xf32, #tpu.memory_space<hbm>>
    %dma_start3A_165 = tpu.memref_squeeze %dma_start3A_164 : memref<1x1x1x128x16xf32, #tpu.memory_space<hbm>> -> memref<128x16xf32, #tpu.memory_space<hbm>>
    %dma_start3A_166 = arith.constant 0 : i32
    %dma_start3A_167 = tpu.memref_slice %arg5[%select_n3A, %dma_start3A_161, %dma_start3A_162, %sub3A_21, %dma_start3A_166] : memref<2x35x4x2048x16xf32, #tpu.memory_space<hbm>> -> memref<1x1x1x128x16xf32, #tpu.memory_space<hbm>>
    %dma_start3A_168 = tpu.memref_squeeze %dma_start3A_167 : memref<1x1x1x128x16xf32, #tpu.memory_space<hbm>> -> memref<128x16xf32, #tpu.memory_space<hbm>>
    tpu.enqueue_dma source(%arg32 : memref<128x16xf32, #tpu.memory_space<vmem>>) target(%dma_start3A_168 : memref<128x16xf32, #tpu.memory_space<hbm>>) target_semaphore(%arg28 : memref<!tpu.dma_semaphore, #tpu.memory_space<semaphore_mem>>)
    %dma_start3A_169 = arith.constant 1 : i32
    %dma_start3A_170 = arith.constant 3 : i32
    %dma_start3A_171 = arith.constant 0 : i32
    %dma_start3A_172 = tpu.memref_slice %arg5[%select_n3A, %dma_start3A_169, %dma_start3A_170, %sub3A_21, %dma_start3A_171] : memref<2x35x4x2048x16xf32, #tpu.memory_space<hbm>> -> memref<1x1x1x128x16xf32, #tpu.memory_space<hbm>>
    %dma_start3A_173 = tpu.memref_squeeze %dma_start3A_172 : memref<1x1x1x128x16xf32, #tpu.memory_space<hbm>> -> memref<128x16xf32, #tpu.memory_space<hbm>>
    %dma_start3A_174 = arith.constant 0 : i32
    %dma_start3A_175 = tpu.memref_slice %arg5[%select_n3A, %dma_start3A_169, %dma_start3A_170, %sub3A_21, %dma_start3A_174] : memref<2x35x4x2048x16xf32, #tpu.memory_space<hbm>> -> memref<1x1x1x128x16xf32, #tpu.memory_space<hbm>>
    %dma_start3A_176 = tpu.memref_squeeze %dma_start3A_175 : memref<1x1x1x128x16xf32, #tpu.memory_space<hbm>> -> memref<128x16xf32, #tpu.memory_space<hbm>>
    tpu.enqueue_dma source(%arg33 : memref<128x16xf32, #tpu.memory_space<vmem>>) target(%dma_start3A_176 : memref<128x16xf32, #tpu.memory_space<hbm>>) target_semaphore(%arg28 : memref<!tpu.dma_semaphore, #tpu.memory_space<semaphore_mem>>)
    %dma_start3A_177 = arith.constant 2 : i32
    %dma_start3A_178 = arith.constant 3 : i32
    %dma_start3A_179 = arith.constant 0 : i32
    %dma_start3A_180 = tpu.memref_slice %arg5[%select_n3A, %dma_start3A_177, %dma_start3A_178, %sub3A_21, %dma_start3A_179] : memref<2x35x4x2048x16xf32, #tpu.memory_space<hbm>> -> memref<1x1x1x128x16xf32, #tpu.memory_space<hbm>>
    %dma_start3A_181 = tpu.memref_squeeze %dma_start3A_180 : memref<1x1x1x128x16xf32, #tpu.memory_space<hbm>> -> memref<128x16xf32, #tpu.memory_space<hbm>>
    %dma_start3A_182 = arith.constant 0 : i32
    %dma_start3A_183 = tpu.memref_slice %arg5[%select_n3A, %dma_start3A_177, %dma_start3A_178, %sub3A_21, %dma_start3A_182] : memref<2x35x4x2048x16xf32, #tpu.memory_space<hbm>> -> memref<1x1x1x128x16xf32, #tpu.memory_space<hbm>>
    %dma_start3A_184 = tpu.memref_squeeze %dma_start3A_183 : memref<1x1x1x128x16xf32, #tpu.memory_space<hbm>> -> memref<128x16xf32, #tpu.memory_space<hbm>>
    tpu.enqueue_dma source(%arg34 : memref<128x16xf32, #tpu.memory_space<vmem>>) target(%dma_start3A_184 : memref<128x16xf32, #tpu.memory_space<hbm>>) target_semaphore(%arg28 : memref<!tpu.dma_semaphore, #tpu.memory_space<semaphore_mem>>)
    %barrier3A = arith.constant 0 : index
    tpu.barrier barrier_id(%barrier3A)
    "tpu.region"() ({
      %run_scoped3A = tpu.sem_alloc : memref<!tpu.dma_semaphore, #tpu.memory_space<semaphore_mem>>
      %dma_start3A_539 = arith.constant 0 : i32
      %dma_start3A_540 = tpu.memref_slice %arg8[%select_n3A, %sub3A_30, %dma_start3A_539] : memref<2x2048x16xi32, #tpu.memory_space<hbm>> -> memref<1x128x16xi32, #tpu.memory_space<hbm>>
      %dma_start3A_541 = tpu.memref_squeeze %dma_start3A_540 : memref<1x128x16xi32, #tpu.memory_space<hbm>> -> memref<128x16xi32, #tpu.memory_space<hbm>>
      %dma_start3A_542 = arith.constant 0 : i32
      %dma_start3A_543 = tpu.memref_slice %arg8[%select_n3A, %sub3A_30, %dma_start3A_542] : memref<2x2048x16xi32, #tpu.memory_space<hbm>> -> memref<1x128x16xi32, #tpu.memory_space<hbm>>
      %dma_start3A_544 = tpu.memref_squeeze %dma_start3A_543 : memref<1x128x16xi32, #tpu.memory_space<hbm>> -> memref<128x16xi32, #tpu.memory_space<hbm>>
      tpu.enqueue_dma source(%dma_start3A_544 : memref<128x16xi32, #tpu.memory_space<hbm>>) target(%arg15 : memref<128x16xi32, #tpu.memory_space<vmem>>) target_semaphore(%run_scoped3A : memref<!tpu.dma_semaphore, #tpu.memory_space<semaphore_mem>>)
      %dma_wait3A_545 = arith.constant 0 : i32
      %dma_wait3A_546 = tpu.memref_slice %arg8[%select_n3A, %sub3A_30, %dma_wait3A_545] : memref<2x2048x16xi32, #tpu.memory_space<hbm>> -> memref<1x128x16xi32, #tpu.memory_space<hbm>>
      %dma_wait3A_547 = tpu.memref_squeeze %dma_wait3A_546 : memref<1x128x16xi32, #tpu.memory_space<hbm>> -> memref<128x16xi32, #tpu.memory_space<hbm>>
      %dma_wait3A_548 = arith.constant 0 : i32
      %dma_wait3A_549 = tpu.memref_slice %arg8[%select_n3A, %sub3A_30, %dma_wait3A_548] : memref<2x2048x16xi32, #tpu.memory_space<hbm>> -> memref<1x128x16xi32, #tpu.memory_space<hbm>>
      %dma_wait3A_550 = tpu.memref_squeeze %dma_wait3A_549 : memref<1x128x16xi32, #tpu.memory_space<hbm>> -> memref<128x16xi32, #tpu.memory_space<hbm>>
      tpu.wait_dma2 semaphore(%run_scoped3A : memref<!tpu.dma_semaphore, #tpu.memory_space<semaphore_mem>>) src(%dma_wait3A_550 : memref<128x16xi32, #tpu.memory_space<hbm>>) dst(%arg15 : memref<128x16xi32, #tpu.memory_space<vmem>>)
      tpu.yield
    }) : () -> ()
    %jit3A_185 = arith.constant 2 : i32
    %eq3A = arith.constant 0 : i32
    %eq3A_186 = arith.cmpi eq, %jit3A_185, %eq3A : i32
    %jit3A_187 = arith.constant 1 : i32
    %select_n3A_188 = arith.select %eq3A_186, %jit3A_187, %jit3A_185 : i32
    %rem3A_189 = arith.remsi %arg1, %select_n3A_188 : i32
    %ne3A_190 = arith.constant 0 : i32
    %ne3A_191 = arith.cmpi ne, %rem3A_189, %ne3A_190 : i32
    %lt3A = arith.constant 0 : i32
    %lt3A_192 = arith.cmpi slt, %rem3A_189, %lt3A : i32
    %lt3A_193 = arith.constant 0 : i32
    %lt3A_194 = arith.cmpi slt, %select_n3A_188, %lt3A_193 : i32
    %ne3A_195 = arith.xori %lt3A_192, %lt3A_194 : i1
    %and3A_196 = arith.andi %ne3A_195, %ne3A_191 : i1
    %add3A_197 = arith.addi %rem3A_189, %select_n3A_188 : i32
    %select_n3A_198 = arith.select %and3A_196, %add3A_197, %rem3A_189 : i32
    %mul3A_199 = arith.constant 64 : i32
    %mul3A_200 = arith.muli %select_n3A_198, %mul3A_199 : i32
    %dma_start3A_201 = arith.constant 0 : i32
    %dma_start3A_202 = tpu.memref_slice %arg18[%dma_start3A_201] : memref<8208xf32, #tpu.memory_space<vmem>> -> memref<8192xf32, #tpu.memory_space<vmem>>
    %dma_start3A_203 = arith.constant 0 : i32
    %dma_start3A_204 = tpu.memref_slice %arg4[%select_n3A, %mul3A_200, %dma_start3A_203] : memref<2x128x8192xf32, #tpu.memory_space<hbm>> -> memref<1x1x8192xf32, #tpu.memory_space<hbm>>
    %dma_start3A_205 = tpu.memref_squeeze %dma_start3A_204 : memref<1x1x8192xf32, #tpu.memory_space<hbm>> -> memref<8192xf32, #tpu.memory_space<hbm>>
    %dma_start3A_206 = arith.constant 0 : i32
    %dma_start3A_207 = tpu.memref_slice %arg18[%dma_start3A_206] : memref<8208xf32, #tpu.memory_space<vmem>> -> memref<8192xf32, #tpu.memory_space<vmem>>
    %dma_start3A_208 = arith.constant 0 : i32
    %dma_start3A_209 = tpu.memref_slice %arg4[%select_n3A, %mul3A_200, %dma_start3A_208] : memref<2x128x8192xf32, #tpu.memory_space<hbm>> -> memref<1x1x8192xf32, #tpu.memory_space<hbm>>
    %dma_start3A_210 = tpu.memref_squeeze %dma_start3A_209 : memref<1x1x8192xf32, #tpu.memory_space<hbm>> -> memref<8192xf32, #tpu.memory_space<hbm>>
    tpu.enqueue_dma source(%dma_start3A_210 : memref<8192xf32, #tpu.memory_space<hbm>>) target(%dma_start3A_207 : memref<8192xf32, #tpu.memory_space<vmem>>) target_semaphore(%arg24 : memref<!tpu.dma_semaphore, #tpu.memory_space<semaphore_mem>>)
    %scan3A_211 = arith.constant 0 : i32
    %scan3A_212 = arith.constant 0 : i32
    %scan3A_213 = arith.constant 32 : i32
    %scan3A_214 = arith.addi %scan3A_212, %scan3A_213 : i32
    %scan3A_215 = arith.constant 1 : i32
    scf.for %scan3A_539 = %scan3A_212 to %scan3A_214 step %scan3A_215  : i32 {
      %mul3A_540 = arith.constant 2 : i32
      %mul3A_541 = arith.muli %scan3A_539, %mul3A_540 : i32
      %add3A_542 = arith.addi %mul3A_200, %mul3A_541 : i32
      %dma_wait3A_543 = arith.constant 0 : i32
      %dma_wait3A_544 = tpu.memref_slice %arg18[%dma_wait3A_543] : memref<8208xf32, #tpu.memory_space<vmem>> -> memref<8192xf32, #tpu.memory_space<vmem>>
      %dma_wait3A_545 = arith.constant 0 : i32
      %dma_wait3A_546 = tpu.memref_slice %arg4[%select_n3A, %add3A_542, %dma_wait3A_545] : memref<2x128x8192xf32, #tpu.memory_space<hbm>> -> memref<1x1x8192xf32, #tpu.memory_space<hbm>>
      %dma_wait3A_547 = tpu.memref_squeeze %dma_wait3A_546 : memref<1x1x8192xf32, #tpu.memory_space<hbm>> -> memref<8192xf32, #tpu.memory_space<hbm>>
      %dma_wait3A_548 = arith.constant 0 : i32
      %dma_wait3A_549 = tpu.memref_slice %arg18[%dma_wait3A_548] : memref<8208xf32, #tpu.memory_space<vmem>> -> memref<8192xf32, #tpu.memory_space<vmem>>
      %dma_wait3A_550 = arith.constant 0 : i32
      %dma_wait3A_551 = tpu.memref_slice %arg4[%select_n3A, %add3A_542, %dma_wait3A_550] : memref<2x128x8192xf32, #tpu.memory_space<hbm>> -> memref<1x1x8192xf32, #tpu.memory_space<hbm>>
      %dma_wait3A_552 = tpu.memref_squeeze %dma_wait3A_551 : memref<1x1x8192xf32, #tpu.memory_space<hbm>> -> memref<8192xf32, #tpu.memory_space<hbm>>
      tpu.wait_dma2 semaphore(%arg24 : memref<!tpu.dma_semaphore, #tpu.memory_space<semaphore_mem>>) src(%dma_wait3A_552 : memref<8192xf32, #tpu.memory_space<hbm>>) dst(%dma_wait3A_549 : memref<8192xf32, #tpu.memory_space<vmem>>)
      %add3A_553 = arith.constant 1 : i32
      %add3A_554 = arith.addi %add3A_542, %add3A_553 : i32
      %dma_start3A_555 = arith.constant 0 : i32
      %dma_start3A_556 = tpu.memref_slice %arg19[%dma_start3A_555] : memref<8208xf32, #tpu.memory_space<vmem>> -> memref<8192xf32, #tpu.memory_space<vmem>>
      %dma_start3A_557 = arith.constant 0 : i32
      %dma_start3A_558 = tpu.memref_slice %arg4[%select_n3A, %add3A_554, %dma_start3A_557] : memref<2x128x8192xf32, #tpu.memory_space<hbm>> -> memref<1x1x8192xf32, #tpu.memory_space<hbm>>
      %dma_start3A_559 = tpu.memref_squeeze %dma_start3A_558 : memref<1x1x8192xf32, #tpu.memory_space<hbm>> -> memref<8192xf32, #tpu.memory_space<hbm>>
      %dma_start3A_560 = arith.constant 0 : i32
      %dma_start3A_561 = tpu.memref_slice %arg19[%dma_start3A_560] : memref<8208xf32, #tpu.memory_space<vmem>> -> memref<8192xf32, #tpu.memory_space<vmem>>
      %dma_start3A_562 = arith.constant 0 : i32
      %dma_start3A_563 = tpu.memref_slice %arg4[%select_n3A, %add3A_554, %dma_start3A_562] : memref<2x128x8192xf32, #tpu.memory_space<hbm>> -> memref<1x1x8192xf32, #tpu.memory_space<hbm>>
      %dma_start3A_564 = tpu.memref_squeeze %dma_start3A_563 : memref<1x1x8192xf32, #tpu.memory_space<hbm>> -> memref<8192xf32, #tpu.memory_space<hbm>>
      tpu.enqueue_dma source(%dma_start3A_564 : memref<8192xf32, #tpu.memory_space<hbm>>) target(%dma_start3A_561 : memref<8192xf32, #tpu.memory_space<vmem>>) target_semaphore(%arg25 : memref<!tpu.dma_semaphore, #tpu.memory_space<semaphore_mem>>)
      %gt3A = arith.constant 0 : i32
      %gt3A_565 = arith.cmpi sgt, %scan3A_539, %gt3A : i32
      %convert_element_type3A = arith.extui %gt3A_565 : i1 to i32
      %cond3A = arith.constant 0 : i32
      %cond3A_566 = arith.cmpi ne, %convert_element_type3A, %cond3A : i32
      scf.if %cond3A_566 {
        %sub3A_811 = arith.constant 2 : i32
        %sub3A_812 = arith.subi %add3A_542, %sub3A_811 : i32
        %jit3A_813 = arith.constant 4 : i32
        %div3A_814 = arith.divsi %sub3A_812, %jit3A_813 : i32
        %sign3A_815 = arith.constant 0 : i32
        %sign3A_816 = arith.cmpi sgt, %sub3A_812, %sign3A_815 : i32
        %sign3A_817 = arith.extui %sign3A_816 : i1 to i32
        %sign3A_818 = arith.constant 0 : i32
        %sign3A_819 = arith.cmpi slt, %sub3A_812, %sign3A_818 : i32
        %sign3A_820 = arith.extui %sign3A_819 : i1 to i32
        %sign3A_821 = arith.subi %sign3A_817, %sign3A_820 : i32
        %sign3A_822 = arith.constant 0 : i32
        %sign3A_823 = arith.cmpi sgt, %jit3A_813, %sign3A_822 : i32
        %sign3A_824 = arith.extui %sign3A_823 : i1 to i32
        %sign3A_825 = arith.constant 0 : i32
        %sign3A_826 = arith.cmpi slt, %jit3A_813, %sign3A_825 : i32
        %sign3A_827 = arith.extui %sign3A_826 : i1 to i32
        %sign3A_828 = arith.subi %sign3A_824, %sign3A_827 : i32
        %ne3A_829 = arith.cmpi ne, %sign3A_821, %sign3A_828 : i32
        %rem3A_830 = arith.remsi %sub3A_812, %jit3A_813 : i32
        %ne3A_831 = arith.constant 0 : i32
        %ne3A_832 = arith.cmpi ne, %rem3A_830, %ne3A_831 : i32
        %and3A_833 = arith.andi %ne3A_829, %ne3A_832 : i1
        %sub3A_834 = arith.constant 1 : i32
        %sub3A_835 = arith.subi %div3A_814, %sub3A_834 : i32
        %select_n3A_836 = arith.select %and3A_833, %sub3A_835, %div3A_814 : i32
        %add3A_837 = arith.constant 3 : i32
        %add3A_838 = arith.addi %add3A_837, %select_n3A_836 : i32
        %jit3A_839 = arith.constant 4 : i32
        %eq3A_840 = arith.constant 0 : i32
        %eq3A_841 = arith.cmpi eq, %jit3A_839, %eq3A_840 : i32
        %jit3A_842 = arith.constant 1 : i32
        %select_n3A_843 = arith.select %eq3A_841, %jit3A_842, %jit3A_839 : i32
        %rem3A_844 = arith.remsi %sub3A_812, %select_n3A_843 : i32
        %ne3A_845 = arith.constant 0 : i32
        %ne3A_846 = arith.cmpi ne, %rem3A_844, %ne3A_845 : i32
        %lt3A_847 = arith.constant 0 : i32
        %lt3A_848 = arith.cmpi slt, %rem3A_844, %lt3A_847 : i32
        %lt3A_849 = arith.constant 0 : i32
        %lt3A_850 = arith.cmpi slt, %select_n3A_843, %lt3A_849 : i32
        %ne3A_851 = arith.xori %lt3A_848, %lt3A_850 : i1
        %and3A_852 = arith.andi %ne3A_851, %ne3A_846 : i1
        %add3A_853 = arith.addi %rem3A_844, %select_n3A_843 : i32
        %select_n3A_854 = arith.select %and3A_852, %add3A_853, %rem3A_844 : i32
        %dma_wait3A_855 = arith.constant 0 : i32
        %dma_wait3A_856 = tpu.memref_slice %arg5[%select_n3A, %add3A_838, %select_n3A_854, %sub3A_21, %dma_wait3A_855] : memref<2x35x4x2048x16xf32, #tpu.memory_space<hbm>> -> memref<1x1x1x128x16xf32, #tpu.memory_space<hbm>>
        %dma_wait3A_857 = tpu.memref_squeeze %dma_wait3A_856 : memref<1x1x1x128x16xf32, #tpu.memory_space<hbm>> -> memref<128x16xf32, #tpu.memory_space<hbm>>
        %dma_wait3A_858 = arith.constant 0 : i32
        %dma_wait3A_859 = tpu.memref_slice %arg5[%select_n3A, %add3A_838, %select_n3A_854, %sub3A_21, %dma_wait3A_858] : memref<2x35x4x2048x16xf32, #tpu.memory_space<hbm>> -> memref<1x1x1x128x16xf32, #tpu.memory_space<hbm>>
        %dma_wait3A_860 = tpu.memref_squeeze %dma_wait3A_859 : memref<1x1x1x128x16xf32, #tpu.memory_space<hbm>> -> memref<128x16xf32, #tpu.memory_space<hbm>>
        tpu.wait_dma2 semaphore(%arg26 : memref<!tpu.dma_semaphore, #tpu.memory_space<semaphore_mem>>) src(%arg20 : memref<128x16xf32, #tpu.memory_space<vmem>>) dst(%dma_wait3A_860 : memref<128x16xf32, #tpu.memory_space<hbm>>)
        %sub3A_861 = arith.constant 2 : i32
        %sub3A_862 = arith.subi %add3A_542, %sub3A_861 : i32
        %jit3A_863 = arith.constant 4 : i32
        %div3A_864 = arith.divsi %sub3A_862, %jit3A_863 : i32
        %sign3A_865 = arith.constant 0 : i32
        %sign3A_866 = arith.cmpi sgt, %sub3A_862, %sign3A_865 : i32
        %sign3A_867 = arith.extui %sign3A_866 : i1 to i32
        %sign3A_868 = arith.constant 0 : i32
        %sign3A_869 = arith.cmpi slt, %sub3A_862, %sign3A_868 : i32
        %sign3A_870 = arith.extui %sign3A_869 : i1 to i32
        %sign3A_871 = arith.subi %sign3A_867, %sign3A_870 : i32
        %sign3A_872 = arith.constant 0 : i32
        %sign3A_873 = arith.cmpi sgt, %jit3A_863, %sign3A_872 : i32
        %sign3A_874 = arith.extui %sign3A_873 : i1 to i32
        %sign3A_875 = arith.constant 0 : i32
        %sign3A_876 = arith.cmpi slt, %jit3A_863, %sign3A_875 : i32
        %sign3A_877 = arith.extui %sign3A_876 : i1 to i32
        %sign3A_878 = arith.subi %sign3A_874, %sign3A_877 : i32
        %ne3A_879 = arith.cmpi ne, %sign3A_871, %sign3A_878 : i32
        %rem3A_880 = arith.remsi %sub3A_862, %jit3A_863 : i32
        %ne3A_881 = arith.constant 0 : i32
        %ne3A_882 = arith.cmpi ne, %rem3A_880, %ne3A_881 : i32
        %and3A_883 = arith.andi %ne3A_879, %ne3A_882 : i1
        %sub3A_884 = arith.constant 1 : i32
        %sub3A_885 = arith.subi %div3A_864, %sub3A_884 : i32
        %select_n3A_886 = arith.select %and3A_883, %sub3A_885, %div3A_864 : i32
        %add3A_887 = arith.constant 3 : i32
        %add3A_888 = arith.addi %add3A_887, %select_n3A_886 : i32
        %jit3A_889 = arith.constant 4 : i32
        %eq3A_890 = arith.constant 0 : i32
        %eq3A_891 = arith.cmpi eq, %jit3A_889, %eq3A_890 : i32
        %jit3A_892 = arith.constant 1 : i32
        %select_n3A_893 = arith.select %eq3A_891, %jit3A_892, %jit3A_889 : i32
        %rem3A_894 = arith.remsi %sub3A_862, %select_n3A_893 : i32
        %ne3A_895 = arith.constant 0 : i32
        %ne3A_896 = arith.cmpi ne, %rem3A_894, %ne3A_895 : i32
        %lt3A_897 = arith.constant 0 : i32
        %lt3A_898 = arith.cmpi slt, %rem3A_894, %lt3A_897 : i32
        %lt3A_899 = arith.constant 0 : i32
        %lt3A_900 = arith.cmpi slt, %select_n3A_893, %lt3A_899 : i32
        %ne3A_901 = arith.xori %lt3A_898, %lt3A_900 : i1
        %and3A_902 = arith.andi %ne3A_901, %ne3A_896 : i1
        %add3A_903 = arith.addi %rem3A_894, %select_n3A_893 : i32
        %select_n3A_904 = arith.select %and3A_902, %add3A_903, %rem3A_894 : i32
        %dma_wait3A_905 = arith.constant 0 : i32
        %dma_wait3A_906 = tpu.memref_slice %arg5[%select_n3A, %add3A_888, %select_n3A_904, %sub3A_30, %dma_wait3A_905] : memref<2x35x4x2048x16xf32, #tpu.memory_space<hbm>> -> memref<1x1x1x128x16xf32, #tpu.memory_space<hbm>>
        %dma_wait3A_907 = tpu.memref_squeeze %dma_wait3A_906 : memref<1x1x1x128x16xf32, #tpu.memory_space<hbm>> -> memref<128x16xf32, #tpu.memory_space<hbm>>
        %dma_wait3A_908 = arith.constant 0 : i32
        %dma_wait3A_909 = tpu.memref_slice %arg5[%select_n3A, %add3A_888, %select_n3A_904, %sub3A_30, %dma_wait3A_908] : memref<2x35x4x2048x16xf32, #tpu.memory_space<hbm>> -> memref<1x1x1x128x16xf32, #tpu.memory_space<hbm>>
        %dma_wait3A_910 = tpu.memref_squeeze %dma_wait3A_909 : memref<1x1x1x128x16xf32, #tpu.memory_space<hbm>> -> memref<128x16xf32, #tpu.memory_space<hbm>>
        tpu.wait_dma2 semaphore(%arg26 : memref<!tpu.dma_semaphore, #tpu.memory_space<semaphore_mem>>) src(%arg21 : memref<128x16xf32, #tpu.memory_space<vmem>>) dst(%dma_wait3A_910 : memref<128x16xf32, #tpu.memory_space<hbm>>)
      } else {
      }
      %scan3A_567 = arith.constant 0 : i32
      %scan3A_568 = arith.constant 0 : i32
      %scan3A_569 = arith.constant 128 : i32
      %scan3A_570 = arith.addi %scan3A_568, %scan3A_569 : i32
      %scan3A_571 = arith.constant 4 : i32
      scf.for %scan3A_811 = %scan3A_568 to %scan3A_570 step %scan3A_571  : i32 {
        %get3A = arith.index_cast %scan3A_811 : i32 to index
        %get3A_812 = arith.constant 0 : index
        %get3A_813 = tpu.vector_load %arg14[%get3A, %get3A_812] {strides = array<i32>} : memref<128x16xi32, #tpu.memory_space<vmem>>, vector<16xi32>,
        %gather3A = tpu.vector_load_idx %arg18[%get3A_813] : memref<8208xf32, #tpu.memory_space<vmem>>[vector<16xi32>], vector<16xf32>,
        %swap3A_814 = arith.index_cast %scan3A_811 : i32 to index
        %swap3A_815 = arith.constant 0 : index
        %swap3A_816 = tpu.vector_load %arg20[%swap3A_814, %swap3A_815] {strides = array<i32>} : memref<128x16xf32, #tpu.memory_space<vmem>>, vector<16xf32>,
        tpu.vector_store %arg20[%swap3A_814, %swap3A_815], %gather3A {strides = array<i32>} : memref<128x16xf32, #tpu.memory_space<vmem>>, vector<16xf32>,
        %scan3A_817 = arith.constant 1 : i32
        %scan3A_818 = arith.addi %scan3A_811, %scan3A_817 : i32
        %get3A_819 = arith.index_cast %scan3A_818 : i32 to index
        %get3A_820 = arith.constant 0 : index
        %get3A_821 = tpu.vector_load %arg14[%get3A_819, %get3A_820] {strides = array<i32>} : memref<128x16xi32, #tpu.memory_space<vmem>>, vector<16xi32>,
        %gather3A_822 = tpu.vector_load_idx %arg18[%get3A_821] : memref<8208xf32, #tpu.memory_space<vmem>>[vector<16xi32>], vector<16xf32>,
        %swap3A_823 = arith.index_cast %scan3A_818 : i32 to index
        %swap3A_824 = arith.constant 0 : index
        %swap3A_825 = tpu.vector_load %arg20[%swap3A_823, %swap3A_824] {strides = array<i32>} : memref<128x16xf32, #tpu.memory_space<vmem>>, vector<16xf32>,
        tpu.vector_store %arg20[%swap3A_823, %swap3A_824], %gather3A_822 {strides = array<i32>} : memref<128x16xf32, #tpu.memory_space<vmem>>, vector<16xf32>,
        %scan3A_826 = arith.constant 2 : i32
        %scan3A_827 = arith.addi %scan3A_811, %scan3A_826 : i32
        %get3A_828 = arith.index_cast %scan3A_827 : i32 to index
        %get3A_829 = arith.constant 0 : index
        %get3A_830 = tpu.vector_load %arg14[%get3A_828, %get3A_829] {strides = array<i32>} : memref<128x16xi32, #tpu.memory_space<vmem>>, vector<16xi32>,
        %gather3A_831 = tpu.vector_load_idx %arg18[%get3A_830] : memref<8208xf32, #tpu.memory_space<vmem>>[vector<16xi32>], vector<16xf32>,
        %swap3A_832 = arith.index_cast %scan3A_827 : i32 to index
        %swap3A_833 = arith.constant 0 : index
        %swap3A_834 = tpu.vector_load %arg20[%swap3A_832, %swap3A_833] {strides = array<i32>} : memref<128x16xf32, #tpu.memory_space<vmem>>, vector<16xf32>,
        tpu.vector_store %arg20[%swap3A_832, %swap3A_833], %gather3A_831 {strides = array<i32>} : memref<128x16xf32, #tpu.memory_space<vmem>>, vector<16xf32>,
        %scan3A_835 = arith.constant 3 : i32
        %scan3A_836 = arith.addi %scan3A_811, %scan3A_835 : i32
        %get3A_837 = arith.index_cast %scan3A_836 : i32 to index
        %get3A_838 = arith.constant 0 : index
        %get3A_839 = tpu.vector_load %arg14[%get3A_837, %get3A_838] {strides = array<i32>} : memref<128x16xi32, #tpu.memory_space<vmem>>, vector<16xi32>,
        %gather3A_840 = tpu.vector_load_idx %arg18[%get3A_839] : memref<8208xf32, #tpu.memory_space<vmem>>[vector<16xi32>], vector<16xf32>,
        %swap3A_841 = arith.index_cast %scan3A_836 : i32 to index
        %swap3A_842 = arith.constant 0 : index
        %swap3A_843 = tpu.vector_load %arg20[%swap3A_841, %swap3A_842] {strides = array<i32>} : memref<128x16xf32, #tpu.memory_space<vmem>>, vector<16xf32>,
        tpu.vector_store %arg20[%swap3A_841, %swap3A_842], %gather3A_840 {strides = array<i32>} : memref<128x16xf32, #tpu.memory_space<vmem>>, vector<16xf32>,
      }
      %scan3A_572 = arith.constant 128 : i32
      %scan3A_573 = arith.constant 0 : i32
      %scan3A_574 = arith.constant 0 : i32
      %scan3A_575 = arith.constant 128 : i32
      %scan3A_576 = arith.addi %scan3A_574, %scan3A_575 : i32
      %scan3A_577 = arith.constant 4 : i32
      scf.for %scan3A_811 = %scan3A_574 to %scan3A_576 step %scan3A_577  : i32 {
        %get3A = arith.index_cast %scan3A_811 : i32 to index
        %get3A_812 = arith.constant 0 : index
        %get3A_813 = tpu.vector_load %arg15[%get3A, %get3A_812] {strides = array<i32>} : memref<128x16xi32, #tpu.memory_space<vmem>>, vector<16xi32>,
        %gather3A = tpu.vector_load_idx %arg18[%get3A_813] : memref<8208xf32, #tpu.memory_space<vmem>>[vector<16xi32>], vector<16xf32>,
        %swap3A_814 = arith.index_cast %scan3A_811 : i32 to index
        %swap3A_815 = arith.constant 0 : index
        %swap3A_816 = tpu.vector_load %arg21[%swap3A_814, %swap3A_815] {strides = array<i32>} : memref<128x16xf32, #tpu.memory_space<vmem>>, vector<16xf32>,
        tpu.vector_store %arg21[%swap3A_814, %swap3A_815], %gather3A {strides = array<i32>} : memref<128x16xf32, #tpu.memory_space<vmem>>, vector<16xf32>,
        %scan3A_817 = arith.constant 1 : i32
        %scan3A_818 = arith.addi %scan3A_811, %scan3A_817 : i32
        %get3A_819 = arith.index_cast %scan3A_818 : i32 to index
        %get3A_820 = arith.constant 0 : index
        %get3A_821 = tpu.vector_load %arg15[%get3A_819, %get3A_820] {strides = array<i32>} : memref<128x16xi32, #tpu.memory_space<vmem>>, vector<16xi32>,
        %gather3A_822 = tpu.vector_load_idx %arg18[%get3A_821] : memref<8208xf32, #tpu.memory_space<vmem>>[vector<16xi32>], vector<16xf32>,
        %swap3A_823 = arith.index_cast %scan3A_818 : i32 to index
        %swap3A_824 = arith.constant 0 : index
        %swap3A_825 = tpu.vector_load %arg21[%swap3A_823, %swap3A_824] {strides = array<i32>} : memref<128x16xf32, #tpu.memory_space<vmem>>, vector<16xf32>,
        tpu.vector_store %arg21[%swap3A_823, %swap3A_824], %gather3A_822 {strides = array<i32>} : memref<128x16xf32, #tpu.memory_space<vmem>>, vector<16xf32>,
        %scan3A_826 = arith.constant 2 : i32
        %scan3A_827 = arith.addi %scan3A_811, %scan3A_826 : i32
        %get3A_828 = arith.index_cast %scan3A_827 : i32 to index
        %get3A_829 = arith.constant 0 : index
        %get3A_830 = tpu.vector_load %arg15[%get3A_828, %get3A_829] {strides = array<i32>} : memref<128x16xi32, #tpu.memory_space<vmem>>, vector<16xi32>,
        %gather3A_831 = tpu.vector_load_idx %arg18[%get3A_830] : memref<8208xf32, #tpu.memory_space<vmem>>[vector<16xi32>], vector<16xf32>,
        %swap3A_832 = arith.index_cast %scan3A_827 : i32 to index
        %swap3A_833 = arith.constant 0 : index
        %swap3A_834 = tpu.vector_load %arg21[%swap3A_832, %swap3A_833] {strides = array<i32>} : memref<128x16xf32, #tpu.memory_space<vmem>>, vector<16xf32>,
        tpu.vector_store %arg21[%swap3A_832, %swap3A_833], %gather3A_831 {strides = array<i32>} : memref<128x16xf32, #tpu.memory_space<vmem>>, vector<16xf32>,
        %scan3A_835 = arith.constant 3 : i32
        %scan3A_836 = arith.addi %scan3A_811, %scan3A_835 : i32
        %get3A_837 = arith.index_cast %scan3A_836 : i32 to index
        %get3A_838 = arith.constant 0 : index
        %get3A_839 = tpu.vector_load %arg15[%get3A_837, %get3A_838] {strides = array<i32>} : memref<128x16xi32, #tpu.memory_space<vmem>>, vector<16xi32>,
        %gather3A_840 = tpu.vector_load_idx %arg18[%get3A_839] : memref<8208xf32, #tpu.memory_space<vmem>>[vector<16xi32>], vector<16xf32>,
        %swap3A_841 = arith.index_cast %scan3A_836 : i32 to index
        %swap3A_842 = arith.constant 0 : index
        %swap3A_843 = tpu.vector_load %arg21[%swap3A_841, %swap3A_842] {strides = array<i32>} : memref<128x16xf32, #tpu.memory_space<vmem>>, vector<16xf32>,
        tpu.vector_store %arg21[%swap3A_841, %swap3A_842], %gather3A_840 {strides = array<i32>} : memref<128x16xf32, #tpu.memory_space<vmem>>, vector<16xf32>,
      }
      %scan3A_578 = arith.constant 128 : i32
      %jit3A_579 = arith.constant 4 : i32
      %div3A_580 = arith.divsi %add3A_542, %jit3A_579 : i32
      %sign3A_581 = arith.constant 0 : i32
      %sign3A_582 = arith.cmpi sgt, %add3A_542, %sign3A_581 : i32
      %sign3A_583 = arith.extui %sign3A_582 : i1 to i32
      %sign3A_584 = arith.constant 0 : i32
      %sign3A_585 = arith.cmpi slt, %add3A_542, %sign3A_584 : i32
      %sign3A_586 = arith.extui %sign3A_585 : i1 to i32
      %sign3A_587 = arith.subi %sign3A_583, %sign3A_586 : i32
      %sign3A_588 = arith.constant 0 : i32
      %sign3A_589 = arith.cmpi sgt, %jit3A_579, %sign3A_588 : i32
      %sign3A_590 = arith.extui %sign3A_589 : i1 to i32
      %sign3A_591 = arith.constant 0 : i32
      %sign3A_592 = arith.cmpi slt, %jit3A_579, %sign3A_591 : i32
      %sign3A_593 = arith.extui %sign3A_592 : i1 to i32
      %sign3A_594 = arith.subi %sign3A_590, %sign3A_593 : i32
      %ne3A_595 = arith.cmpi ne, %sign3A_587, %sign3A_594 : i32
      %rem3A_596 = arith.remsi %add3A_542, %jit3A_579 : i32
      %ne3A_597 = arith.constant 0 : i32
      %ne3A_598 = arith.cmpi ne, %rem3A_596, %ne3A_597 : i32
      %and3A_599 = arith.andi %ne3A_595, %ne3A_598 : i1
      %sub3A_600 = arith.constant 1 : i32
      %sub3A_601 = arith.subi %div3A_580, %sub3A_600 : i32
      %select_n3A_602 = arith.select %and3A_599, %sub3A_601, %div3A_580 : i32
      %add3A_603 = arith.constant 3 : i32
      %add3A_604 = arith.addi %add3A_603, %select_n3A_602 : i32
      %jit3A_605 = arith.constant 4 : i32
      %eq3A_606 = arith.constant 0 : i32
      %eq3A_607 = arith.cmpi eq, %jit3A_605, %eq3A_606 : i32
      %jit3A_608 = arith.constant 1 : i32
      %select_n3A_609 = arith.select %eq3A_607, %jit3A_608, %jit3A_605 : i32
      %rem3A_610 = arith.remsi %add3A_542, %select_n3A_609 : i32
      %ne3A_611 = arith.constant 0 : i32
      %ne3A_612 = arith.cmpi ne, %rem3A_610, %ne3A_611 : i32
      %lt3A_613 = arith.constant 0 : i32
      %lt3A_614 = arith.cmpi slt, %rem3A_610, %lt3A_613 : i32
      %lt3A_615 = arith.constant 0 : i32
      %lt3A_616 = arith.cmpi slt, %select_n3A_609, %lt3A_615 : i32
      %ne3A_617 = arith.xori %lt3A_614, %lt3A_616 : i1
      %and3A_618 = arith.andi %ne3A_617, %ne3A_612 : i1
      %add3A_619 = arith.addi %rem3A_610, %select_n3A_609 : i32
      %select_n3A_620 = arith.select %and3A_618, %add3A_619, %rem3A_610 : i32
      %dma_start3A_621 = arith.constant 0 : i32
      %dma_start3A_622 = tpu.memref_slice %arg5[%select_n3A, %add3A_604, %select_n3A_620, %sub3A_21, %dma_start3A_621] : memref<2x35x4x2048x16xf32, #tpu.memory_space<hbm>> -> memref<1x1x1x128x16xf32, #tpu.memory_space<hbm>>
      %dma_start3A_623 = tpu.memref_squeeze %dma_start3A_622 : memref<1x1x1x128x16xf32, #tpu.memory_space<hbm>> -> memref<128x16xf32, #tpu.memory_space<hbm>>
      %dma_start3A_624 = arith.constant 0 : i32
      %dma_start3A_625 = tpu.memref_slice %arg5[%select_n3A, %add3A_604, %select_n3A_620, %sub3A_21, %dma_start3A_624] : memref<2x35x4x2048x16xf32, #tpu.memory_space<hbm>> -> memref<1x1x1x128x16xf32, #tpu.memory_space<hbm>>
      %dma_start3A_626 = tpu.memref_squeeze %dma_start3A_625 : memref<1x1x1x128x16xf32, #tpu.memory_space<hbm>> -> memref<128x16xf32, #tpu.memory_space<hbm>>
      tpu.enqueue_dma source(%arg20 : memref<128x16xf32, #tpu.memory_space<vmem>>) target(%dma_start3A_626 : memref<128x16xf32, #tpu.memory_space<hbm>>) target_semaphore(%arg26 : memref<!tpu.dma_semaphore, #tpu.memory_space<semaphore_mem>>)
      %jit3A_627 = arith.constant 4 : i32
      %div3A_628 = arith.divsi %add3A_542, %jit3A_627 : i32
      %sign3A_629 = arith.constant 0 : i32
      %sign3A_630 = arith.cmpi sgt, %add3A_542, %sign3A_629 : i32
      %sign3A_631 = arith.extui %sign3A_630 : i1 to i32
      %sign3A_632 = arith.constant 0 : i32
      %sign3A_633 = arith.cmpi slt, %add3A_542, %sign3A_632 : i32
      %sign3A_634 = arith.extui %sign3A_633 : i1 to i32
      %sign3A_635 = arith.subi %sign3A_631, %sign3A_634 : i32
      %sign3A_636 = arith.constant 0 : i32
      %sign3A_637 = arith.cmpi sgt, %jit3A_627, %sign3A_636 : i32
      %sign3A_638 = arith.extui %sign3A_637 : i1 to i32
      %sign3A_639 = arith.constant 0 : i32
      %sign3A_640 = arith.cmpi slt, %jit3A_627, %sign3A_639 : i32
      %sign3A_641 = arith.extui %sign3A_640 : i1 to i32
      %sign3A_642 = arith.subi %sign3A_638, %sign3A_641 : i32
      %ne3A_643 = arith.cmpi ne, %sign3A_635, %sign3A_642 : i32
      %rem3A_644 = arith.remsi %add3A_542, %jit3A_627 : i32
      %ne3A_645 = arith.constant 0 : i32
      %ne3A_646 = arith.cmpi ne, %rem3A_644, %ne3A_645 : i32
      %and3A_647 = arith.andi %ne3A_643, %ne3A_646 : i1
      %sub3A_648 = arith.constant 1 : i32
      %sub3A_649 = arith.subi %div3A_628, %sub3A_648 : i32
      %select_n3A_650 = arith.select %and3A_647, %sub3A_649, %div3A_628 : i32
      %add3A_651 = arith.constant 3 : i32
      %add3A_652 = arith.addi %add3A_651, %select_n3A_650 : i32
      %jit3A_653 = arith.constant 4 : i32
      %eq3A_654 = arith.constant 0 : i32
      %eq3A_655 = arith.cmpi eq, %jit3A_653, %eq3A_654 : i32
      %jit3A_656 = arith.constant 1 : i32
      %select_n3A_657 = arith.select %eq3A_655, %jit3A_656, %jit3A_653 : i32
      %rem3A_658 = arith.remsi %add3A_542, %select_n3A_657 : i32
      %ne3A_659 = arith.constant 0 : i32
      %ne3A_660 = arith.cmpi ne, %rem3A_658, %ne3A_659 : i32
      %lt3A_661 = arith.constant 0 : i32
      %lt3A_662 = arith.cmpi slt, %rem3A_658, %lt3A_661 : i32
      %lt3A_663 = arith.constant 0 : i32
      %lt3A_664 = arith.cmpi slt, %select_n3A_657, %lt3A_663 : i32
      %ne3A_665 = arith.xori %lt3A_662, %lt3A_664 : i1
      %and3A_666 = arith.andi %ne3A_665, %ne3A_660 : i1
      %add3A_667 = arith.addi %rem3A_658, %select_n3A_657 : i32
      %select_n3A_668 = arith.select %and3A_666, %add3A_667, %rem3A_658 : i32
      %dma_start3A_669 = arith.constant 0 : i32
      %dma_start3A_670 = tpu.memref_slice %arg5[%select_n3A, %add3A_652, %select_n3A_668, %sub3A_30, %dma_start3A_669] : memref<2x35x4x2048x16xf32, #tpu.memory_space<hbm>> -> memref<1x1x1x128x16xf32, #tpu.memory_space<hbm>>
      %dma_start3A_671 = tpu.memref_squeeze %dma_start3A_670 : memref<1x1x1x128x16xf32, #tpu.memory_space<hbm>> -> memref<128x16xf32, #tpu.memory_space<hbm>>
      %dma_start3A_672 = arith.constant 0 : i32
      %dma_start3A_673 = tpu.memref_slice %arg5[%select_n3A, %add3A_652, %select_n3A_668, %sub3A_30, %dma_start3A_672] : memref<2x35x4x2048x16xf32, #tpu.memory_space<hbm>> -> memref<1x1x1x128x16xf32, #tpu.memory_space<hbm>>
      %dma_start3A_674 = tpu.memref_squeeze %dma_start3A_673 : memref<1x1x1x128x16xf32, #tpu.memory_space<hbm>> -> memref<128x16xf32, #tpu.memory_space<hbm>>
      tpu.enqueue_dma source(%arg21 : memref<128x16xf32, #tpu.memory_space<vmem>>) target(%dma_start3A_674 : memref<128x16xf32, #tpu.memory_space<hbm>>) target_semaphore(%arg26 : memref<!tpu.dma_semaphore, #tpu.memory_space<semaphore_mem>>)
      %add3A_675 = arith.constant 1 : i32
      %add3A_676 = arith.addi %add3A_542, %add3A_675 : i32
      %dma_wait3A_677 = arith.constant 0 : i32
      %dma_wait3A_678 = tpu.memref_slice %arg19[%dma_wait3A_677] : memref<8208xf32, #tpu.memory_space<vmem>> -> memref<8192xf32, #tpu.memory_space<vmem>>
      %dma_wait3A_679 = arith.constant 0 : i32
      %dma_wait3A_680 = tpu.memref_slice %arg4[%select_n3A, %add3A_676, %dma_wait3A_679] : memref<2x128x8192xf32, #tpu.memory_space<hbm>> -> memref<1x1x8192xf32, #tpu.memory_space<hbm>>
      %dma_wait3A_681 = tpu.memref_squeeze %dma_wait3A_680 : memref<1x1x8192xf32, #tpu.memory_space<hbm>> -> memref<8192xf32, #tpu.memory_space<hbm>>
      %dma_wait3A_682 = arith.constant 0 : i32
      %dma_wait3A_683 = tpu.memref_slice %arg19[%dma_wait3A_682] : memref<8208xf32, #tpu.memory_space<vmem>> -> memref<8192xf32, #tpu.memory_space<vmem>>
      %dma_wait3A_684 = arith.constant 0 : i32
      %dma_wait3A_685 = tpu.memref_slice %arg4[%select_n3A, %add3A_676, %dma_wait3A_684] : memref<2x128x8192xf32, #tpu.memory_space<hbm>> -> memref<1x1x8192xf32, #tpu.memory_space<hbm>>
      %dma_wait3A_686 = tpu.memref_squeeze %dma_wait3A_685 : memref<1x1x8192xf32, #tpu.memory_space<hbm>> -> memref<8192xf32, #tpu.memory_space<hbm>>
      tpu.wait_dma2 semaphore(%arg25 : memref<!tpu.dma_semaphore, #tpu.memory_space<semaphore_mem>>) src(%dma_wait3A_686 : memref<8192xf32, #tpu.memory_space<hbm>>) dst(%dma_wait3A_683 : memref<8192xf32, #tpu.memory_space<vmem>>)
      %add3A_687 = arith.constant 1 : i32
      %add3A_688 = arith.addi %scan3A_539, %add3A_687 : i32
      %lt3A_689 = arith.constant 32 : i32
      %lt3A_690 = arith.cmpi slt, %add3A_688, %lt3A_689 : i32
      %convert_element_type3A_691 = arith.extui %lt3A_690 : i1 to i32
      %cond3A_692 = arith.constant 0 : i32
      %cond3A_693 = arith.cmpi ne, %convert_element_type3A_691, %cond3A_692 : i32
      scf.if %cond3A_693 {
        %add3A_811 = arith.constant 2 : i32
        %add3A_812 = arith.addi %add3A_542, %add3A_811 : i32
        %dma_start3A_813 = arith.constant 0 : i32
        %dma_start3A_814 = tpu.memref_slice %arg18[%dma_start3A_813] : memref<8208xf32, #tpu.memory_space<vmem>> -> memref<8192xf32, #tpu.memory_space<vmem>>
        %dma_start3A_815 = arith.constant 0 : i32
        %dma_start3A_816 = tpu.memref_slice %arg4[%select_n3A, %add3A_812, %dma_start3A_815] : memref<2x128x8192xf32, #tpu.memory_space<hbm>> -> memref<1x1x8192xf32, #tpu.memory_space<hbm>>
        %dma_start3A_817 = tpu.memref_squeeze %dma_start3A_816 : memref<1x1x8192xf32, #tpu.memory_space<hbm>> -> memref<8192xf32, #tpu.memory_space<hbm>>
        %dma_start3A_818 = arith.constant 0 : i32
        %dma_start3A_819 = tpu.memref_slice %arg18[%dma_start3A_818] : memref<8208xf32, #tpu.memory_space<vmem>> -> memref<8192xf32, #tpu.memory_space<vmem>>
        %dma_start3A_820 = arith.constant 0 : i32
        %dma_start3A_821 = tpu.memref_slice %arg4[%select_n3A, %add3A_812, %dma_start3A_820] : memref<2x128x8192xf32, #tpu.memory_space<hbm>> -> memref<1x1x8192xf32, #tpu.memory_space<hbm>>
        %dma_start3A_822 = tpu.memref_squeeze %dma_start3A_821 : memref<1x1x8192xf32, #tpu.memory_space<hbm>> -> memref<8192xf32, #tpu.memory_space<hbm>>
        tpu.enqueue_dma source(%dma_start3A_822 : memref<8192xf32, #tpu.memory_space<hbm>>) target(%dma_start3A_819 : memref<8192xf32, #tpu.memory_space<vmem>>) target_semaphore(%arg24 : memref<!tpu.dma_semaphore, #tpu.memory_space<semaphore_mem>>)
      } else {
      }
      %gt3A_694 = arith.constant 0 : i32
      %gt3A_695 = arith.cmpi sgt, %scan3A_539, %gt3A_694 : i32
      %convert_element_type3A_696 = arith.extui %gt3A_695 : i1 to i32
      %cond3A_697 = arith.constant 0 : i32
      %cond3A_698 = arith.cmpi ne, %convert_element_type3A_696, %cond3A_697 : i32
      scf.if %cond3A_698 {
        %sub3A_811 = arith.constant 1 : i32
        %sub3A_812 = arith.subi %add3A_542, %sub3A_811 : i32
        %jit3A_813 = arith.constant 4 : i32
        %div3A_814 = arith.divsi %sub3A_812, %jit3A_813 : i32
        %sign3A_815 = arith.constant 0 : i32
        %sign3A_816 = arith.cmpi sgt, %sub3A_812, %sign3A_815 : i32
        %sign3A_817 = arith.extui %sign3A_816 : i1 to i32
        %sign3A_818 = arith.constant 0 : i32
        %sign3A_819 = arith.cmpi slt, %sub3A_812, %sign3A_818 : i32
        %sign3A_820 = arith.extui %sign3A_819 : i1 to i32
        %sign3A_821 = arith.subi %sign3A_817, %sign3A_820 : i32
        %sign3A_822 = arith.constant 0 : i32
        %sign3A_823 = arith.cmpi sgt, %jit3A_813, %sign3A_822 : i32
        %sign3A_824 = arith.extui %sign3A_823 : i1 to i32
        %sign3A_825 = arith.constant 0 : i32
        %sign3A_826 = arith.cmpi slt, %jit3A_813, %sign3A_825 : i32
        %sign3A_827 = arith.extui %sign3A_826 : i1 to i32
        %sign3A_828 = arith.subi %sign3A_824, %sign3A_827 : i32
        %ne3A_829 = arith.cmpi ne, %sign3A_821, %sign3A_828 : i32
        %rem3A_830 = arith.remsi %sub3A_812, %jit3A_813 : i32
        %ne3A_831 = arith.constant 0 : i32
        %ne3A_832 = arith.cmpi ne, %rem3A_830, %ne3A_831 : i32
        %and3A_833 = arith.andi %ne3A_829, %ne3A_832 : i1
        %sub3A_834 = arith.constant 1 : i32
        %sub3A_835 = arith.subi %div3A_814, %sub3A_834 : i32
        %select_n3A_836 = arith.select %and3A_833, %sub3A_835, %div3A_814 : i32
        %add3A_837 = arith.constant 3 : i32
        %add3A_838 = arith.addi %add3A_837, %select_n3A_836 : i32
        %jit3A_839 = arith.constant 4 : i32
        %eq3A_840 = arith.constant 0 : i32
        %eq3A_841 = arith.cmpi eq, %jit3A_839, %eq3A_840 : i32
        %jit3A_842 = arith.constant 1 : i32
        %select_n3A_843 = arith.select %eq3A_841, %jit3A_842, %jit3A_839 : i32
        %rem3A_844 = arith.remsi %sub3A_812, %select_n3A_843 : i32
        %ne3A_845 = arith.constant 0 : i32
        %ne3A_846 = arith.cmpi ne, %rem3A_844, %ne3A_845 : i32
        %lt3A_847 = arith.constant 0 : i32
        %lt3A_848 = arith.cmpi slt, %rem3A_844, %lt3A_847 : i32
        %lt3A_849 = arith.constant 0 : i32
        %lt3A_850 = arith.cmpi slt, %select_n3A_843, %lt3A_849 : i32
        %ne3A_851 = arith.xori %lt3A_848, %lt3A_850 : i1
        %and3A_852 = arith.andi %ne3A_851, %ne3A_846 : i1
        %add3A_853 = arith.addi %rem3A_844, %select_n3A_843 : i32
        %select_n3A_854 = arith.select %and3A_852, %add3A_853, %rem3A_844 : i32
        %dma_wait3A_855 = arith.constant 0 : i32
        %dma_wait3A_856 = tpu.memref_slice %arg5[%select_n3A, %add3A_838, %select_n3A_854, %sub3A_21, %dma_wait3A_855] : memref<2x35x4x2048x16xf32, #tpu.memory_space<hbm>> -> memref<1x1x1x128x16xf32, #tpu.memory_space<hbm>>
        %dma_wait3A_857 = tpu.memref_squeeze %dma_wait3A_856 : memref<1x1x1x128x16xf32, #tpu.memory_space<hbm>> -> memref<128x16xf32, #tpu.memory_space<hbm>>
        %dma_wait3A_858 = arith.constant 0 : i32
        %dma_wait3A_859 = tpu.memref_slice %arg5[%select_n3A, %add3A_838, %select_n3A_854, %sub3A_21, %dma_wait3A_858] : memref<2x35x4x2048x16xf32, #tpu.memory_space<hbm>> -> memref<1x1x1x128x16xf32, #tpu.memory_space<hbm>>
        %dma_wait3A_860 = tpu.memref_squeeze %dma_wait3A_859 : memref<1x1x1x128x16xf32, #tpu.memory_space<hbm>> -> memref<128x16xf32, #tpu.memory_space<hbm>>
        tpu.wait_dma2 semaphore(%arg27 : memref<!tpu.dma_semaphore, #tpu.memory_space<semaphore_mem>>) src(%arg22 : memref<128x16xf32, #tpu.memory_space<vmem>>) dst(%dma_wait3A_860 : memref<128x16xf32, #tpu.memory_space<hbm>>)
        %sub3A_861 = arith.constant 1 : i32
        %sub3A_862 = arith.subi %add3A_542, %sub3A_861 : i32
        %jit3A_863 = arith.constant 4 : i32
        %div3A_864 = arith.divsi %sub3A_862, %jit3A_863 : i32
        %sign3A_865 = arith.constant 0 : i32
        %sign3A_866 = arith.cmpi sgt, %sub3A_862, %sign3A_865 : i32
        %sign3A_867 = arith.extui %sign3A_866 : i1 to i32
        %sign3A_868 = arith.constant 0 : i32
        %sign3A_869 = arith.cmpi slt, %sub3A_862, %sign3A_868 : i32
        %sign3A_870 = arith.extui %sign3A_869 : i1 to i32
        %sign3A_871 = arith.subi %sign3A_867, %sign3A_870 : i32
        %sign3A_872 = arith.constant 0 : i32
        %sign3A_873 = arith.cmpi sgt, %jit3A_863, %sign3A_872 : i32
        %sign3A_874 = arith.extui %sign3A_873 : i1 to i32
        %sign3A_875 = arith.constant 0 : i32
        %sign3A_876 = arith.cmpi slt, %jit3A_863, %sign3A_875 : i32
        %sign3A_877 = arith.extui %sign3A_876 : i1 to i32
        %sign3A_878 = arith.subi %sign3A_874, %sign3A_877 : i32
        %ne3A_879 = arith.cmpi ne, %sign3A_871, %sign3A_878 : i32
        %rem3A_880 = arith.remsi %sub3A_862, %jit3A_863 : i32
        %ne3A_881 = arith.constant 0 : i32
        %ne3A_882 = arith.cmpi ne, %rem3A_880, %ne3A_881 : i32
        %and3A_883 = arith.andi %ne3A_879, %ne3A_882 : i1
        %sub3A_884 = arith.constant 1 : i32
        %sub3A_885 = arith.subi %div3A_864, %sub3A_884 : i32
        %select_n3A_886 = arith.select %and3A_883, %sub3A_885, %div3A_864 : i32
        %add3A_887 = arith.constant 3 : i32
        %add3A_888 = arith.addi %add3A_887, %select_n3A_886 : i32
        %jit3A_889 = arith.constant 4 : i32
        %eq3A_890 = arith.constant 0 : i32
        %eq3A_891 = arith.cmpi eq, %jit3A_889, %eq3A_890 : i32
        %jit3A_892 = arith.constant 1 : i32
        %select_n3A_893 = arith.select %eq3A_891, %jit3A_892, %jit3A_889 : i32
        %rem3A_894 = arith.remsi %sub3A_862, %select_n3A_893 : i32
        %ne3A_895 = arith.constant 0 : i32
        %ne3A_896 = arith.cmpi ne, %rem3A_894, %ne3A_895 : i32
        %lt3A_897 = arith.constant 0 : i32
        %lt3A_898 = arith.cmpi slt, %rem3A_894, %lt3A_897 : i32
        %lt3A_899 = arith.constant 0 : i32
        %lt3A_900 = arith.cmpi slt, %select_n3A_893, %lt3A_899 : i32
        %ne3A_901 = arith.xori %lt3A_898, %lt3A_900 : i1
        %and3A_902 = arith.andi %ne3A_901, %ne3A_896 : i1
        %add3A_903 = arith.addi %rem3A_894, %select_n3A_893 : i32
        %select_n3A_904 = arith.select %and3A_902, %add3A_903, %rem3A_894 : i32
        %dma_wait3A_905 = arith.constant 0 : i32
        %dma_wait3A_906 = tpu.memref_slice %arg5[%select_n3A, %add3A_888, %select_n3A_904, %sub3A_30, %dma_wait3A_905] : memref<2x35x4x2048x16xf32, #tpu.memory_space<hbm>> -> memref<1x1x1x128x16xf32, #tpu.memory_space<hbm>>
        %dma_wait3A_907 = tpu.memref_squeeze %dma_wait3A_906 : memref<1x1x1x128x16xf32, #tpu.memory_space<hbm>> -> memref<128x16xf32, #tpu.memory_space<hbm>>
        %dma_wait3A_908 = arith.constant 0 : i32
        %dma_wait3A_909 = tpu.memref_slice %arg5[%select_n3A, %add3A_888, %select_n3A_904, %sub3A_30, %dma_wait3A_908] : memref<2x35x4x2048x16xf32, #tpu.memory_space<hbm>> -> memref<1x1x1x128x16xf32, #tpu.memory_space<hbm>>
        %dma_wait3A_910 = tpu.memref_squeeze %dma_wait3A_909 : memref<1x1x1x128x16xf32, #tpu.memory_space<hbm>> -> memref<128x16xf32, #tpu.memory_space<hbm>>
        tpu.wait_dma2 semaphore(%arg27 : memref<!tpu.dma_semaphore, #tpu.memory_space<semaphore_mem>>) src(%arg23 : memref<128x16xf32, #tpu.memory_space<vmem>>) dst(%dma_wait3A_910 : memref<128x16xf32, #tpu.memory_space<hbm>>)
      } else {
      }
      %scan3A_699 = arith.constant 0 : i32
      %scan3A_700 = arith.constant 0 : i32
      %scan3A_701 = arith.constant 128 : i32
      %scan3A_702 = arith.addi %scan3A_700, %scan3A_701 : i32
      %scan3A_703 = arith.constant 4 : i32
      scf.for %scan3A_811 = %scan3A_700 to %scan3A_702 step %scan3A_703  : i32 {
        %get3A = arith.index_cast %scan3A_811 : i32 to index
        %get3A_812 = arith.constant 0 : index
        %get3A_813 = tpu.vector_load %arg14[%get3A, %get3A_812] {strides = array<i32>} : memref<128x16xi32, #tpu.memory_space<vmem>>, vector<16xi32>,
        %gather3A = tpu.vector_load_idx %arg19[%get3A_813] : memref<8208xf32, #tpu.memory_space<vmem>>[vector<16xi32>], vector<16xf32>,
        %swap3A_814 = arith.index_cast %scan3A_811 : i32 to index
        %swap3A_815 = arith.constant 0 : index
        %swap3A_816 = tpu.vector_load %arg22[%swap3A_814, %swap3A_815] {strides = array<i32>} : memref<128x16xf32, #tpu.memory_space<vmem>>, vector<16xf32>,
        tpu.vector_store %arg22[%swap3A_814, %swap3A_815], %gather3A {strides = array<i32>} : memref<128x16xf32, #tpu.memory_space<vmem>>, vector<16xf32>,
        %scan3A_817 = arith.constant 1 : i32
        %scan3A_818 = arith.addi %scan3A_811, %scan3A_817 : i32
        %get3A_819 = arith.index_cast %scan3A_818 : i32 to index
        %get3A_820 = arith.constant 0 : index
        %get3A_821 = tpu.vector_load %arg14[%get3A_819, %get3A_820] {strides = array<i32>} : memref<128x16xi32, #tpu.memory_space<vmem>>, vector<16xi32>,
        %gather3A_822 = tpu.vector_load_idx %arg19[%get3A_821] : memref<8208xf32, #tpu.memory_space<vmem>>[vector<16xi32>], vector<16xf32>,
        %swap3A_823 = arith.index_cast %scan3A_818 : i32 to index
        %swap3A_824 = arith.constant 0 : index
        %swap3A_825 = tpu.vector_load %arg22[%swap3A_823, %swap3A_824] {strides = array<i32>} : memref<128x16xf32, #tpu.memory_space<vmem>>, vector<16xf32>,
        tpu.vector_store %arg22[%swap3A_823, %swap3A_824], %gather3A_822 {strides = array<i32>} : memref<128x16xf32, #tpu.memory_space<vmem>>, vector<16xf32>,
        %scan3A_826 = arith.constant 2 : i32
        %scan3A_827 = arith.addi %scan3A_811, %scan3A_826 : i32
        %get3A_828 = arith.index_cast %scan3A_827 : i32 to index
        %get3A_829 = arith.constant 0 : index
        %get3A_830 = tpu.vector_load %arg14[%get3A_828, %get3A_829] {strides = array<i32>} : memref<128x16xi32, #tpu.memory_space<vmem>>, vector<16xi32>,
        %gather3A_831 = tpu.vector_load_idx %arg19[%get3A_830] : memref<8208xf32, #tpu.memory_space<vmem>>[vector<16xi32>], vector<16xf32>,
        %swap3A_832 = arith.index_cast %scan3A_827 : i32 to index
        %swap3A_833 = arith.constant 0 : index
        %swap3A_834 = tpu.vector_load %arg22[%swap3A_832, %swap3A_833] {strides = array<i32>} : memref<128x16xf32, #tpu.memory_space<vmem>>, vector<16xf32>,
        tpu.vector_store %arg22[%swap3A_832, %swap3A_833], %gather3A_831 {strides = array<i32>} : memref<128x16xf32, #tpu.memory_space<vmem>>, vector<16xf32>,
        %scan3A_835 = arith.constant 3 : i32
        %scan3A_836 = arith.addi %scan3A_811, %scan3A_835 : i32
        %get3A_837 = arith.index_cast %scan3A_836 : i32 to index
        %get3A_838 = arith.constant 0 : index
        %get3A_839 = tpu.vector_load %arg14[%get3A_837, %get3A_838] {strides = array<i32>} : memref<128x16xi32, #tpu.memory_space<vmem>>, vector<16xi32>,
        %gather3A_840 = tpu.vector_load_idx %arg19[%get3A_839] : memref<8208xf32, #tpu.memory_space<vmem>>[vector<16xi32>], vector<16xf32>,
        %swap3A_841 = arith.index_cast %scan3A_836 : i32 to index
        %swap3A_842 = arith.constant 0 : index
        %swap3A_843 = tpu.vector_load %arg22[%swap3A_841, %swap3A_842] {strides = array<i32>} : memref<128x16xf32, #tpu.memory_space<vmem>>, vector<16xf32>,
        tpu.vector_store %arg22[%swap3A_841, %swap3A_842], %gather3A_840 {strides = array<i32>} : memref<128x16xf32, #tpu.memory_space<vmem>>, vector<16xf32>,
      }
      %scan3A_704 = arith.constant 128 : i32
      %scan3A_705 = arith.constant 0 : i32
      %scan3A_706 = arith.constant 0 : i32
      %scan3A_707 = arith.constant 128 : i32
      %scan3A_708 = arith.addi %scan3A_706, %scan3A_707 : i32
      %scan3A_709 = arith.constant 4 : i32
      scf.for %scan3A_811 = %scan3A_706 to %scan3A_708 step %scan3A_709  : i32 {
        %get3A = arith.index_cast %scan3A_811 : i32 to index
        %get3A_812 = arith.constant 0 : index
        %get3A_813 = tpu.vector_load %arg15[%get3A, %get3A_812] {strides = array<i32>} : memref<128x16xi32, #tpu.memory_space<vmem>>, vector<16xi32>,
        %gather3A = tpu.vector_load_idx %arg19[%get3A_813] : memref<8208xf32, #tpu.memory_space<vmem>>[vector<16xi32>], vector<16xf32>,
        %swap3A_814 = arith.index_cast %scan3A_811 : i32 to index
        %swap3A_815 = arith.constant 0 : index
        %swap3A_816 = tpu.vector_load %arg23[%swap3A_814, %swap3A_815] {strides = array<i32>} : memref<128x16xf32, #tpu.memory_space<vmem>>, vector<16xf32>,
        tpu.vector_store %arg23[%swap3A_814, %swap3A_815], %gather3A {strides = array<i32>} : memref<128x16xf32, #tpu.memory_space<vmem>>, vector<16xf32>,
        %scan3A_817 = arith.constant 1 : i32
        %scan3A_818 = arith.addi %scan3A_811, %scan3A_817 : i32
        %get3A_819 = arith.index_cast %scan3A_818 : i32 to index
        %get3A_820 = arith.constant 0 : index
        %get3A_821 = tpu.vector_load %arg15[%get3A_819, %get3A_820] {strides = array<i32>} : memref<128x16xi32, #tpu.memory_space<vmem>>, vector<16xi32>,
        %gather3A_822 = tpu.vector_load_idx %arg19[%get3A_821] : memref<8208xf32, #tpu.memory_space<vmem>>[vector<16xi32>], vector<16xf32>,
        %swap3A_823 = arith.index_cast %scan3A_818 : i32 to index
        %swap3A_824 = arith.constant 0 : index
        %swap3A_825 = tpu.vector_load %arg23[%swap3A_823, %swap3A_824] {strides = array<i32>} : memref<128x16xf32, #tpu.memory_space<vmem>>, vector<16xf32>,
        tpu.vector_store %arg23[%swap3A_823, %swap3A_824], %gather3A_822 {strides = array<i32>} : memref<128x16xf32, #tpu.memory_space<vmem>>, vector<16xf32>,
        %scan3A_826 = arith.constant 2 : i32
        %scan3A_827 = arith.addi %scan3A_811, %scan3A_826 : i32
        %get3A_828 = arith.index_cast %scan3A_827 : i32 to index
        %get3A_829 = arith.constant 0 : index
        %get3A_830 = tpu.vector_load %arg15[%get3A_828, %get3A_829] {strides = array<i32>} : memref<128x16xi32, #tpu.memory_space<vmem>>, vector<16xi32>,
        %gather3A_831 = tpu.vector_load_idx %arg19[%get3A_830] : memref<8208xf32, #tpu.memory_space<vmem>>[vector<16xi32>], vector<16xf32>,
        %swap3A_832 = arith.index_cast %scan3A_827 : i32 to index
        %swap3A_833 = arith.constant 0 : index
        %swap3A_834 = tpu.vector_load %arg23[%swap3A_832, %swap3A_833] {strides = array<i32>} : memref<128x16xf32, #tpu.memory_space<vmem>>, vector<16xf32>,
        tpu.vector_store %arg23[%swap3A_832, %swap3A_833], %gather3A_831 {strides = array<i32>} : memref<128x16xf32, #tpu.memory_space<vmem>>, vector<16xf32>,
        %scan3A_835 = arith.constant 3 : i32
        %scan3A_836 = arith.addi %scan3A_811, %scan3A_835 : i32
        %get3A_837 = arith.index_cast %scan3A_836 : i32 to index
        %get3A_838 = arith.constant 0 : index
        %get3A_839 = tpu.vector_load %arg15[%get3A_837, %get3A_838] {strides = array<i32>} : memref<128x16xi32, #tpu.memory_space<vmem>>, vector<16xi32>,
        %gather3A_840 = tpu.vector_load_idx %arg19[%get3A_839] : memref<8208xf32, #tpu.memory_space<vmem>>[vector<16xi32>], vector<16xf32>,
        %swap3A_841 = arith.index_cast %scan3A_836 : i32 to index
        %swap3A_842 = arith.constant 0 : index
        %swap3A_843 = tpu.vector_load %arg23[%swap3A_841, %swap3A_842] {strides = array<i32>} : memref<128x16xf32, #tpu.memory_space<vmem>>, vector<16xf32>,
        tpu.vector_store %arg23[%swap3A_841, %swap3A_842], %gather3A_840 {strides = array<i32>} : memref<128x16xf32, #tpu.memory_space<vmem>>, vector<16xf32>,
      }
      %scan3A_710 = arith.constant 128 : i32
      %add3A_711 = arith.constant 1 : i32
      %add3A_712 = arith.addi %add3A_542, %add3A_711 : i32
      %jit3A_713 = arith.constant 4 : i32
      %div3A_714 = arith.divsi %add3A_712, %jit3A_713 : i32
      %sign3A_715 = arith.constant 0 : i32
      %sign3A_716 = arith.cmpi sgt, %add3A_712, %sign3A_715 : i32
      %sign3A_717 = arith.extui %sign3A_716 : i1 to i32
      %sign3A_718 = arith.constant 0 : i32
      %sign3A_719 = arith.cmpi slt, %add3A_712, %sign3A_718 : i32
      %sign3A_720 = arith.extui %sign3A_719 : i1 to i32
      %sign3A_721 = arith.subi %sign3A_717, %sign3A_720 : i32
      %sign3A_722 = arith.constant 0 : i32
      %sign3A_723 = arith.cmpi sgt, %jit3A_713, %sign3A_722 : i32
      %sign3A_724 = arith.extui %sign3A_723 : i1 to i32
      %sign3A_725 = arith.constant 0 : i32
      %sign3A_726 = arith.cmpi slt, %jit3A_713, %sign3A_725 : i32
      %sign3A_727 = arith.extui %sign3A_726 : i1 to i32
      %sign3A_728 = arith.subi %sign3A_724, %sign3A_727 : i32
      %ne3A_729 = arith.cmpi ne, %sign3A_721, %sign3A_728 : i32
      %rem3A_730 = arith.remsi %add3A_712, %jit3A_713 : i32
      %ne3A_731 = arith.constant 0 : i32
      %ne3A_732 = arith.cmpi ne, %rem3A_730, %ne3A_731 : i32
      %and3A_733 = arith.andi %ne3A_729, %ne3A_732 : i1
      %sub3A_734 = arith.constant 1 : i32
      %sub3A_735 = arith.subi %div3A_714, %sub3A_734 : i32
      %select_n3A_736 = arith.select %and3A_733, %sub3A_735, %div3A_714 : i32
      %add3A_737 = arith.constant 3 : i32
      %add3A_738 = arith.addi %add3A_737, %select_n3A_736 : i32
      %jit3A_739 = arith.constant 4 : i32
      %eq3A_740 = arith.constant 0 : i32
      %eq3A_741 = arith.cmpi eq, %jit3A_739, %eq3A_740 : i32
      %jit3A_742 = arith.constant 1 : i32
      %select_n3A_743 = arith.select %eq3A_741, %jit3A_742, %jit3A_739 : i32
      %rem3A_744 = arith.remsi %add3A_712, %select_n3A_743 : i32
      %ne3A_745 = arith.constant 0 : i32
      %ne3A_746 = arith.cmpi ne, %rem3A_744, %ne3A_745 : i32
      %lt3A_747 = arith.constant 0 : i32
      %lt3A_748 = arith.cmpi slt, %rem3A_744, %lt3A_747 : i32
      %lt3A_749 = arith.constant 0 : i32
      %lt3A_750 = arith.cmpi slt, %select_n3A_743, %lt3A_749 : i32
      %ne3A_751 = arith.xori %lt3A_748, %lt3A_750 : i1
      %and3A_752 = arith.andi %ne3A_751, %ne3A_746 : i1
      %add3A_753 = arith.addi %rem3A_744, %select_n3A_743 : i32
      %select_n3A_754 = arith.select %and3A_752, %add3A_753, %rem3A_744 : i32
      %dma_start3A_755 = arith.constant 0 : i32
      %dma_start3A_756 = tpu.memref_slice %arg5[%select_n3A, %add3A_738, %select_n3A_754, %sub3A_21, %dma_start3A_755] : memref<2x35x4x2048x16xf32, #tpu.memory_space<hbm>> -> memref<1x1x1x128x16xf32, #tpu.memory_space<hbm>>
      %dma_start3A_757 = tpu.memref_squeeze %dma_start3A_756 : memref<1x1x1x128x16xf32, #tpu.memory_space<hbm>> -> memref<128x16xf32, #tpu.memory_space<hbm>>
      %dma_start3A_758 = arith.constant 0 : i32
      %dma_start3A_759 = tpu.memref_slice %arg5[%select_n3A, %add3A_738, %select_n3A_754, %sub3A_21, %dma_start3A_758] : memref<2x35x4x2048x16xf32, #tpu.memory_space<hbm>> -> memref<1x1x1x128x16xf32, #tpu.memory_space<hbm>>
      %dma_start3A_760 = tpu.memref_squeeze %dma_start3A_759 : memref<1x1x1x128x16xf32, #tpu.memory_space<hbm>> -> memref<128x16xf32, #tpu.memory_space<hbm>>
      tpu.enqueue_dma source(%arg22 : memref<128x16xf32, #tpu.memory_space<vmem>>) target(%dma_start3A_760 : memref<128x16xf32, #tpu.memory_space<hbm>>) target_semaphore(%arg27 : memref<!tpu.dma_semaphore, #tpu.memory_space<semaphore_mem>>)
      %add3A_761 = arith.constant 1 : i32
      %add3A_762 = arith.addi %add3A_542, %add3A_761 : i32
      %jit3A_763 = arith.constant 4 : i32
      %div3A_764 = arith.divsi %add3A_762, %jit3A_763 : i32
      %sign3A_765 = arith.constant 0 : i32
      %sign3A_766 = arith.cmpi sgt, %add3A_762, %sign3A_765 : i32
      %sign3A_767 = arith.extui %sign3A_766 : i1 to i32
      %sign3A_768 = arith.constant 0 : i32
      %sign3A_769 = arith.cmpi slt, %add3A_762, %sign3A_768 : i32
      %sign3A_770 = arith.extui %sign3A_769 : i1 to i32
      %sign3A_771 = arith.subi %sign3A_767, %sign3A_770 : i32
      %sign3A_772 = arith.constant 0 : i32
      %sign3A_773 = arith.cmpi sgt, %jit3A_763, %sign3A_772 : i32
      %sign3A_774 = arith.extui %sign3A_773 : i1 to i32
      %sign3A_775 = arith.constant 0 : i32
      %sign3A_776 = arith.cmpi slt, %jit3A_763, %sign3A_775 : i32
      %sign3A_777 = arith.extui %sign3A_776 : i1 to i32
      %sign3A_778 = arith.subi %sign3A_774, %sign3A_777 : i32
      %ne3A_779 = arith.cmpi ne, %sign3A_771, %sign3A_778 : i32
      %rem3A_780 = arith.remsi %add3A_762, %jit3A_763 : i32
      %ne3A_781 = arith.constant 0 : i32
      %ne3A_782 = arith.cmpi ne, %rem3A_780, %ne3A_781 : i32
      %and3A_783 = arith.andi %ne3A_779, %ne3A_782 : i1
      %sub3A_784 = arith.constant 1 : i32
      %sub3A_785 = arith.subi %div3A_764, %sub3A_784 : i32
      %select_n3A_786 = arith.select %and3A_783, %sub3A_785, %div3A_764 : i32
      %add3A_787 = arith.constant 3 : i32
      %add3A_788 = arith.addi %add3A_787, %select_n3A_786 : i32
      %jit3A_789 = arith.constant 4 : i32
      %eq3A_790 = arith.constant 0 : i32
      %eq3A_791 = arith.cmpi eq, %jit3A_789, %eq3A_790 : i32
      %jit3A_792 = arith.constant 1 : i32
      %select_n3A_793 = arith.select %eq3A_791, %jit3A_792, %jit3A_789 : i32
      %rem3A_794 = arith.remsi %add3A_762, %select_n3A_793 : i32
      %ne3A_795 = arith.constant 0 : i32
      %ne3A_796 = arith.cmpi ne, %rem3A_794, %ne3A_795 : i32
      %lt3A_797 = arith.constant 0 : i32
      %lt3A_798 = arith.cmpi slt, %rem3A_794, %lt3A_797 : i32
      %lt3A_799 = arith.constant 0 : i32
      %lt3A_800 = arith.cmpi slt, %select_n3A_793, %lt3A_799 : i32
      %ne3A_801 = arith.xori %lt3A_798, %lt3A_800 : i1
      %and3A_802 = arith.andi %ne3A_801, %ne3A_796 : i1
      %add3A_803 = arith.addi %rem3A_794, %select_n3A_793 : i32
      %select_n3A_804 = arith.select %and3A_802, %add3A_803, %rem3A_794 : i32
      %dma_start3A_805 = arith.constant 0 : i32
      %dma_start3A_806 = tpu.memref_slice %arg5[%select_n3A, %add3A_788, %select_n3A_804, %sub3A_30, %dma_start3A_805] : memref<2x35x4x2048x16xf32, #tpu.memory_space<hbm>> -> memref<1x1x1x128x16xf32, #tpu.memory_space<hbm>>
      %dma_start3A_807 = tpu.memref_squeeze %dma_start3A_806 : memref<1x1x1x128x16xf32, #tpu.memory_space<hbm>> -> memref<128x16xf32, #tpu.memory_space<hbm>>
      %dma_start3A_808 = arith.constant 0 : i32
      %dma_start3A_809 = tpu.memref_slice %arg5[%select_n3A, %add3A_788, %select_n3A_804, %sub3A_30, %dma_start3A_808] : memref<2x35x4x2048x16xf32, #tpu.memory_space<hbm>> -> memref<1x1x1x128x16xf32, #tpu.memory_space<hbm>>
      %dma_start3A_810 = tpu.memref_squeeze %dma_start3A_809 : memref<1x1x1x128x16xf32, #tpu.memory_space<hbm>> -> memref<128x16xf32, #tpu.memory_space<hbm>>
      tpu.enqueue_dma source(%arg23 : memref<128x16xf32, #tpu.memory_space<vmem>>) target(%dma_start3A_810 : memref<128x16xf32, #tpu.memory_space<hbm>>) target_semaphore(%arg27 : memref<!tpu.dma_semaphore, #tpu.memory_space<semaphore_mem>>)
    }
    %scan3A_216 = arith.constant 32 : i32
    %add3A_217 = arith.constant 64 : i32
    %add3A_218 = arith.addi %mul3A_200, %add3A_217 : i32
    %sub3A_219 = arith.constant 2 : i32
    %sub3A_220 = arith.subi %add3A_218, %sub3A_219 : i32
    %jit3A_221 = arith.constant 4 : i32
    %div3A_222 = arith.divsi %sub3A_220, %jit3A_221 : i32
    %sign3A_223 = arith.constant 0 : i32
    %sign3A_224 = arith.cmpi sgt, %sub3A_220, %sign3A_223 : i32
    %sign3A_225 = arith.extui %sign3A_224 : i1 to i32
    %sign3A_226 = arith.constant 0 : i32
    %sign3A_227 = arith.cmpi slt, %sub3A_220, %sign3A_226 : i32
    %sign3A_228 = arith.extui %sign3A_227 : i1 to i32
    %sign3A_229 = arith.subi %sign3A_225, %sign3A_228 : i32
    %sign3A_230 = arith.constant 0 : i32
    %sign3A_231 = arith.cmpi sgt, %jit3A_221, %sign3A_230 : i32
    %sign3A_232 = arith.extui %sign3A_231 : i1 to i32
    %sign3A_233 = arith.constant 0 : i32
    %sign3A_234 = arith.cmpi slt, %jit3A_221, %sign3A_233 : i32
    %sign3A_235 = arith.extui %sign3A_234 : i1 to i32
    %sign3A_236 = arith.subi %sign3A_232, %sign3A_235 : i32
    %ne3A_237 = arith.cmpi ne, %sign3A_229, %sign3A_236 : i32
    %rem3A_238 = arith.remsi %sub3A_220, %jit3A_221 : i32
    %ne3A_239 = arith.constant 0 : i32
    %ne3A_240 = arith.cmpi ne, %rem3A_238, %ne3A_239 : i32
    %and3A_241 = arith.andi %ne3A_237, %ne3A_240 : i1
    %sub3A_242 = arith.constant 1 : i32
    %sub3A_243 = arith.subi %div3A_222, %sub3A_242 : i32
    %select_n3A_244 = arith.select %and3A_241, %sub3A_243, %div3A_222 : i32
    %add3A_245 = arith.constant 3 : i32
    %add3A_246 = arith.addi %add3A_245, %select_n3A_244 : i32
    %jit3A_247 = arith.constant 4 : i32
    %eq3A_248 = arith.constant 0 : i32
    %eq3A_249 = arith.cmpi eq, %jit3A_247, %eq3A_248 : i32
    %jit3A_250 = arith.constant 1 : i32
    %select_n3A_251 = arith.select %eq3A_249, %jit3A_250, %jit3A_247 : i32
    %rem3A_252 = arith.remsi %sub3A_220, %select_n3A_251 : i32
    %ne3A_253 = arith.constant 0 : i32
    %ne3A_254 = arith.cmpi ne, %rem3A_252, %ne3A_253 : i32
    %lt3A_255 = arith.constant 0 : i32
    %lt3A_256 = arith.cmpi slt, %rem3A_252, %lt3A_255 : i32
    %lt3A_257 = arith.constant 0 : i32
    %lt3A_258 = arith.cmpi slt, %select_n3A_251, %lt3A_257 : i32
    %ne3A_259 = arith.xori %lt3A_256, %lt3A_258 : i1
    %and3A_260 = arith.andi %ne3A_259, %ne3A_254 : i1
    %add3A_261 = arith.addi %rem3A_252, %select_n3A_251 : i32
    %select_n3A_262 = arith.select %and3A_260, %add3A_261, %rem3A_252 : i32
    %dma_wait3A = arith.constant 0 : i32
    %dma_wait3A_263 = tpu.memref_slice %arg5[%select_n3A, %add3A_246, %select_n3A_262, %sub3A_21, %dma_wait3A] : memref<2x35x4x2048x16xf32, #tpu.memory_space<hbm>> -> memref<1x1x1x128x16xf32, #tpu.memory_space<hbm>>
    %dma_wait3A_264 = tpu.memref_squeeze %dma_wait3A_263 : memref<1x1x1x128x16xf32, #tpu.memory_space<hbm>> -> memref<128x16xf32, #tpu.memory_space<hbm>>
    %dma_wait3A_265 = arith.constant 0 : i32
    %dma_wait3A_266 = tpu.memref_slice %arg5[%select_n3A, %add3A_246, %select_n3A_262, %sub3A_21, %dma_wait3A_265] : memref<2x35x4x2048x16xf32, #tpu.memory_space<hbm>> -> memref<1x1x1x128x16xf32, #tpu.memory_space<hbm>>
    %dma_wait3A_267 = tpu.memref_squeeze %dma_wait3A_266 : memref<1x1x1x128x16xf32, #tpu.memory_space<hbm>> -> memref<128x16xf32, #tpu.memory_space<hbm>>
    tpu.wait_dma2 semaphore(%arg26 : memref<!tpu.dma_semaphore, #tpu.memory_space<semaphore_mem>>) src(%arg20 : memref<128x16xf32, #tpu.memory_space<vmem>>) dst(%dma_wait3A_267 : memref<128x16xf32, #tpu.memory_space<hbm>>)
    %jit3A_268 = arith.constant 4 : i32
    %div3A_269 = arith.divsi %sub3A_220, %jit3A_268 : i32
    %sign3A_270 = arith.constant 0 : i32
    %sign3A_271 = arith.cmpi sgt, %sub3A_220, %sign3A_270 : i32
    %sign3A_272 = arith.extui %sign3A_271 : i1 to i32
    %sign3A_273 = arith.constant 0 : i32
    %sign3A_274 = arith.cmpi slt, %sub3A_220, %sign3A_273 : i32
    %sign3A_275 = arith.extui %sign3A_274 : i1 to i32
    %sign3A_276 = arith.subi %sign3A_272, %sign3A_275 : i32
    %sign3A_277 = arith.constant 0 : i32
    %sign3A_278 = arith.cmpi sgt, %jit3A_268, %sign3A_277 : i32
    %sign3A_279 = arith.extui %sign3A_278 : i1 to i32
    %sign3A_280 = arith.constant 0 : i32
    %sign3A_281 = arith.cmpi slt, %jit3A_268, %sign3A_280 : i32
    %sign3A_282 = arith.extui %sign3A_281 : i1 to i32
    %sign3A_283 = arith.subi %sign3A_279, %sign3A_282 : i32
    %ne3A_284 = arith.cmpi ne, %sign3A_276, %sign3A_283 : i32
    %rem3A_285 = arith.remsi %sub3A_220, %jit3A_268 : i32
    %ne3A_286 = arith.constant 0 : i32
    %ne3A_287 = arith.cmpi ne, %rem3A_285, %ne3A_286 : i32
    %and3A_288 = arith.andi %ne3A_284, %ne3A_287 : i1
    %sub3A_289 = arith.constant 1 : i32
    %sub3A_290 = arith.subi %div3A_269, %sub3A_289 : i32
    %select_n3A_291 = arith.select %and3A_288, %sub3A_290, %div3A_269 : i32
    %add3A_292 = arith.constant 3 : i32
    %add3A_293 = arith.addi %add3A_292, %select_n3A_291 : i32
    %jit3A_294 = arith.constant 4 : i32
    %eq3A_295 = arith.constant 0 : i32
    %eq3A_296 = arith.cmpi eq, %jit3A_294, %eq3A_295 : i32
    %jit3A_297 = arith.constant 1 : i32
    %select_n3A_298 = arith.select %eq3A_296, %jit3A_297, %jit3A_294 : i32
    %rem3A_299 = arith.remsi %sub3A_220, %select_n3A_298 : i32
    %ne3A_300 = arith.constant 0 : i32
    %ne3A_301 = arith.cmpi ne, %rem3A_299, %ne3A_300 : i32
    %lt3A_302 = arith.constant 0 : i32
    %lt3A_303 = arith.cmpi slt, %rem3A_299, %lt3A_302 : i32
    %lt3A_304 = arith.constant 0 : i32
    %lt3A_305 = arith.cmpi slt, %select_n3A_298, %lt3A_304 : i32
    %ne3A_306 = arith.xori %lt3A_303, %lt3A_305 : i1
    %and3A_307 = arith.andi %ne3A_306, %ne3A_301 : i1
    %add3A_308 = arith.addi %rem3A_299, %select_n3A_298 : i32
    %select_n3A_309 = arith.select %and3A_307, %add3A_308, %rem3A_299 : i32
    %dma_wait3A_310 = arith.constant 0 : i32
    %dma_wait3A_311 = tpu.memref_slice %arg5[%select_n3A, %add3A_293, %select_n3A_309, %sub3A_30, %dma_wait3A_310] : memref<2x35x4x2048x16xf32, #tpu.memory_space<hbm>> -> memref<1x1x1x128x16xf32, #tpu.memory_space<hbm>>
    %dma_wait3A_312 = tpu.memref_squeeze %dma_wait3A_311 : memref<1x1x1x128x16xf32, #tpu.memory_space<hbm>> -> memref<128x16xf32, #tpu.memory_space<hbm>>
    %dma_wait3A_313 = arith.constant 0 : i32
    %dma_wait3A_314 = tpu.memref_slice %arg5[%select_n3A, %add3A_293, %select_n3A_309, %sub3A_30, %dma_wait3A_313] : memref<2x35x4x2048x16xf32, #tpu.memory_space<hbm>> -> memref<1x1x1x128x16xf32, #tpu.memory_space<hbm>>
    %dma_wait3A_315 = tpu.memref_squeeze %dma_wait3A_314 : memref<1x1x1x128x16xf32, #tpu.memory_space<hbm>> -> memref<128x16xf32, #tpu.memory_space<hbm>>
    tpu.wait_dma2 semaphore(%arg26 : memref<!tpu.dma_semaphore, #tpu.memory_space<semaphore_mem>>) src(%arg21 : memref<128x16xf32, #tpu.memory_space<vmem>>) dst(%dma_wait3A_315 : memref<128x16xf32, #tpu.memory_space<hbm>>)
    %add3A_316 = arith.constant 1 : i32
    %add3A_317 = arith.addi %sub3A_220, %add3A_316 : i32
    %jit3A_318 = arith.constant 4 : i32
    %div3A_319 = arith.divsi %add3A_317, %jit3A_318 : i32
    %sign3A_320 = arith.constant 0 : i32
    %sign3A_321 = arith.cmpi sgt, %add3A_317, %sign3A_320 : i32
    %sign3A_322 = arith.extui %sign3A_321 : i1 to i32
    %sign3A_323 = arith.constant 0 : i32
    %sign3A_324 = arith.cmpi slt, %add3A_317, %sign3A_323 : i32
    %sign3A_325 = arith.extui %sign3A_324 : i1 to i32
    %sign3A_326 = arith.subi %sign3A_322, %sign3A_325 : i32
    %sign3A_327 = arith.constant 0 : i32
    %sign3A_328 = arith.cmpi sgt, %jit3A_318, %sign3A_327 : i32
    %sign3A_329 = arith.extui %sign3A_328 : i1 to i32
    %sign3A_330 = arith.constant 0 : i32
    %sign3A_331 = arith.cmpi slt, %jit3A_318, %sign3A_330 : i32
    %sign3A_332 = arith.extui %sign3A_331 : i1 to i32
    %sign3A_333 = arith.subi %sign3A_329, %sign3A_332 : i32
    %ne3A_334 = arith.cmpi ne, %sign3A_326, %sign3A_333 : i32
    %rem3A_335 = arith.remsi %add3A_317, %jit3A_318 : i32
    %ne3A_336 = arith.constant 0 : i32
    %ne3A_337 = arith.cmpi ne, %rem3A_335, %ne3A_336 : i32
    %and3A_338 = arith.andi %ne3A_334, %ne3A_337 : i1
    %sub3A_339 = arith.constant 1 : i32
    %sub3A_340 = arith.subi %div3A_319, %sub3A_339 : i32
    %select_n3A_341 = arith.select %and3A_338, %sub3A_340, %div3A_319 : i32
    %add3A_342 = arith.constant 3 : i32
    %add3A_343 = arith.addi %add3A_342, %select_n3A_341 : i32
    %jit3A_344 = arith.constant 4 : i32
    %eq3A_345 = arith.constant 0 : i32
    %eq3A_346 = arith.cmpi eq, %jit3A_344, %eq3A_345 : i32
    %jit3A_347 = arith.constant 1 : i32
    %select_n3A_348 = arith.select %eq3A_346, %jit3A_347, %jit3A_344 : i32
    %rem3A_349 = arith.remsi %add3A_317, %select_n3A_348 : i32
    %ne3A_350 = arith.constant 0 : i32
    %ne3A_351 = arith.cmpi ne, %rem3A_349, %ne3A_350 : i32
    %lt3A_352 = arith.constant 0 : i32
    %lt3A_353 = arith.cmpi slt, %rem3A_349, %lt3A_352 : i32
    %lt3A_354 = arith.constant 0 : i32
    %lt3A_355 = arith.cmpi slt, %select_n3A_348, %lt3A_354 : i32
    %ne3A_356 = arith.xori %lt3A_353, %lt3A_355 : i1
    %and3A_357 = arith.andi %ne3A_356, %ne3A_351 : i1
    %add3A_358 = arith.addi %rem3A_349, %select_n3A_348 : i32
    %select_n3A_359 = arith.select %and3A_357, %add3A_358, %rem3A_349 : i32
    %dma_wait3A_360 = arith.constant 0 : i32
    %dma_wait3A_361 = tpu.memref_slice %arg5[%select_n3A, %add3A_343, %select_n3A_359, %sub3A_21, %dma_wait3A_360] : memref<2x35x4x2048x16xf32, #tpu.memory_space<hbm>> -> memref<1x1x1x128x16xf32, #tpu.memory_space<hbm>>
    %dma_wait3A_362 = tpu.memref_squeeze %dma_wait3A_361 : memref<1x1x1x128x16xf32, #tpu.memory_space<hbm>> -> memref<128x16xf32, #tpu.memory_space<hbm>>
    %dma_wait3A_363 = arith.constant 0 : i32
    %dma_wait3A_364 = tpu.memref_slice %arg5[%select_n3A, %add3A_343, %select_n3A_359, %sub3A_21, %dma_wait3A_363] : memref<2x35x4x2048x16xf32, #tpu.memory_space<hbm>> -> memref<1x1x1x128x16xf32, #tpu.memory_space<hbm>>
    %dma_wait3A_365 = tpu.memref_squeeze %dma_wait3A_364 : memref<1x1x1x128x16xf32, #tpu.memory_space<hbm>> -> memref<128x16xf32, #tpu.memory_space<hbm>>
    tpu.wait_dma2 semaphore(%arg27 : memref<!tpu.dma_semaphore, #tpu.memory_space<semaphore_mem>>) src(%arg22 : memref<128x16xf32, #tpu.memory_space<vmem>>) dst(%dma_wait3A_365 : memref<128x16xf32, #tpu.memory_space<hbm>>)
    %add3A_366 = arith.constant 1 : i32
    %add3A_367 = arith.addi %sub3A_220, %add3A_366 : i32
    %jit3A_368 = arith.constant 4 : i32
    %div3A_369 = arith.divsi %add3A_367, %jit3A_368 : i32
    %sign3A_370 = arith.constant 0 : i32
    %sign3A_371 = arith.cmpi sgt, %add3A_367, %sign3A_370 : i32
    %sign3A_372 = arith.extui %sign3A_371 : i1 to i32
    %sign3A_373 = arith.constant 0 : i32
    %sign3A_374 = arith.cmpi slt, %add3A_367, %sign3A_373 : i32
    %sign3A_375 = arith.extui %sign3A_374 : i1 to i32
    %sign3A_376 = arith.subi %sign3A_372, %sign3A_375 : i32
    %sign3A_377 = arith.constant 0 : i32
    %sign3A_378 = arith.cmpi sgt, %jit3A_368, %sign3A_377 : i32
    %sign3A_379 = arith.extui %sign3A_378 : i1 to i32
    %sign3A_380 = arith.constant 0 : i32
    %sign3A_381 = arith.cmpi slt, %jit3A_368, %sign3A_380 : i32
    %sign3A_382 = arith.extui %sign3A_381 : i1 to i32
    %sign3A_383 = arith.subi %sign3A_379, %sign3A_382 : i32
    %ne3A_384 = arith.cmpi ne, %sign3A_376, %sign3A_383 : i32
    %rem3A_385 = arith.remsi %add3A_367, %jit3A_368 : i32
    %ne3A_386 = arith.constant 0 : i32
    %ne3A_387 = arith.cmpi ne, %rem3A_385, %ne3A_386 : i32
    %and3A_388 = arith.andi %ne3A_384, %ne3A_387 : i1
    %sub3A_389 = arith.constant 1 : i32
    %sub3A_390 = arith.subi %div3A_369, %sub3A_389 : i32
    %select_n3A_391 = arith.select %and3A_388, %sub3A_390, %div3A_369 : i32
    %add3A_392 = arith.constant 3 : i32
    %add3A_393 = arith.addi %add3A_392, %select_n3A_391 : i32
    %jit3A_394 = arith.constant 4 : i32
    %eq3A_395 = arith.constant 0 : i32
    %eq3A_396 = arith.cmpi eq, %jit3A_394, %eq3A_395 : i32
    %jit3A_397 = arith.constant 1 : i32
    %select_n3A_398 = arith.select %eq3A_396, %jit3A_397, %jit3A_394 : i32
    %rem3A_399 = arith.remsi %add3A_367, %select_n3A_398 : i32
    %ne3A_400 = arith.constant 0 : i32
    %ne3A_401 = arith.cmpi ne, %rem3A_399, %ne3A_400 : i32
    %lt3A_402 = arith.constant 0 : i32
    %lt3A_403 = arith.cmpi slt, %rem3A_399, %lt3A_402 : i32
    %lt3A_404 = arith.constant 0 : i32
    %lt3A_405 = arith.cmpi slt, %select_n3A_398, %lt3A_404 : i32
    %ne3A_406 = arith.xori %lt3A_403, %lt3A_405 : i1
    %and3A_407 = arith.andi %ne3A_406, %ne3A_401 : i1
    %add3A_408 = arith.addi %rem3A_399, %select_n3A_398 : i32
    %select_n3A_409 = arith.select %and3A_407, %add3A_408, %rem3A_399 : i32
    %dma_wait3A_410 = arith.constant 0 : i32
    %dma_wait3A_411 = tpu.memref_slice %arg5[%select_n3A, %add3A_393, %select_n3A_409, %sub3A_30, %dma_wait3A_410] : memref<2x35x4x2048x16xf32, #tpu.memory_space<hbm>> -> memref<1x1x1x128x16xf32, #tpu.memory_space<hbm>>
    %dma_wait3A_412 = tpu.memref_squeeze %dma_wait3A_411 : memref<1x1x1x128x16xf32, #tpu.memory_space<hbm>> -> memref<128x16xf32, #tpu.memory_space<hbm>>
    %dma_wait3A_413 = arith.constant 0 : i32
    %dma_wait3A_414 = tpu.memref_slice %arg5[%select_n3A, %add3A_393, %select_n3A_409, %sub3A_30, %dma_wait3A_413] : memref<2x35x4x2048x16xf32, #tpu.memory_space<hbm>> -> memref<1x1x1x128x16xf32, #tpu.memory_space<hbm>>
    %dma_wait3A_415 = tpu.memref_squeeze %dma_wait3A_414 : memref<1x1x1x128x16xf32, #tpu.memory_space<hbm>> -> memref<128x16xf32, #tpu.memory_space<hbm>>
    tpu.wait_dma2 semaphore(%arg27 : memref<!tpu.dma_semaphore, #tpu.memory_space<semaphore_mem>>) src(%arg23 : memref<128x16xf32, #tpu.memory_space<vmem>>) dst(%dma_wait3A_415 : memref<128x16xf32, #tpu.memory_space<hbm>>)
    %dma_wait3A_416 = arith.constant 0 : i32
    %dma_wait3A_417 = tpu.memref_slice %arg7[%select_n3A, %sub3A_21, %dma_wait3A_416] : memref<2x2048x16xi32, #tpu.memory_space<hbm>> -> memref<1x128x16xi32, #tpu.memory_space<hbm>>
    %dma_wait3A_418 = tpu.memref_squeeze %dma_wait3A_417 : memref<1x128x16xi32, #tpu.memory_space<hbm>> -> memref<128x16xi32, #tpu.memory_space<hbm>>
    %dma_wait3A_419 = arith.constant 0 : i32
    %dma_wait3A_420 = tpu.memref_slice %arg7[%select_n3A, %sub3A_21, %dma_wait3A_419] : memref<2x2048x16xi32, #tpu.memory_space<hbm>> -> memref<1x128x16xi32, #tpu.memory_space<hbm>>
    %dma_wait3A_421 = tpu.memref_squeeze %dma_wait3A_420 : memref<1x128x16xi32, #tpu.memory_space<hbm>> -> memref<128x16xi32, #tpu.memory_space<hbm>>
    tpu.wait_dma2 semaphore(%arg28 : memref<!tpu.dma_semaphore, #tpu.memory_space<semaphore_mem>>) src(%arg17 : memref<128x16xi32, #tpu.memory_space<vmem>>) dst(%dma_wait3A_421 : memref<128x16xi32, #tpu.memory_space<hbm>>)
    %dma_wait3A_422 = arith.constant 0 : i32
    %dma_wait3A_423 = arith.constant 0 : i32
    %dma_wait3A_424 = tpu.memref_slice %arg6[%select_n3A, %dma_wait3A_422, %sub3A_21, %dma_wait3A_423] : memref<2x3x2048x16xf32, #tpu.memory_space<hbm>> -> memref<1x1x128x16xf32, #tpu.memory_space<hbm>>
    %dma_wait3A_425 = tpu.memref_squeeze %dma_wait3A_424 : memref<1x1x128x16xf32, #tpu.memory_space<hbm>> -> memref<128x16xf32, #tpu.memory_space<hbm>>
    %dma_wait3A_426 = arith.constant 0 : i32
    %dma_wait3A_427 = tpu.memref_slice %arg6[%select_n3A, %dma_wait3A_422, %sub3A_21, %dma_wait3A_426] : memref<2x3x2048x16xf32, #tpu.memory_space<hbm>> -> memref<1x1x128x16xf32, #tpu.memory_space<hbm>>
    %dma_wait3A_428 = tpu.memref_squeeze %dma_wait3A_427 : memref<1x1x128x16xf32, #tpu.memory_space<hbm>> -> memref<128x16xf32, #tpu.memory_space<hbm>>
    tpu.wait_dma2 semaphore(%arg28 : memref<!tpu.dma_semaphore, #tpu.memory_space<semaphore_mem>>) src(%arg29 : memref<128x16xf32, #tpu.memory_space<vmem>>) dst(%dma_wait3A_428 : memref<128x16xf32, #tpu.memory_space<hbm>>)
    %dma_wait3A_429 = arith.constant 1 : i32
    %dma_wait3A_430 = arith.constant 0 : i32
    %dma_wait3A_431 = tpu.memref_slice %arg6[%select_n3A, %dma_wait3A_429, %sub3A_21, %dma_wait3A_430] : memref<2x3x2048x16xf32, #tpu.memory_space<hbm>> -> memref<1x1x128x16xf32, #tpu.memory_space<hbm>>
    %dma_wait3A_432 = tpu.memref_squeeze %dma_wait3A_431 : memref<1x1x128x16xf32, #tpu.memory_space<hbm>> -> memref<128x16xf32, #tpu.memory_space<hbm>>
    %dma_wait3A_433 = arith.constant 0 : i32
    %dma_wait3A_434 = tpu.memref_slice %arg6[%select_n3A, %dma_wait3A_429, %sub3A_21, %dma_wait3A_433] : memref<2x3x2048x16xf32, #tpu.memory_space<hbm>> -> memref<1x1x128x16xf32, #tpu.memory_space<hbm>>
    %dma_wait3A_435 = tpu.memref_squeeze %dma_wait3A_434 : memref<1x1x128x16xf32, #tpu.memory_space<hbm>> -> memref<128x16xf32, #tpu.memory_space<hbm>>
    tpu.wait_dma2 semaphore(%arg28 : memref<!tpu.dma_semaphore, #tpu.memory_space<semaphore_mem>>) src(%arg30 : memref<128x16xf32, #tpu.memory_space<vmem>>) dst(%dma_wait3A_435 : memref<128x16xf32, #tpu.memory_space<hbm>>)
    %dma_wait3A_436 = arith.constant 2 : i32
    %dma_wait3A_437 = arith.constant 0 : i32
    %dma_wait3A_438 = tpu.memref_slice %arg6[%select_n3A, %dma_wait3A_436, %sub3A_21, %dma_wait3A_437] : memref<2x3x2048x16xf32, #tpu.memory_space<hbm>> -> memref<1x1x128x16xf32, #tpu.memory_space<hbm>>
    %dma_wait3A_439 = tpu.memref_squeeze %dma_wait3A_438 : memref<1x1x128x16xf32, #tpu.memory_space<hbm>> -> memref<128x16xf32, #tpu.memory_space<hbm>>
    %dma_wait3A_440 = arith.constant 0 : i32
    %dma_wait3A_441 = tpu.memref_slice %arg6[%select_n3A, %dma_wait3A_436, %sub3A_21, %dma_wait3A_440] : memref<2x3x2048x16xf32, #tpu.memory_space<hbm>> -> memref<1x1x128x16xf32, #tpu.memory_space<hbm>>
    %dma_wait3A_442 = tpu.memref_squeeze %dma_wait3A_441 : memref<1x1x128x16xf32, #tpu.memory_space<hbm>> -> memref<128x16xf32, #tpu.memory_space<hbm>>
    tpu.wait_dma2 semaphore(%arg28 : memref<!tpu.dma_semaphore, #tpu.memory_space<semaphore_mem>>) src(%arg31 : memref<128x16xf32, #tpu.memory_space<vmem>>) dst(%dma_wait3A_442 : memref<128x16xf32, #tpu.memory_space<hbm>>)
    %dma_wait3A_443 = arith.constant 0 : i32
    %dma_wait3A_444 = arith.constant 0 : i32
    %dma_wait3A_445 = arith.constant 0 : i32
    %dma_wait3A_446 = tpu.memref_slice %arg5[%select_n3A, %dma_wait3A_443, %dma_wait3A_444, %sub3A_21, %dma_wait3A_445] : memref<2x35x4x2048x16xf32, #tpu.memory_space<hbm>> -> memref<1x1x1x128x16xf32, #tpu.memory_space<hbm>>
    %dma_wait3A_447 = tpu.memref_squeeze %dma_wait3A_446 : memref<1x1x1x128x16xf32, #tpu.memory_space<hbm>> -> memref<128x16xf32, #tpu.memory_space<hbm>>
    %dma_wait3A_448 = arith.constant 0 : i32
    %dma_wait3A_449 = tpu.memref_slice %arg5[%select_n3A, %dma_wait3A_443, %dma_wait3A_444, %sub3A_21, %dma_wait3A_448] : memref<2x35x4x2048x16xf32, #tpu.memory_space<hbm>> -> memref<1x1x1x128x16xf32, #tpu.memory_space<hbm>>
    %dma_wait3A_450 = tpu.memref_squeeze %dma_wait3A_449 : memref<1x1x1x128x16xf32, #tpu.memory_space<hbm>> -> memref<128x16xf32, #tpu.memory_space<hbm>>
    tpu.wait_dma2 semaphore(%arg28 : memref<!tpu.dma_semaphore, #tpu.memory_space<semaphore_mem>>) src(%arg32 : memref<128x16xf32, #tpu.memory_space<vmem>>) dst(%dma_wait3A_450 : memref<128x16xf32, #tpu.memory_space<hbm>>)
    %dma_wait3A_451 = arith.constant 1 : i32
    %dma_wait3A_452 = arith.constant 0 : i32
    %dma_wait3A_453 = arith.constant 0 : i32
    %dma_wait3A_454 = tpu.memref_slice %arg5[%select_n3A, %dma_wait3A_451, %dma_wait3A_452, %sub3A_21, %dma_wait3A_453] : memref<2x35x4x2048x16xf32, #tpu.memory_space<hbm>> -> memref<1x1x1x128x16xf32, #tpu.memory_space<hbm>>
    %dma_wait3A_455 = tpu.memref_squeeze %dma_wait3A_454 : memref<1x1x1x128x16xf32, #tpu.memory_space<hbm>> -> memref<128x16xf32, #tpu.memory_space<hbm>>
    %dma_wait3A_456 = arith.constant 0 : i32
    %dma_wait3A_457 = tpu.memref_slice %arg5[%select_n3A, %dma_wait3A_451, %dma_wait3A_452, %sub3A_21, %dma_wait3A_456] : memref<2x35x4x2048x16xf32, #tpu.memory_space<hbm>> -> memref<1x1x1x128x16xf32, #tpu.memory_space<hbm>>
    %dma_wait3A_458 = tpu.memref_squeeze %dma_wait3A_457 : memref<1x1x1x128x16xf32, #tpu.memory_space<hbm>> -> memref<128x16xf32, #tpu.memory_space<hbm>>
    tpu.wait_dma2 semaphore(%arg28 : memref<!tpu.dma_semaphore, #tpu.memory_space<semaphore_mem>>) src(%arg33 : memref<128x16xf32, #tpu.memory_space<vmem>>) dst(%dma_wait3A_458 : memref<128x16xf32, #tpu.memory_space<hbm>>)
    %dma_wait3A_459 = arith.constant 2 : i32
    %dma_wait3A_460 = arith.constant 0 : i32
    %dma_wait3A_461 = arith.constant 0 : i32
    %dma_wait3A_462 = tpu.memref_slice %arg5[%select_n3A, %dma_wait3A_459, %dma_wait3A_460, %sub3A_21, %dma_wait3A_461] : memref<2x35x4x2048x16xf32, #tpu.memory_space<hbm>> -> memref<1x1x1x128x16xf32, #tpu.memory_space<hbm>>
    %dma_wait3A_463 = tpu.memref_squeeze %dma_wait3A_462 : memref<1x1x1x128x16xf32, #tpu.memory_space<hbm>> -> memref<128x16xf32, #tpu.memory_space<hbm>>
    %dma_wait3A_464 = arith.constant 0 : i32
    %dma_wait3A_465 = tpu.memref_slice %arg5[%select_n3A, %dma_wait3A_459, %dma_wait3A_460, %sub3A_21, %dma_wait3A_464] : memref<2x35x4x2048x16xf32, #tpu.memory_space<hbm>> -> memref<1x1x1x128x16xf32, #tpu.memory_space<hbm>>
    %dma_wait3A_466 = tpu.memref_squeeze %dma_wait3A_465 : memref<1x1x1x128x16xf32, #tpu.memory_space<hbm>> -> memref<128x16xf32, #tpu.memory_space<hbm>>
    tpu.wait_dma2 semaphore(%arg28 : memref<!tpu.dma_semaphore, #tpu.memory_space<semaphore_mem>>) src(%arg34 : memref<128x16xf32, #tpu.memory_space<vmem>>) dst(%dma_wait3A_466 : memref<128x16xf32, #tpu.memory_space<hbm>>)
    %dma_wait3A_467 = arith.constant 0 : i32
    %dma_wait3A_468 = arith.constant 1 : i32
    %dma_wait3A_469 = arith.constant 0 : i32
    %dma_wait3A_470 = tpu.memref_slice %arg5[%select_n3A, %dma_wait3A_467, %dma_wait3A_468, %sub3A_21, %dma_wait3A_469] : memref<2x35x4x2048x16xf32, #tpu.memory_space<hbm>> -> memref<1x1x1x128x16xf32, #tpu.memory_space<hbm>>
    %dma_wait3A_471 = tpu.memref_squeeze %dma_wait3A_470 : memref<1x1x1x128x16xf32, #tpu.memory_space<hbm>> -> memref<128x16xf32, #tpu.memory_space<hbm>>
    %dma_wait3A_472 = arith.constant 0 : i32
    %dma_wait3A_473 = tpu.memref_slice %arg5[%select_n3A, %dma_wait3A_467, %dma_wait3A_468, %sub3A_21, %dma_wait3A_472] : memref<2x35x4x2048x16xf32, #tpu.memory_space<hbm>> -> memref<1x1x1x128x16xf32, #tpu.memory_space<hbm>>
    %dma_wait3A_474 = tpu.memref_squeeze %dma_wait3A_473 : memref<1x1x1x128x16xf32, #tpu.memory_space<hbm>> -> memref<128x16xf32, #tpu.memory_space<hbm>>
    tpu.wait_dma2 semaphore(%arg28 : memref<!tpu.dma_semaphore, #tpu.memory_space<semaphore_mem>>) src(%arg32 : memref<128x16xf32, #tpu.memory_space<vmem>>) dst(%dma_wait3A_474 : memref<128x16xf32, #tpu.memory_space<hbm>>)
    %dma_wait3A_475 = arith.constant 1 : i32
    %dma_wait3A_476 = arith.constant 1 : i32
    %dma_wait3A_477 = arith.constant 0 : i32
    %dma_wait3A_478 = tpu.memref_slice %arg5[%select_n3A, %dma_wait3A_475, %dma_wait3A_476, %sub3A_21, %dma_wait3A_477] : memref<2x35x4x2048x16xf32, #tpu.memory_space<hbm>> -> memref<1x1x1x128x16xf32, #tpu.memory_space<hbm>>
    %dma_wait3A_479 = tpu.memref_squeeze %dma_wait3A_478 : memref<1x1x1x128x16xf32, #tpu.memory_space<hbm>> -> memref<128x16xf32, #tpu.memory_space<hbm>>
    %dma_wait3A_480 = arith.constant 0 : i32
    %dma_wait3A_481 = tpu.memref_slice %arg5[%select_n3A, %dma_wait3A_475, %dma_wait3A_476, %sub3A_21, %dma_wait3A_480] : memref<2x35x4x2048x16xf32, #tpu.memory_space<hbm>> -> memref<1x1x1x128x16xf32, #tpu.memory_space<hbm>>
    %dma_wait3A_482 = tpu.memref_squeeze %dma_wait3A_481 : memref<1x1x1x128x16xf32, #tpu.memory_space<hbm>> -> memref<128x16xf32, #tpu.memory_space<hbm>>
    tpu.wait_dma2 semaphore(%arg28 : memref<!tpu.dma_semaphore, #tpu.memory_space<semaphore_mem>>) src(%arg33 : memref<128x16xf32, #tpu.memory_space<vmem>>) dst(%dma_wait3A_482 : memref<128x16xf32, #tpu.memory_space<hbm>>)
    %dma_wait3A_483 = arith.constant 2 : i32
    %dma_wait3A_484 = arith.constant 1 : i32
    %dma_wait3A_485 = arith.constant 0 : i32
    %dma_wait3A_486 = tpu.memref_slice %arg5[%select_n3A, %dma_wait3A_483, %dma_wait3A_484, %sub3A_21, %dma_wait3A_485] : memref<2x35x4x2048x16xf32, #tpu.memory_space<hbm>> -> memref<1x1x1x128x16xf32, #tpu.memory_space<hbm>>
    %dma_wait3A_487 = tpu.memref_squeeze %dma_wait3A_486 : memref<1x1x1x128x16xf32, #tpu.memory_space<hbm>> -> memref<128x16xf32, #tpu.memory_space<hbm>>
    %dma_wait3A_488 = arith.constant 0 : i32
    %dma_wait3A_489 = tpu.memref_slice %arg5[%select_n3A, %dma_wait3A_483, %dma_wait3A_484, %sub3A_21, %dma_wait3A_488] : memref<2x35x4x2048x16xf32, #tpu.memory_space<hbm>> -> memref<1x1x1x128x16xf32, #tpu.memory_space<hbm>>
    %dma_wait3A_490 = tpu.memref_squeeze %dma_wait3A_489 : memref<1x1x1x128x16xf32, #tpu.memory_space<hbm>> -> memref<128x16xf32, #tpu.memory_space<hbm>>
    tpu.wait_dma2 semaphore(%arg28 : memref<!tpu.dma_semaphore, #tpu.memory_space<semaphore_mem>>) src(%arg34 : memref<128x16xf32, #tpu.memory_space<vmem>>) dst(%dma_wait3A_490 : memref<128x16xf32, #tpu.memory_space<hbm>>)
    %dma_wait3A_491 = arith.constant 0 : i32
    %dma_wait3A_492 = arith.constant 2 : i32
    %dma_wait3A_493 = arith.constant 0 : i32
    %dma_wait3A_494 = tpu.memref_slice %arg5[%select_n3A, %dma_wait3A_491, %dma_wait3A_492, %sub3A_21, %dma_wait3A_493] : memref<2x35x4x2048x16xf32, #tpu.memory_space<hbm>> -> memref<1x1x1x128x16xf32, #tpu.memory_space<hbm>>
    %dma_wait3A_495 = tpu.memref_squeeze %dma_wait3A_494 : memref<1x1x1x128x16xf32, #tpu.memory_space<hbm>> -> memref<128x16xf32, #tpu.memory_space<hbm>>
    %dma_wait3A_496 = arith.constant 0 : i32
    %dma_wait3A_497 = tpu.memref_slice %arg5[%select_n3A, %dma_wait3A_491, %dma_wait3A_492, %sub3A_21, %dma_wait3A_496] : memref<2x35x4x2048x16xf32, #tpu.memory_space<hbm>> -> memref<1x1x1x128x16xf32, #tpu.memory_space<hbm>>
    %dma_wait3A_498 = tpu.memref_squeeze %dma_wait3A_497 : memref<1x1x1x128x16xf32, #tpu.memory_space<hbm>> -> memref<128x16xf32, #tpu.memory_space<hbm>>
    tpu.wait_dma2 semaphore(%arg28 : memref<!tpu.dma_semaphore, #tpu.memory_space<semaphore_mem>>) src(%arg32 : memref<128x16xf32, #tpu.memory_space<vmem>>) dst(%dma_wait3A_498 : memref<128x16xf32, #tpu.memory_space<hbm>>)
    %dma_wait3A_499 = arith.constant 1 : i32
    %dma_wait3A_500 = arith.constant 2 : i32
    %dma_wait3A_501 = arith.constant 0 : i32
    %dma_wait3A_502 = tpu.memref_slice %arg5[%select_n3A, %dma_wait3A_499, %dma_wait3A_500, %sub3A_21, %dma_wait3A_501] : memref<2x35x4x2048x16xf32, #tpu.memory_space<hbm>> -> memref<1x1x1x128x16xf32, #tpu.memory_space<hbm>>
    %dma_wait3A_503 = tpu.memref_squeeze %dma_wait3A_502 : memref<1x1x1x128x16xf32, #tpu.memory_space<hbm>> -> memref<128x16xf32, #tpu.memory_space<hbm>>
    %dma_wait3A_504 = arith.constant 0 : i32
    %dma_wait3A_505 = tpu.memref_slice %arg5[%select_n3A, %dma_wait3A_499, %dma_wait3A_500, %sub3A_21, %dma_wait3A_504] : memref<2x35x4x2048x16xf32, #tpu.memory_space<hbm>> -> memref<1x1x1x128x16xf32, #tpu.memory_space<hbm>>
    %dma_wait3A_506 = tpu.memref_squeeze %dma_wait3A_505 : memref<1x1x1x128x16xf32, #tpu.memory_space<hbm>> -> memref<128x16xf32, #tpu.memory_space<hbm>>
    tpu.wait_dma2 semaphore(%arg28 : memref<!tpu.dma_semaphore, #tpu.memory_space<semaphore_mem>>) src(%arg33 : memref<128x16xf32, #tpu.memory_space<vmem>>) dst(%dma_wait3A_506 : memref<128x16xf32, #tpu.memory_space<hbm>>)
    %dma_wait3A_507 = arith.constant 2 : i32
    %dma_wait3A_508 = arith.constant 2 : i32
    %dma_wait3A_509 = arith.constant 0 : i32
    %dma_wait3A_510 = tpu.memref_slice %arg5[%select_n3A, %dma_wait3A_507, %dma_wait3A_508, %sub3A_21, %dma_wait3A_509] : memref<2x35x4x2048x16xf32, #tpu.memory_space<hbm>> -> memref<1x1x1x128x16xf32, #tpu.memory_space<hbm>>
    %dma_wait3A_511 = tpu.memref_squeeze %dma_wait3A_510 : memref<1x1x1x128x16xf32, #tpu.memory_space<hbm>> -> memref<128x16xf32, #tpu.memory_space<hbm>>
    %dma_wait3A_512 = arith.constant 0 : i32
    %dma_wait3A_513 = tpu.memref_slice %arg5[%select_n3A, %dma_wait3A_507, %dma_wait3A_508, %sub3A_21, %dma_wait3A_512] : memref<2x35x4x2048x16xf32, #tpu.memory_space<hbm>> -> memref<1x1x1x128x16xf32, #tpu.memory_space<hbm>>
    %dma_wait3A_514 = tpu.memref_squeeze %dma_wait3A_513 : memref<1x1x1x128x16xf32, #tpu.memory_space<hbm>> -> memref<128x16xf32, #tpu.memory_space<hbm>>
    tpu.wait_dma2 semaphore(%arg28 : memref<!tpu.dma_semaphore, #tpu.memory_space<semaphore_mem>>) src(%arg34 : memref<128x16xf32, #tpu.memory_space<vmem>>) dst(%dma_wait3A_514 : memref<128x16xf32, #tpu.memory_space<hbm>>)
    %dma_wait3A_515 = arith.constant 0 : i32
    %dma_wait3A_516 = arith.constant 3 : i32
    %dma_wait3A_517 = arith.constant 0 : i32
    %dma_wait3A_518 = tpu.memref_slice %arg5[%select_n3A, %dma_wait3A_515, %dma_wait3A_516, %sub3A_21, %dma_wait3A_517] : memref<2x35x4x2048x16xf32, #tpu.memory_space<hbm>> -> memref<1x1x1x128x16xf32, #tpu.memory_space<hbm>>
    %dma_wait3A_519 = tpu.memref_squeeze %dma_wait3A_518 : memref<1x1x1x128x16xf32, #tpu.memory_space<hbm>> -> memref<128x16xf32, #tpu.memory_space<hbm>>
    %dma_wait3A_520 = arith.constant 0 : i32
    %dma_wait3A_521 = tpu.memref_slice %arg5[%select_n3A, %dma_wait3A_515, %dma_wait3A_516, %sub3A_21, %dma_wait3A_520] : memref<2x35x4x2048x16xf32, #tpu.memory_space<hbm>> -> memref<1x1x1x128x16xf32, #tpu.memory_space<hbm>>
    %dma_wait3A_522 = tpu.memref_squeeze %dma_wait3A_521 : memref<1x1x1x128x16xf32, #tpu.memory_space<hbm>> -> memref<128x16xf32, #tpu.memory_space<hbm>>
    tpu.wait_dma2 semaphore(%arg28 : memref<!tpu.dma_semaphore, #tpu.memory_space<semaphore_mem>>) src(%arg32 : memref<128x16xf32, #tpu.memory_space<vmem>>) dst(%dma_wait3A_522 : memref<128x16xf32, #tpu.memory_space<hbm>>)
    %dma_wait3A_523 = arith.constant 1 : i32
    %dma_wait3A_524 = arith.constant 3 : i32
    %dma_wait3A_525 = arith.constant 0 : i32
    %dma_wait3A_526 = tpu.memref_slice %arg5[%select_n3A, %dma_wait3A_523, %dma_wait3A_524, %sub3A_21, %dma_wait3A_525] : memref<2x35x4x2048x16xf32, #tpu.memory_space<hbm>> -> memref<1x1x1x128x16xf32, #tpu.memory_space<hbm>>
    %dma_wait3A_527 = tpu.memref_squeeze %dma_wait3A_526 : memref<1x1x1x128x16xf32, #tpu.memory_space<hbm>> -> memref<128x16xf32, #tpu.memory_space<hbm>>
    %dma_wait3A_528 = arith.constant 0 : i32
    %dma_wait3A_529 = tpu.memref_slice %arg5[%select_n3A, %dma_wait3A_523, %dma_wait3A_524, %sub3A_21, %dma_wait3A_528] : memref<2x35x4x2048x16xf32, #tpu.memory_space<hbm>> -> memref<1x1x1x128x16xf32, #tpu.memory_space<hbm>>
    %dma_wait3A_530 = tpu.memref_squeeze %dma_wait3A_529 : memref<1x1x1x128x16xf32, #tpu.memory_space<hbm>> -> memref<128x16xf32, #tpu.memory_space<hbm>>
    tpu.wait_dma2 semaphore(%arg28 : memref<!tpu.dma_semaphore, #tpu.memory_space<semaphore_mem>>) src(%arg33 : memref<128x16xf32, #tpu.memory_space<vmem>>) dst(%dma_wait3A_530 : memref<128x16xf32, #tpu.memory_space<hbm>>)
    %dma_wait3A_531 = arith.constant 2 : i32
    %dma_wait3A_532 = arith.constant 3 : i32
    %dma_wait3A_533 = arith.constant 0 : i32
    %dma_wait3A_534 = tpu.memref_slice %arg5[%select_n3A, %dma_wait3A_531, %dma_wait3A_532, %sub3A_21, %dma_wait3A_533] : memref<2x35x4x2048x16xf32, #tpu.memory_space<hbm>> -> memref<1x1x1x128x16xf32, #tpu.memory_space<hbm>>
    %dma_wait3A_535 = tpu.memref_squeeze %dma_wait3A_534 : memref<1x1x1x128x16xf32, #tpu.memory_space<hbm>> -> memref<128x16xf32, #tpu.memory_space<hbm>>
    %dma_wait3A_536 = arith.constant 0 : i32
    %dma_wait3A_537 = tpu.memref_slice %arg5[%select_n3A, %dma_wait3A_531, %dma_wait3A_532, %sub3A_21, %dma_wait3A_536] : memref<2x35x4x2048x16xf32, #tpu.memory_space<hbm>> -> memref<1x1x1x128x16xf32, #tpu.memory_space<hbm>>
    %dma_wait3A_538 = tpu.memref_squeeze %dma_wait3A_537 : memref<1x1x1x128x16xf32, #tpu.memory_space<hbm>> -> memref<128x16xf32, #tpu.memory_space<hbm>>
    tpu.wait_dma2 semaphore(%arg28 : memref<!tpu.dma_semaphore, #tpu.memory_space<semaphore_mem>>) src(%arg34 : memref<128x16xf32, #tpu.memory_space<vmem>>) dst(%dma_wait3A_538 : memref<128x16xf32, #tpu.memory_space<hbm>>)
    return
  }
}

</mosaic_0001>

<sc_bundles>
// kernel: kernel.3.cloned.1.call-start
scs
__scs_entry_jumppad:
0x0: {  	(pc) =	sbr.rel $0x88, $3  }
0x1: {  	(tag) =	ssettag $0x0;
	lr =	simm.s32 $0x1  }
0x2: {  	[smem:$0x3F9E] =	sst lr;
	_ =	strace $0xD0000000  }
0x3: {  	_ = 	snop  }
0x4: {  	_ = 	snop  }
0x5: {  	_ = 	snop  }
0x6: {  	_ = 	snop  }
0x7: {  	_ = 	snop  }
__scs_overlays_trampoline_lowered:
0x8: {  	[smem:$0x3FAD] =	sst s0  }
0x9: {  	[smem:$0x3FAE] =	sst s1  }
0xa: {  	[smem:$0x3FAF] =	sst s2  }
0xb: {  	[smem:$0x3FB0] =	sst s3  }
0xc: {  	[smem:$0x3FB1] =	sst s4  }
0xd: {  	[smem:$0x3FB2] =	sst s5  }
0xe: {  	[smem:$0x3FB3] =	sst s6  }
0xf: {  	[smem:$0x3FB4] =	sst s7  }
0x10: {  	[smem:$0x3FB5] =	sst s8  }
0x11: {  	[smem:$0x3FB6] =	sst s9;
	s0 =	simm.s32 @!p0 $0x0  }
0x12: {  	s1 =	sld [smem:$0x3F9C];
	s0 =	simm.s32 @p0 $0x1  }
0x13: {  	[smem:$0x3FB7] =	sst s0;
	s0 =	simm.s32 @!p1 $0x0  }
0x14: {  	s2 =	sld [smem:$0x3F9B];
	s0 =	simm.s32 @p1 $0x1  }
0x15: {  	[smem:$0x3FB8] =	sst s0;
	s0 =	simm.s32 @!p2 $0x0  }
0x16: {  	s3 =	sld [smem:$0x3FDB];
	s0 =	simm.s32 @p2 $0x1  }
0x17: {  	s4 =	simm.s32 $0x1BF5;
	[smem:$0x3FBA] =	sst s0  }
0x18: {  	s0 =	sld [smem:$0x3F9D];
	_ =	swait.ge [sflag:s4], $0x0  }
0x19: {  	s7 =	sld [smem:$0x3F9E]  }
0x1a: {  	s8 =	sadd.s32 $0xFFFFE003, lr  }
0x1b: {  	s9 =	sadd.s32 $0xFFFFFEF7, lr;
	s5 =	simm.s32 $0xFFFFFFFF;
	p2 =	slt.u32 s8, $0xFFFFF086  }
0x1c: {  	p1 =	slt.u32 s9, $0xF7A;
	s5 =	simm.s32 @!p2 $0x0  }
0x1d: {  	s5 =	simm.s32 @p1 $0x1;
	p0 =	seq.s32 s7, s2  }
0x1e: {  	s7 =	smul.u32 @!p0 $0xF7A, s2;
	p2 =	seq.s32 @!p0 s5, $0x0  }
0x1f: {  	s9 =	smul.u32 $0xF7A, s1;
	s8 =	simm.s32 @!p0 $0x1BF5;
	p2 =	por !p2, p0  }
0x20: {  	[sflag:s8] =	ssyncset.s32 @!p0 $0xFFFFF086;
	s6 =	sadd.s32 @!p0 s3, s7;
	s7 =	simm.s32 @!p0 $0x108  }
0x21: {  	s3 =	sadd.s32 s3, s9;
	s6 =	sadd.s32 @!p0 $0x88, s6;
	s7 =	simm.s32 @p2 $0x1082  }
0x22: {  	[simem:s7], [sflag:s8] =	dma.local @!p0 [hbm:s6], $0xF7A  }
0x23: {  	s9 =	sor.u32 $0xD0000000, s2;
	s6 =	simm.s32 $0x108;
	_ =	swait.ge @!p0 [sflag:s8], $0x0  }
0x24: {  	s3 =	sadd.s32 $0x88, s3;
	s6 =	simm.s32 @!p1 $0x1082;
	[sflag:s4] =	ssyncset.s32 $0xFFFFF086  }
0x25: {  	[simem:s6], [sflag:s4] =	dma.local [hbm:s3], $0xF7A  }
0x26: {  	[smem:$0x3F9E] =	sst s1;
	(tag) =	ssettag s2;
	_ =	strace s9  }
0x27: {  	s1 =	sld [smem:$0x3FAE]  }
0x28: {  	s2 =	sld [smem:$0x3FAF]  }
0x29: {  	s4 =	sld [smem:$0x3FB1]  }
0x2a: {  	p0 =	seq.s32 s5, $0x0;
	s5 =	sld [smem:$0x3FB2]  }
0x2b: {  	s6 =	sld [smem:$0x3FB3]  }
0x2c: {  	s7 =	sld [smem:$0x3FB4]  }
0x2d: {  	s3 =	simm.s32 $0x108;
	s8 =	sld [smem:$0x3FB5]  }
0x2e: {  	s3 =	simm.s32 @!p0 $0x1082;
	s9 =	sld [smem:$0x3FB6]  }
0x2f: {  	lr =	sadd.s32 s0, s3;
	s0 =	sld [smem:$0x3FAD]  }
0x30: {  	s3 =	sld [smem:$0x3FB0]  }
0x31: {  	[smem:$0x3FB9] =	sst s10  }
0x32: {  	s10 =	sld [smem:$0x3FB7];
	_ =	sdelay $0x3  }
0x33: {  	p0 =	seq.s32 s10, $0x1;
	s10 =	sld [smem:$0x3FB9];
	_ =	sdelay $0x3  }
0x34: {  	[smem:$0x3FB9] =	sst s10  }
0x35: {  	s10 =	sld [smem:$0x3FB8];
	_ =	sdelay $0x3  }
0x36: {  	p1 =	seq.s32 s10, $0x1;
	s10 =	sld [smem:$0x3FB9];
	_ =	sdelay $0x3  }
0x37: {  	[smem:$0x3FB9] =	sst s10  }
0x38: {  	s10 =	sld [smem:$0x3FBA]  }
0x39: {  	_ = 	snop;
	(pc) =	sbr.ind lr, $3  }
0x3a: {  	_ = 	snop  }
0x3b: {  	_ = 	snop  }
0x3c: {  	p2 =	seq.s32 s10, $0x1;
	s10 =	sld [smem:$0x3FB9]  }
0x3d: {  	_ =	shalt  }
0x3e: {  	_ =	shalt  }
0x3f: {  	_ =	shalt  }
0x40: {  	_ =	shalt  }
0x41: {  	_ =	shalt  }
0x42: {  	_ =	shalt  }
0x43: {  	_ =	shalt  }
0x44: {  	_ =	shalt  }
0x45: {  	_ =	shalt  }
0x46: {  	_ =	shalt  }
0x47: {  	_ =	shalt  }
0x48: {  	_ =	shalt  }
0x49: {  	_ =	shalt  }
0x4a: {  	_ =	shalt  }
0x4b: {  	_ =	shalt  }
0x4c: {  	_ =	shalt  }
0x4d: {  	_ =	shalt  }
0x4e: {  	_ =	shalt  }
0x4f: {  	_ =	shalt  }
0x50: {  	_ =	shalt  }
0x51: {  	_ =	shalt  }
0x52: {  	_ =	shalt  }
0x53: {  	_ =	shalt  }
0x54: {  	_ =	shalt  }
0x55: {  	_ =	shalt  }
0x56: {  	_ =	shalt  }
0x57: {  	_ =	shalt  }
0x58: {  	_ =	shalt  }
0x59: {  	_ =	shalt  }
0x5a: {  	_ =	shalt  }
0x5b: {  	_ =	shalt  }
0x5c: {  	_ =	shalt  }
0x5d: {  	_ =	shalt  }
0x5e: {  	_ =	shalt  }
0x5f: {  	_ =	shalt  }
0x60: {  	_ =	shalt  }
0x61: {  	_ =	shalt  }
0x62: {  	_ =	shalt  }
0x63: {  	_ =	shalt  }
0x64: {  	_ =	shalt  }
0x65: {  	_ =	shalt  }
0x66: {  	_ =	shalt  }
0x67: {  	_ =	shalt  }
0x68: {  	_ =	shalt  }
0x69: {  	_ =	shalt  }
0x6a: {  	_ =	shalt  }
0x6b: {  	_ =	shalt  }
0x6c: {  	_ =	shalt  }
0x6d: {  	_ =	shalt  }
0x6e: {  	_ =	shalt  }
0x6f: {  	_ =	shalt  }
0x70: {  	_ =	shalt  }
0x71: {  	_ =	shalt  }
0x72: {  	_ =	shalt  }
0x73: {  	_ =	shalt  }
0x74: {  	_ =	shalt  }
0x75: {  	_ =	shalt  }
0x76: {  	_ =	shalt  }
0x77: {  	_ =	shalt  }
0x78: {  	_ =	shalt  }
0x79: {  	_ =	shalt  }
0x7a: {  	_ =	shalt  }
0x7b: {  	_ =	shalt  }
0x7c: {  	_ =	shalt  }
0x7d: {  	_ =	shalt  }
0x7e: {  	_ =	shalt  }
0x7f: {  	_ =	shalt  }
0x80: {  	_ =	shalt  }
0x81: {  	_ =	shalt  }
0x82: {  	_ =	shalt  }
0x83: {  	_ =	shalt  }
0x84: {  	_ =	shalt  }
0x85: {  	_ =	shalt  }
0x86: {  	_ =	shalt  }
0x87: {  	_ =	shalt  }
.Lfunc_end0:
.L_simem_size_0:
called_computation.1_lowered:
.L_overlay_start_0:
0x88: {  	s2 =	sld [smem:$0x3FD9]  }
0x89: {  	s3 =	sld [smem:$0x3FFE];
	_ =	sdelay $0x1  }
0x8a: {  	s1 =	srdreg.scid  }
0x8b: {  	s0 =	sand.u32 $0x1, s1  }
0x8c: {  	s14 =	sshll.u32 s0, $0xA;
	s2 =	sadd.s32 s3, s2  }
0x8d: {  	s2 =	sadd.s32 s2, s14  }
0x8e: {  	[smem:$0x3FC5] =	sst s2  }
0x8f: {  	_ = 	snop  }
0x90: {  	s2 =	sld [smem:$0x3FD0];
	_ =	sdelay $0x2  }
0x91: {  	s15 =	simm.s32 $0xA;
	s4 =	simm.s32 $0x10  }
0x92: {  	[smem:s4], [sflag:s15] =	dma.local [hbm:s2], $0x1  }
0x93: {  	_ =	swait.eq [sflag:s15], $0x1  }
0x94: {  	s16 =	sld [smem:$0x10];
	[sflag:s15] =	ssyncset.done $0x0  }
0x95: {  	s17 =	sld [smem:$0x11];
	[sflag:s15] =	ssyncadd.s32 $0xFFFFFFFF  }
0x96: {  	s18 =	sld [smem:$0x12];
	(tm) =	ssettm $0x1  }
0x97: {  	s5 =	sld [smem:$0x3FFB];
	_ =	sdelay $0x3  }
0x98: {  	_ =	strace s5  }
0x99: {  	s5 =	sld [smem:$0x3FFC];
	_ =	sdelay $0x3  }
0x9a: {  	_ =	strace s5  }
0x9b: {  	s5 =	sld [smem:$0x3FFD];
	_ =	sdelay $0x3  }
0x9c: {  	_ =	strace s5  }
0x9d: {  	_ =	strace $0x8FFFFFFF  }
0x9e: {  	s19 =	sld [smem:$0x3FDB];
	_ =	sdelay $0x1  }
0x9f: {  	s6 =	simm.s32 $_scs_section_size  }
0xa0: {  	s7 =	simm.s32 $_size__tile_overlayer_lowered;
	s8 =	simm.s32 $_tile_overlayer_lowered  }
0xa1: {  	s22 =	simm.s32 $0x1BFF;
	s21 =	sshll.u32 s8, $0x1;
	s5 =	sadd.s32 s6, s19  }
0xa2: {  	s9 =	simm.s32 $0x0;
	s20 =	sshll.u32 s7, $0x1;
	s7 =	sadd.s32 s21, s5  }
0xa3: {  	[timem:s9], [sflag:s22] =	dma.local [hbm:s7], s20  }
0xa4: {  	_ =	swait.ge [sflag:s22], s20  }
0xa5: {  	s6 =	ssub.s32 $0x0, s20;
	[sflag:s22] =	ssyncset.done $0x0  }
0xa6: {  	[sflag:s22] =	ssyncadd.s32 s6;
	_ =	sdelay $0x1  }
0xa7: {  	s23 =	simm.s32 $0x1B8B  }
0xa8: {  	_ =	swait.ge [sflag:s23], $0x1  }
0xa9: {  	[sflag:s23] =	ssyncset.done $0x0  }
0xaa: {  	s25 =	simm.s32 $0x1B8E;
	s24 =	sld [smem:$0x3FFE];
	[sflag:s23] =	ssyncadd.s32 $0xFFFFFFFF  }
0xab: {  	s26 =	simm.s32 $execute0_lowered;
	[smem:$0x3FD2] =	sst s25  }
0xac: {  	s7 =	sshll.u32 s26, $0x1;
	_ =	strace $0x80000046;
	[dreg:$0x1] =	wrdreg $0xFFFFFFFF  }
0xad: {  	s28 =	simm.s32 $_size_execute0_lowered;
	s5 =	sadd.s32 s5, s7;
	[dreg:$0x0] =	wrdreg $0x0  }
0xae: {  	s7 =	sshll.u32 s28, $0x1;
	[dreg:$0x2] =	wrdreg s5  }
0xaf: {  	[dreg:$0x3] =	wrdreg s7  }
0xb0: {  	[dreg:$0x4] =	wrdreg $0xC0  }
0xb1: {  	_ =	task [dreg:s9], $0x5FFFF  }
0xb2: {  	[dreg:$0x1] =	wrdreg $0xFFFFFFFF  }
0xb3: {  	[dreg:$0x0] =	wrdreg $0x60  }
0xb4: {  	[dreg:$0x2] =	wrdreg s24  }
0xb5: {  	[dreg:$0x3] =	wrdreg s16  }
0xb6: {  	[dreg:$0x4] =	wrdreg s17  }
0xb7: {  	[dreg:$0x5] =	wrdreg s18  }
0xb8: {  	[dreg:$0x6] =	wrdreg $0x9  }
0xb9: {  	_ =	task.clear_ibuf [dreg:s9], $0x7FFFF;
	_ =	strace $0x90000046  }
0xba: {  	s29 =	simm.s32 $0x9;
	_ =	strace $0x80000048  }
0xbb: {  	_ =	swait.ge [sflag:s29], $0x1  }
0xbc: {  	[sflag:s29] =	ssyncadd.s32 $0xFFFFFFFF  }
0xbd: {  	_ =	strace $0x90000048  }
0xbe: {  	_ =	sfence  }
0xbf: {  	s30 =	sld [smem:$0x0];
	_ =	sdelay $0x2  }
0xc0: {  	s31 =	sshll.u32 s1, $0xD;
	s1 =	sshrl.u32 s1, $0x2  }
0xc1: {  	s3 =	sand.u32 $0x4000, s31;
	s1 =	sadd.s32 s1, s30  }
0xc2: {  	s0 =	sor.u32 s3, s0;
	s1 =	sshll.u32 s1, $0x11  }
0xc3: {  	s0 =	sor.u32 s1, s0  }
0xc4: {  	s0 =	sadd.s32 $0x8F2B, s0  }
0xc5: {  	[sflag:s0] =	ssyncadd.remote.s32 $0x1  }
0xc6: {  	_ =	sfence.sel $0xFFFF  }
0xc7: {  	[dreg:$0x0] =	wrdreg $0xFFFFFFFF;
	(pc) =	sbr.abs _section_cstart, $3  }
0xc8: {  	[dreg:$0x1] =	wrdreg $0xFFFFFFFF  }
0xc9: {  	_ =	task.clear_ibuf [dreg:s9], $0x2FFFF;
	_ =	strace $0x9FFFFFFF  }
0xca: {  	(tm) =	ssettm $0x7FFFFFFF  }
0xcb: {  	_ =	shalt  }
tec
execute0_lowered:
.L_overlay_start_1:
0x0: {  	(tag) =	ssettag $0x1  }
0x1: {  	s0 =	rddreg [dreg:$0x0]  }
0x2: {  	s1 =	rddreg [dreg:$0x1]  }
0x3: {  	s15 =	stileid.u32;
	s6 =	rddreg [dreg:$0x2]  }
0x4: {  	s2 =	srdreg.scid;
	s8 =	rddreg [dreg:$0x3];
	s28 =	simm.s32 $0x12A70  }
0x5: {  	s29 =	simm.s32 $0x13270;
	s31 =	simm.s32 $0x4;
	s7 =	sshrl.u32 s15, $0x3  }
0x6: {  	s2 =	sand.u32 $0x1, s2;
	s3 =	sshll.u32 s15, $0x8;
	s14 =	smul.u32 $0x1800, s7  }
0x7: {  	s4 =	sshll.u32 s2, $0x7;
	s3 =	sand.u32 $0x700, s3;
	s10 =	smul.u32 $0xC00, s7  }
0x8: {  	s17 =	ssub.s32 $0x2, s2;
	s18 =	smul.u32 $0x18000, s7;
	s13 =	sshll.u32 s7, $0xF  }
0x9: {  	s2 =	sshll.u32 s2, $0xB;
	s5 =	sor.u32 s4, s3;
	s3 =	simm.s32 $0x0  }
0xa: {  	s12 =	sshrl.u32 s17, $0x1;
	s9 =	smul.u32 $0x3, s5;
	[smem:$0x7FF] =	sst s3  }
0xb: {  	s16 =	sadd.s32 s10, s0;
	s10 =	ssub.s32 s17, s12;
	s5 =	sshll.u32 s5, $0x4  }
0xc: {  	_ =	strace $0x80000047;
	s20 =	sor.u32 s13, s5;
	s21 =	sor.u32 s18, s5  }
0xd: {  	s18 =	sshll.u32 s7, $0x14;
	s4 =	sadd.s32 s14, s9;
	s9 =	sadd.s32 $0x1E00, s16  }
0xe: {  	s23 =	sshrl.u32 s21, $0x3;
	s4 =	sshrl.u32 s4, $0x3;
	[dreg:$0x5] =	wrdreg s9  }
0xf: {  	s9 =	sshrl.u32 s20, $0x3;
	s6 =	sadd.s32 s6, s23;
	s11 =	sadd.s32 s4, s0  }
0x10: {  	s4 =	sadd.s32 $0x3600, s0;
	s8 =	sadd.s32 s8, s9;
	[dreg:$0x9] =	wrdreg s6  }
0x11: {  	s0 =	sadd.s32 $0x43600, s0;
	s19 =	sadd.s32 $0x1800, s11;
	[dreg:$0x7] =	wrdreg s8  }
0x12: {  	s14 =	smul.u32 $0x460000, s7;
	s9 =	sadd.s32 s0, s9;
	[dreg:$0x6] =	wrdreg s19  }
0x13: {  	s7 =	simm.s32 $0xC030;
	s8 =	sadd.s32 $0x1000, s6;
	[dreg:$0x8] =	wrdreg s9  }
0x14: {  	s22 =	sor.u32 s14, s5;
	s6 =	sadd.s32 $0x2000, s6;
	[dreg:$0xb] =	wrdreg s8  }
0x15: {  	s24 =	sshrl.u32 s22, $0x3;
	[dreg:$0xc] =	wrdreg s6;
	s19 =	smax.u32 s10, $0x1  }
0x16: {  	s11 =	sshll.u32 s15, $0xC;
	s9 =	sadd.s32 s1, s24;
	[dreg:$0x14] =	wrdreg s19  }
0x17: {  	s8 =	sshll.u32 s15, $0x6;
	s25 =	sadd.s32 $0x4000, s9;
	[dreg:$0xa] =	wrdreg s9  }
0x18: {  	s2 =	sor.u32 s2, s11;
	s26 =	sadd.s32 $0x8000, s9;
	[dreg:$0xd] =	wrdreg s25  }
0x19: {  	s24 =	sadd.s32 $0x60000, s14;
	s30 =	sadd.s32 $0x1000, s9;
	[dreg:$0xe] =	wrdreg s26  }
0x1a: {  	s17 =	sand.u32 $0x40, s8;
	s12 =	sadd.s32 $0x5000, s9;
	[dreg:$0xf] =	wrdreg s30  }
0x1b: {  	s2 =	sxor.u32 $0x1000, s2;
	s15 =	sadd.s32 $0x9000, s9;
	[dreg:$0x10] =	wrdreg s12  }
0x1c: {  	v0 =	vimm.f32 $2.000000030e-01;
	s21 =	sadd.s32 $0x2000, s9;
	s22 =	sadd.s32 $0x6000, s9;
	[dreg:$0x12] =	wrdreg s15  }
0x1d: {  	(erf) = vrcp.f32 v0;
	s23 =	sadd.s32 $0xA000, s9;
	s19 =	simm.s32 $0xDA50;
	[dreg:$0x15] =	wrdreg s21  }
0x1e: {  	s8 =	simm.s32 $0x0;
	s6 =	sshll.u32 s17, $0xD;
	[dreg:$0x16] =	wrdreg s22  }
0x1f: {  	s20 =	ssub.s32 s2, s13;
	s2 =	sshrl.u32 s2, $0x3;
	[dreg:$0x17] =	wrdreg s23  }
0x20: {  	s25 =	sadd.s32 $0x3000, s9;
	s26 =	sadd.s32 $0x7000, s9;
	s30 =	sadd.s32 $0xB000, s9  }
0x21: {  	s9 =	simm.s32 $0x6000;
	s12 =	simm.s32 $0x8010;
	s13 =	simm.s32 $0xA020  }
0x22: {  	v1 =	vimm.s32 $0xDAFC9EB8;
	s21 =	simm.s32 $0x1;
	s22 =	simm.s32 $0xFA60;
	[dreg:$0x18] =	wrdreg s25  }
0x23: {  	v2 =	vunpack.c.l.s4.s8 v1;
	v0 =	vlaneseq.u32;
	s6 =	sor.u32 s18, s6;
	s0 =	sadd.s32 s0, s2;
	[dreg:$0x19] =	wrdreg s26  }
0x24: {  	v5 =	vimm.f32 $1.000000000e+06;
	v1 =	vmul.u32 $0x3, v0;
	[dreg:$0x1a] =	wrdreg s30;
	s25 =	simm.s32 $0x12270;
	s6 =	sshrl.u32 s6, $0x3  }
0x25: {  	v7 =	vimm.f32 $0.0e+00;
	vm0 =	vcmask $0x3F04;
	v2 =	vunpack.c.0.s8.s32 v2;
	s26 =	simm.s32 $0x2;
	[dreg:$0x11] =	wrdreg s0;
	s16 =	sadd.s32 s4, s6  }
0x26: {  	v8 =	vadd.s32 $0x1, v0;
	v3 =	vadd.s32 $0x1, v1;
	v4 =	vadd.s32 $0x2, v1;
	s2 =	simm.s32 $0x5;
	s0 =	sor.u32 $0x4000, s18;
	v6 =	vpop (erf);
	[dreg:$0x13] =	wrdreg s16  }
.LBB2_1:
0x27: {  	v9 =	vmov s3  }
0x28: {  	[dreg:$0x1b] =	wrdreg s8;
	v9 =	vmul.u32 $0x3, v9  }
0x29: {  	s6 =	rddreg [dreg:$0x5];
	s11 =	simm.s32 $0x6  }
0x2a: {  	[tilespmem:s3], [sflag:$0x6] =	stream.linear.gather [hbm4b:s6+s3], $0x6000, $0x38;
	v9 =	vbroadcast v9, $0x0;
	[tilespmem:$0x16A70] =	vst v63  }
0x2b: {  	_ =	swait.ge [sflag:s11], $0x6000  }
0x2c: {  	[sflag:s11] =	ssyncset.done $0x0;
	v10 =	vor.u32 v1, v9  }
0x2d: {  	s14 =	rddreg [dreg:$0x6];
	[sflag:s11] =	ssyncadd.s32 $0xFFFFA000;
	v10 =	vand.u32 v2, v10  }
0x2e: {  	[tilespmem:s7], [sflag:$0x6] =	stream.linear.gather [hbm4b:s14+s3], $0x180, $0x38;
	[tilespmem:$0x16A70] =	vst v63  }
0x2f: {  	_ =	swait.ge [sflag:s11], $0x180  }
0x30: {  	[sflag:s11] =	ssyncset.done $0x0  }
0x31: {  	[sflag:s11] =	ssyncadd.s32 $0xFFFFFE80  }
0x32: {  	v10 =	vld.idx.msk [tilespmem:v10+s3+$0x0], $0xffff  }
0x33: {  	v11 =	vor.u32 v3, v9;
	_ =	sdelay $0x2  }
0x34: {  	s11 =	simm.s32 $0x6020  }
0x35: {  	[tilespmem:s11+$0xFFFFFFE0] =	vst v10  }
0x36: {  	v10 =	vld.idx.msk [tilespmem:v11+s3+$0x0], $0xffff  }
0x37: {  	s15 =	simm.s32 $0x10;
	v9 =	vor.u32 v4, v9  }
0x38: {  	v11 =	vmov s15  }
0x39: {  	v11 =	vmul.u32 $0x3, v11  }
0x3a: {  	s14 =	simm.s32 $0x8030  }
0x3b: {  	[tilespmem:s14+$0xFFFFFFE0] =	vst v10;
	v10 =	vbroadcast v11, $0x0  }
0x3c: {  	v9 =	vld.idx.msk [tilespmem:v9+s3+$0x0], $0xffff  }
0x3d: {  	v11 =	vadd.s32 v1, v10;
	_ =	sdelay $0x2  }
0x3e: {  	s30 =	simm.s32 $0xA040  }
0x3f: {  	[tilespmem:s30+$0xFFFFFFE0] =	vst v9  }
0x40: {  	v9 =	vld.idx.msk [tilespmem:v11+s3+$0x0], $0xffff  }
0x41: {  	v11 =	vadd.s32 v3, v10;
	_ =	sdelay $0x3  }
0x42: {  	[tilespmem:s11+$0xFFFFFFF0] =	vst v9  }
0x43: {  	v9 =	vld.idx.msk [tilespmem:v11+s3+$0x0], $0xffff  }
0x44: {  	s16 =	simm.s32 $0x20;
	v10 =	vadd.s32 v4, v10  }
0x45: {  	v11 =	vmov s16  }
0x46: {  	v11 =	vmul.u32 $0x3, v11;
	_ =	sdelay $0x1  }
0x47: {  	[tilespmem:s14+$0xFFFFFFF0] =	vst v9;
	v9 =	vbroadcast v11, $0x0  }
0x48: {  	v10 =	vld.idx.msk [tilespmem:v10+s3+$0x0], $0xffff  }
0x49: {  	v11 =	vadd.s32 v1, v9;
	_ =	sdelay $0x3  }
0x4a: {  	[tilespmem:s30+$0xFFFFFFF0] =	vst v10  }
0x4b: {  	v10 =	vld.idx.msk [tilespmem:v11+s3+$0x0], $0xffff  }
0x4c: {  	v11 =	vadd.s32 v3, v9;
	_ =	sdelay $0x3  }
0x4d: {  	[tilespmem:s11+$0x0] =	vst v10  }
0x4e: {  	v10 =	vld.idx.msk [tilespmem:v11+s3+$0x0], $0xffff  }
0x4f: {  	s23 =	simm.s32 $0x30;
	v9 =	vadd.s32 v4, v9  }
0x50: {  	v11 =	vmov s23  }
0x51: {  	v11 =	vmul.u32 $0x3, v11;
	_ =	sdelay $0x1  }
0x52: {  	[tilespmem:s14+$0x0] =	vst v10;
	v10 =	vbroadcast v11, $0x0  }
0x53: {  	v9 =	vld.idx.msk [tilespmem:v9+s3+$0x0], $0xffff  }
0x54: {  	v11 =	vadd.s32 v1, v10;
	_ =	sdelay $0x3  }
0x55: {  	[tilespmem:s30+$0x0] =	vst v9  }
0x56: {  	v9 =	vld.idx.msk [tilespmem:v11+s3+$0x0], $0xffff  }
0x57: {  	v11 =	vadd.s32 v3, v10;
	_ =	sdelay $0x3  }
0x58: {  	[tilespmem:s11+$0x10] =	vst v9  }
0x59: {  	s16 =	simm.s32 $0x40;
	v11 =	vld.idx.msk [tilespmem:v11+s3+$0x0], $0xffff  }
0x5a: {  	v10 =	vadd.s32 v4, v10;
	v9 =	vmov s16  }
0x5b: {  	v9 =	vmul.u32 $0x3, v9;
	_ =	sdelay $0x1  }
0x5c: {  	v9 =	vbroadcast v9, $0x0  }
0x5d: {  	[tilespmem:s14+$0x10] =	vst v11  }
0x5e: {  	v12 =	vor.u32 v1, v9;
	v11 =	vld.idx.msk [tilespmem:v10+s3+$0x0], $0xffff  }
0x5f: {  	v10 =	vand.u32 v2, v12;
	_ =	sdelay $0x2  }
0x60: {  	s6 =	simm.s32 $0x4;
	s15 =	simm.s32 $0xA080  }
.LBB2_2:
0x61: {  	s6 =	sadd.s32 $0x4, s6;
	[tilespmem:s30+$0x10] =	vst v11;
	s11 =	sadd.s32 $0x40, s11;
	s14 =	sadd.s32 $0x40, s14  }
0x62: {  	s30 =	smov.u32 s15;
	p0 =	slt.u32 s6, $0x1FC;
	v10 =	vld.idx.msk [tilespmem:v10+s3+$0x0], $0xffff;
	_ =	sdelay $0x1  }
0x63: {  	v11 =	vor.u32 v3, v9;
	_ =	sdelay $0x3  }
0x64: {  	[tilespmem:s11+$0xFFFFFFE0] =	vst v10  }
0x65: {  	v10 =	vld.idx.msk [tilespmem:v11+s3+$0x0], $0xffff;
	_ =	sdelay $0x1  }
0x66: {  	v9 =	vor.u32 v4, v9  }
0x67: {  	s8 =	sadd.s32 $0x10, s16  }
0x68: {  	v11 =	vmov s8  }
0x69: {  	v11 =	vmul.u32 $0x3, v11  }
0x6a: {  	[tilespmem:s14+$0xFFFFFFE0] =	vst v10  }
0x6b: {  	v10 =	vbroadcast v11, $0x0;
	v9 =	vld.idx.msk [tilespmem:v9+s3+$0x0], $0xffff;
	_ =	sdelay $0x1  }
0x6c: {  	v11 =	vadd.s32 v1, v10;
	_ =	sdelay $0x3  }
0x6d: {  	[tilespmem:s15+$0xFFFFFFE0] =	vst v9  }
0x6e: {  	v9 =	vld.idx.msk [tilespmem:v11+s3+$0x0], $0xffff;
	_ =	sdelay $0x1  }
0x6f: {  	v11 =	vadd.s32 v3, v10;
	_ =	sdelay $0x3  }
0x70: {  	[tilespmem:s11+$0xFFFFFFF0] =	vst v9  }
0x71: {  	v9 =	vld.idx.msk [tilespmem:v11+s3+$0x0], $0xffff;
	_ =	sdelay $0x1  }
0x72: {  	v10 =	vadd.s32 v4, v10  }
0x73: {  	s8 =	sadd.s32 $0x20, s16  }
0x74: {  	v11 =	vmov s8  }
0x75: {  	v11 =	vmul.u32 $0x3, v11  }
0x76: {  	[tilespmem:s14+$0xFFFFFFF0] =	vst v9  }
0x77: {  	v9 =	vld.idx.msk [tilespmem:v10+s3+$0x0], $0xffff;
	v10 =	vbroadcast v11, $0x0;
	_ =	sdelay $0x1  }
0x78: {  	v11 =	vadd.s32 v1, v10;
	_ =	sdelay $0x3  }
0x79: {  	[tilespmem:s15+$0xFFFFFFF0] =	vst v9  }
0x7a: {  	v9 =	vld.idx.msk [tilespmem:v11+s3+$0x0], $0xffff;
	_ =	sdelay $0x1  }
0x7b: {  	v11 =	vadd.s32 v3, v10;
	_ =	sdelay $0x3  }
0x7c: {  	[tilespmem:s11+$0x0] =	vst v9  }
0x7d: {  	v9 =	vld.idx.msk [tilespmem:v11+s3+$0x0], $0xffff;
	_ =	sdelay $0x1  }
0x7e: {  	v10 =	vadd.s32 v4, v10  }
0x7f: {  	s8 =	sadd.s32 $0x30, s16  }
0x80: {  	v11 =	vmov s8  }
0x81: {  	v11 =	vmul.u32 $0x3, v11  }
0x82: {  	[tilespmem:s14+$0x0] =	vst v9  }
0x83: {  	v9 =	vld.idx.msk [tilespmem:v10+s3+$0x0], $0xffff;
	v10 =	vbroadcast v11, $0x0;
	_ =	sdelay $0x1  }
0x84: {  	v11 =	vadd.s32 v1, v10;
	_ =	sdelay $0x3  }
0x85: {  	[tilespmem:s15+$0x0] =	vst v9  }
0x86: {  	v9 =	vld.idx.msk [tilespmem:v11+s3+$0x0], $0xffff;
	_ =	sdelay $0x1  }
0x87: {  	v11 =	vadd.s32 v3, v10;
	_ =	sdelay $0x3  }
0x88: {  	[tilespmem:s11+$0x10] =	vst v9  }
0x89: {  	v11 =	vld.idx.msk [tilespmem:v11+s3+$0x0], $0xffff;
	_ =	sdelay $0x1  }
0x8a: {  	s16 =	sadd.s32 $0x40, s16;
	v10 =	vadd.s32 v4, v10  }
0x8b: {  	v9 =	vmov s16  }
0x8c: {  	v9 =	vmul.u32 $0x3, v9;
	_ =	sdelay $0x1  }
0x8d: {  	v9 =	vbroadcast v9, $0x0;
	[tilespmem:s14+$0x10] =	vst v11  }
0x8e: {  	v11 =	vld.idx.msk [tilespmem:v10+s3+$0x0], $0xffff  }
.Ltmp0:
0x8f: {  	v10 =	vor.u32 v1, v9;
	(pc) =	sbr.rel @p0 .LBB2_2-.Ltmp0, $2  }
0x90: {  	v10 =	vand.u32 v2, v10;
	_ =	sdelay $0x2  }
0x91: {  	s15 =	sadd.s32 $0x40, s15  }
0x92: {  	_ =	sdelay $0x2  }
0x93: {  	[tilespmem:s30+$0x10] =	vst v11  }
0x94: {  	v10 =	vld.idx.msk [tilespmem:v10+s3+$0x0], $0xffff  }
0x95: {  	v11 =	vor.u32 v3, v9;
	_ =	sdelay $0x2  }
0x96: {  	s6 =	sadd.s32 $0x40, s11  }
0x97: {  	[tilespmem:s6+$0xFFFFFFE0] =	vst v10  }
0x98: {  	v10 =	vld.idx.msk [tilespmem:v11+s3+$0x0], $0xffff  }
0x99: {  	v9 =	vor.u32 v4, v9;
	s8 =	sadd.s32 $0x10, s16  }
0x9a: {  	v11 =	vmov s8  }
0x9b: {  	v11 =	vmul.u32 $0x3, v11  }
0x9c: {  	s23 =	sadd.s32 $0x40, s14  }
0x9d: {  	[tilespmem:s23+$0xFFFFFFE0] =	vst v10;
	v10 =	vbroadcast v11, $0x0  }
0x9e: {  	v9 =	vld.idx.msk [tilespmem:v9+s3+$0x0], $0xffff  }
0x9f: {  	v11 =	vadd.s32 v1, v10;
	_ =	sdelay $0x3  }
0xa0: {  	[tilespmem:s15+$0xFFFFFFE0] =	vst v9  }
0xa1: {  	v9 =	vld.idx.msk [tilespmem:v11+s3+$0x0], $0xffff  }
0xa2: {  	v11 =	vadd.s32 v3, v10;
	_ =	sdelay $0x3  }
0xa3: {  	[tilespmem:s6+$0xFFFFFFF0] =	vst v9  }
0xa4: {  	v9 =	vld.idx.msk [tilespmem:v11+s3+$0x0], $0xffff  }
0xa5: {  	s10 =	sadd.s32 $0x20, s16;
	v10 =	vadd.s32 v4, v10  }
0xa6: {  	v11 =	vmov s10  }
0xa7: {  	v11 =	vmul.u32 $0x3, v11;
	_ =	sdelay $0x1  }
0xa8: {  	[tilespmem:s23+$0xFFFFFFF0] =	vst v9;
	v9 =	vbroadcast v11, $0x0  }
0xa9: {  	v10 =	vld.idx.msk [tilespmem:v10+s3+$0x0], $0xffff  }
0xaa: {  	v11 =	vadd.s32 v1, v9;
	_ =	sdelay $0x3  }
0xab: {  	[tilespmem:s15+$0xFFFFFFF0] =	vst v10  }
0xac: {  	v10 =	vld.idx.msk [tilespmem:v11+s3+$0x0], $0xffff  }
0xad: {  	v11 =	vadd.s32 v3, v9;
	_ =	sdelay $0x3  }
0xae: {  	[tilespmem:s6+$0x0] =	vst v10  }
0xaf: {  	v10 =	vld.idx.msk [tilespmem:v11+s3+$0x0], $0xffff  }
0xb0: {  	s30 =	sadd.s32 $0x30, s16;
	v9 =	vadd.s32 v4, v9  }
0xb1: {  	v11 =	vmov s30  }
0xb2: {  	v11 =	vmul.u32 $0x3, v11;
	_ =	sdelay $0x1  }
0xb3: {  	[tilespmem:s23+$0x0] =	vst v10;
	v10 =	vbroadcast v11, $0x0  }
0xb4: {  	v9 =	vld.idx.msk [tilespmem:v9+s3+$0x0], $0xffff  }
0xb5: {  	v11 =	vadd.s32 v1, v10;
	_ =	sdelay $0x3  }
0xb6: {  	[tilespmem:s15+$0x0] =	vst v9  }
0xb7: {  	v9 =	vld.idx.msk [tilespmem:v11+s3+$0x0], $0xffff  }
0xb8: {  	v11 =	vadd.s32 v3, v10;
	_ =	sdelay $0x3  }
0xb9: {  	[tilespmem:s6+$0x10] =	vst v9  }
0xba: {  	v9 =	vld.idx.msk [tilespmem:v11+s3+$0x0], $0xffff  }
0xbb: {  	v10 =	vadd.s32 v4, v10;
	_ =	sdelay $0x3  }
0xbc: {  	[tilespmem:s23+$0x10] =	vst v9  }
0xbd: {  	v9 =	vld.idx.msk [tilespmem:v10+s3+$0x0], $0xffff;
	_ =	sdelay $0x4  }
0xbe: {  	[tilespmem:s15+$0x10] =	vst v9  }
0xbf: {  	[tilespmem:$0x8000] =	vst v5  }
0xc0: {  	[tilespmem:$0xA010] =	vst v5  }
0xc1: {  	[tilespmem:$0xC020] =	vst v5  }
0xc2: {  	[tilespmem:$0xFA50] =	vst v7  }
0xc3: {  	s11 =	simm.s32 $0x0;
	[tilespmem:$0x11A60] =	vst v7  }
.LBB2_4:
0xc4: {  	s6 =	smul.u32 $0x3, s11;
	_ =	sdelay $0x1  }
0xc5: {  	v9 =	vmov s6;
	s8 =	sadd.s32 $0x1, s6  }
0xc6: {  	s6 =	sadd.s32 $0x2, s6;
	v10 =	vmov s8  }
0xc7: {  	v11 =	vmov s6;
	_ =	sdelay $0x2  }
0xc8: {  	v9 =	vld.idx.msk [tilespmem:v9+s7+$0x0], $0xffff  }
0xc9: {  	s14 =	simm.s32 $0x70;
	s15 =	simm.s32 $0xA060;
	s16 =	simm.s32 $0x8050;
	v10 =	vld.idx.msk [tilespmem:v10+s7+$0x0], $0xffff  }
0xca: {  	s30 =	simm.s32 $0x6040;
	s10 =	simm.s32 $0x0;
	s6 =	simm.s32 $0x0;
	v11 =	vld.idx.msk [tilespmem:v11+s7+$0x0], $0xffff  }
.LBB2_5:
0xcb: {  	v12 =	vld [tilespmem:s30+$0xFFFFFFC0]  }
0xcc: {  	v13 =	vld [tilespmem:s16+$0xFFFFFFC0];
	_ =	sdelay $0x1  }
0xcd: {  	v14 =	vld [tilespmem:s15+$0xFFFFFFC0];
	_ =	sdelay $0x2  }
0xce: {  	v12 =	vsub.f32 v9, v12;
	v13 =	vsub.f32 v10, v13;
	_ =	sdelay $0x1  }
0xcf: {  	v14 =	vsub.f32 v11, v14;
	v12 =	vmul.f32 v12, v12;
	v13 =	vmul.f32 v13, v13;
	_ =	sdelay $0x1  }
0xd0: {  	v27 =	vmul.f32 v14, v14;
	v12 =	vadd.f32 v13, v12;
	_ =	sdelay $0x1  }
0xd1: {  	v12 =	vadd.f32 v27, v12  }
0xd2: {  	s8 =	sadd.s32 $0xFFFFFF90, s14  }
0xd3: {  	v28 =	vor.u32 s8, v0;
	vm1 =	vlt.f32 v12, $3.999999910e-02  }
0xd4: {  	[tilespmem:s10+$0xD1B0] =	vst.msk vm1, v28;
	v29 =	vmpcnt.ones.xlane vm1  }
0xd5: {  	v30 =	vld [tilespmem:s30+$0xFFFFFFD0]  }
0xd6: {  	v31 =	vld [tilespmem:s16+$0xFFFFFFD0];
	(v2sf) =	vpush v29, $0x0;
	_ =	sdelay $0x1  }
0xd7: {  	v32 =	vld [tilespmem:s15+$0xFFFFFFD0];
	_ =	sdelay $0x2  }
0xd8: {  	v13 =	vsub.f32 v9, v30;
	v12 =	vsub.f32 v10, v31;
	_ =	sdelay $0x1  }
0xd9: {  	v14 =	vsub.f32 v11, v32;
	v13 =	vmul.f32 v13, v13;
	v12 =	vmul.f32 v12, v12;
	_ =	sdelay $0x1  }
0xda: {  	v33 =	vmul.f32 v14, v14;
	v12 =	vadd.f32 v12, v13;
	_ =	sdelay $0x1  }
0xdb: {  	v12 =	vadd.f32 v33, v12;
	_ =	sdelay $0x1  }
0xdc: {  	vm1 =	vlt.f32 v12, $3.999999910e-02  }
0xdd: {  	v12 =	vmpcnt.ones.xlane vm1  }
0xde: {  	s23 =	sadd.s32 $0xFFFFFFA0, s14;
	s8 =	spop (v2sf)  }
0xdf: {  	v34 =	vor.u32 s23, v0;
	(v2sf) =	vpush v12, $0x0;
	s8 =	sadd.s32 s10, s8  }
0xe0: {  	[tilespmem:s8+$0xD1B0] =	vst.msk vm1, v34  }
0xe1: {  	v35 =	vld [tilespmem:s30+$0xFFFFFFE0]  }
0xe2: {  	v13 =	vld [tilespmem:s16+$0xFFFFFFE0];
	_ =	sdelay $0x1  }
0xe3: {  	v36 =	vld [tilespmem:s15+$0xFFFFFFE0];
	_ =	sdelay $0x2  }
0xe4: {  	v12 =	vsub.f32 v9, v35;
	v13 =	vsub.f32 v10, v13;
	_ =	sdelay $0x1  }
0xe5: {  	v14 =	vsub.f32 v11, v36;
	v12 =	vmul.f32 v12, v12;
	v13 =	vmul.f32 v13, v13;
	_ =	sdelay $0x1  }
0xe6: {  	v37 =	vmul.f32 v14, v14;
	v12 =	vadd.f32 v13, v12;
	_ =	sdelay $0x1  }
0xe7: {  	v12 =	vadd.f32 v37, v12  }
0xe8: {  	s23 =	sadd.s32 $0xFFFFFFB0, s14;
	s10 =	spop (v2sf)  }
0xe9: {  	v38 =	vor.u32 s23, v0;
	s8 =	sadd.s32 s8, s10;
	vm1 =	vlt.f32 v12, $3.999999910e-02  }
0xea: {  	[tilespmem:s8+$0xD1B0] =	vst.msk vm1, v38;
	v39 =	vmpcnt.ones.xlane vm1  }
0xeb: {  	v40 =	vld [tilespmem:s30+$0xFFFFFFF0]  }
0xec: {  	v41 =	vld [tilespmem:s16+$0xFFFFFFF0];
	(v2sf) =	vpush v39, $0x0;
	_ =	sdelay $0x1  }
0xed: {  	v42 =	vld [tilespmem:s15+$0xFFFFFFF0];
	_ =	sdelay $0x2  }
0xee: {  	v13 =	vsub.f32 v9, v40;
	v12 =	vsub.f32 v10, v41;
	_ =	sdelay $0x1  }
0xef: {  	v14 =	vsub.f32 v11, v42;
	v13 =	vmul.f32 v13, v13;
	v12 =	vmul.f32 v12, v12;
	_ =	sdelay $0x1  }
0xf0: {  	v43 =	vmul.f32 v14, v14;
	v12 =	vadd.f32 v12, v13;
	_ =	sdelay $0x1  }
0xf1: {  	v12 =	vadd.f32 v43, v12;
	_ =	sdelay $0x1  }
0xf2: {  	vm1 =	vlt.f32 v12, $3.999999910e-02  }
0xf3: {  	v12 =	vmpcnt.ones.xlane vm1  }
0xf4: {  	s23 =	sadd.s32 $0xFFFFFFC0, s14;
	s10 =	spop (v2sf)  }
0xf5: {  	v44 =	vor.u32 s23, v0;
	(v2sf) =	vpush v12, $0x0;
	s8 =	sadd.s32 s8, s10  }
0xf6: {  	[tilespmem:s8+$0xD1B0] =	vst.msk vm1, v44  }
0xf7: {  	v45 =	vld [tilespmem:s30+$0x0]  }
0xf8: {  	v13 =	vld [tilespmem:s16+$0x0];
	_ =	sdelay $0x1  }
0xf9: {  	v46 =	vld [tilespmem:s15+$0x0];
	_ =	sdelay $0x2  }
0xfa: {  	v12 =	vsub.f32 v9, v45;
	v13 =	vsub.f32 v10, v13;
	_ =	sdelay $0x1  }
0xfb: {  	v14 =	vsub.f32 v11, v46;
	v12 =	vmul.f32 v12, v12;
	v13 =	vmul.f32 v13, v13;
	_ =	sdelay $0x1  }
0xfc: {  	v47 =	vmul.f32 v14, v14;
	v12 =	vadd.f32 v13, v12;
	_ =	sdelay $0x1  }
0xfd: {  	v12 =	vadd.f32 v47, v12  }
0xfe: {  	s23 =	sadd.s32 $0xFFFFFFD0, s14;
	s10 =	spop (v2sf)  }
0xff: {  	v48 =	vor.u32 s23, v0;
	s8 =	sadd.s32 s8, s10;
	vm1 =	vlt.f32 v12, $3.999999910e-02  }
0x100: {  	[tilespmem:s8+$0xD1B0] =	vst.msk vm1, v48;
	v49 =	vmpcnt.ones.xlane vm1  }
0x101: {  	v50 =	vld [tilespmem:s30+$0x10]  }
0x102: {  	v51 =	vld [tilespmem:s16+$0x10];
	(v2sf) =	vpush v49, $0x0;
	_ =	sdelay $0x1  }
0x103: {  	v52 =	vld [tilespmem:s15+$0x10];
	_ =	sdelay $0x2  }
0x104: {  	v13 =	vsub.f32 v9, v50;
	v12 =	vsub.f32 v10, v51;
	_ =	sdelay $0x1  }
0x105: {  	v14 =	vsub.f32 v11, v52;
	v13 =	vmul.f32 v13, v13;
	v12 =	vmul.f32 v12, v12;
	_ =	sdelay $0x1  }
0x106: {  	v53 =	vmul.f32 v14, v14;
	v12 =	vadd.f32 v12, v13;
	_ =	sdelay $0x1  }
0x107: {  	v12 =	vadd.f32 v53, v12;
	_ =	sdelay $0x1  }
0x108: {  	vm1 =	vlt.f32 v12, $3.999999910e-02  }
0x109: {  	v12 =	vmpcnt.ones.xlane vm1  }
0x10a: {  	s23 =	sadd.s32 $0xFFFFFFE0, s14;
	s10 =	spop (v2sf)  }
0x10b: {  	v54 =	vor.u32 s23, v0;
	(v2sf) =	vpush v12, $0x0;
	s8 =	sadd.s32 s8, s10  }
0x10c: {  	[tilespmem:s8+$0xD1B0] =	vst.msk vm1, v54  }
0x10d: {  	v55 =	vld [tilespmem:s30+$0x20]  }
0x10e: {  	v13 =	vld [tilespmem:s16+$0x20];
	_ =	sdelay $0x1  }
0x10f: {  	v56 =	vld [tilespmem:s15+$0x20];
	_ =	sdelay $0x2  }
0x110: {  	v12 =	vsub.f32 v9, v55;
	v13 =	vsub.f32 v10, v13;
	_ =	sdelay $0x1  }
0x111: {  	v14 =	vsub.f32 v11, v56;
	v12 =	vmul.f32 v12, v12;
	v13 =	vmul.f32 v13, v13;
	_ =	sdelay $0x1  }
0x112: {  	v57 =	vmul.f32 v14, v14;
	v12 =	vadd.f32 v13, v12;
	_ =	sdelay $0x1  }
0x113: {  	v12 =	vadd.f32 v57, v12  }
0x114: {  	s23 =	sadd.s32 $0xFFFFFFF0, s14;
	s10 =	spop (v2sf)  }
0x115: {  	v58 =	vor.u32 s23, v0;
	s8 =	sadd.s32 s8, s10;
	vm1 =	vlt.f32 v12, $3.999999910e-02  }
0x116: {  	[tilespmem:s8+$0xD1B0] =	vst.msk vm1, v58  }
0x117: {  	v12 =	vld [tilespmem:s30+$0x30]  }
0x118: {  	v59 =	vld [tilespmem:s16+$0x30];
	_ =	sdelay $0x1  }
0x119: {  	v60 =	vld [tilespmem:s15+$0x30];
	_ =	sdelay $0x2  }
0x11a: {  	v12 =	vsub.f32 v9, v12;
	v13 =	vsub.f32 v10, v59;
	_ =	sdelay $0x1  }
0x11b: {  	v14 =	vsub.f32 v11, v60;
	v12 =	vmul.f32 v12, v12;
	v13 =	vmul.f32 v13, v13;
	_ =	sdelay $0x1  }
0x11c: {  	v61 =	vmul.f32 v14, v14;
	v12 =	vadd.f32 v13, v12;
	_ =	sdelay $0x1  }
0x11d: {  	v12 =	vadd.f32 v61, v12;
	_ =	sdelay $0x1  }
0x11e: {  	v62 =	vmpcnt.ones.xlane vm1;
	vm1 =	vlt.f32 v12, $3.999999910e-02  }
0x11f: {  	v12 =	vmpcnt.ones.xlane vm1  }
0x120: {  	(v2sf) =	vpush v62, $0x0  }
0x121: {  	(v2sf) =	vpush v12, $0x0;
	_ =	sdelay $0xd  }
0x122: {  	s23 =	spop (v2sf)  }
0x123: {  	s8 =	sadd.s32 s8, s23;
	s23 =	spop (v2sf)  }
0x124: {  	p0 =	sgt.u32 s6, $0x3E;
	s10 =	sadd.s32 s8, s23  }
0x125: {  	p1 =	slt.s32 @!p0 s10, $0x10  }
0x126: {  	p0 =	por p0, !p1  }
.Ltmp1:
0x127: {  	_ = 	snop;
	(pc) =	sbr.rel @!p0 .LBB2_5-.Ltmp1, $3  }
0x128: {  	_ =	sdelay $0x1  }
0x129: {  	v63 =	vor.u32 s14, v0;
	s6 =	sadd.s32 $0x1, s6;
	s14 =	sadd.s32 $0x80, s14  }
0x12a: {  	s15 =	sadd.s32 $0x80, s15;
	s16 =	sadd.s32 $0x80, s16;
	s30 =	sadd.s32 $0x80, s30;
	[tilespmem:s8+$0xD1B0] =	vst.msk vm1, v63  }
0x12b: {  	s6 =	simm.s32 $0xD1B0  }
0x12c: {  	v9 =	vld.msk [tilespmem:s6+$0x0], $0xffff;
	_ =	sdelay $0x2  }
0x12d: {  	v10 =	vld [tilespmem:$0xD1B0]  }
0x12e: {  	p0 =	sgt.s32 s10, $0x0;
	s30 =	sshll.u32 s11, $0x4;
	s11 =	sadd.s32 $0x1, s11  }
0x12f: {  	v9 =	vpsel !p0, $0x0, v9;
	p0 =	sne.s32 s11, $0x80  }
.Ltmp2:
0x130: {  	v11 =	vmov s10;
	(pc) =	sbr.rel @p0 .LBB2_4-.Ltmp2, $4  }
0x131: {  	vm1 =	vgt.s32 v11, v0;
	vm2 =	vlt.s32 v11, v8  }
0x132: {  	v9 =	vsel vm1, v10, v9;
	vm1 =	vmand vm2, vm0  }
0x133: {  	[tilespmem:s30+$0xD250] =	vst v9;
	v9 =	vsel vm1, $0x2000, v9  }
0x134: {  	[tilespmem:s30+$0xC1B0] =	vst v9  }
0x135: {  	s14 =	simm.s32 $0x0;
	s6 =	rddreg [dreg:$0x7];
	s8 =	simm.s32 $0xD250  }
0x136: {  	[hbm4b:s6+s14] =	stream.linear.scatter [tilespmem:s8], [sflag:$0x5], $0x800, $0x38;
	[tilespmem:$0x16A70] =	vst v63  }
0x137: {  	s23 =	rddreg [dreg:$0x8];
	s30 =	simm.s32 $0xC1B0;
	s6 =	simm.s32 $0x6  }
0x138: {  	[hbm4b:s23+s14] =	stream.linear.scatter [tilespmem:s30], [sflag:$0x6], $0x800, $0x38;
	[tilespmem:$0x16A70] =	vst v63  }
0x139: {  	_ =	swait.ge [sflag:s6], $0x800  }
0x13a: {  	s16 =	simm.s32 $0x0;
	[sflag:s6] =	ssyncset.done $0x0  }
0x13b: {  	s11 =	simm.s32 $0x0;
	v12 =	vmov s16;
	[sflag:s6] =	ssyncadd.s32 $0xFFFFF800  }
0x13c: {  	s15 =	simm.s32 $0x1;
	v12 =	vand.u32 $0xFFFFFFFE, v12;
	v10 =	vld [tilespmem:s11+$0xC1B0]  }
0x13d: {  	v11 =	vmov s15;
	v12 =	vbroadcast v12, $0x0  }
0x13e: {  	s10 =	simm.s32 $0x2  }
0x13f: {  	v9 =	vmov s10  }
0x140: {  	v9 =	vand.u32 $0xFFFFFFFE, v9  }
0x141: {  	v9 =	vbroadcast v9, $0x0  }
0x142: {  	v11 =	vld.idx.msk [tilespmem:v11+s7+$0x0], $0xffff  }
0x143: {  	v12 =	vld.idx.msk [tilespmem:v12+s7+$0x0], $0xffff  }
0x144: {  	v13 =	vld.idx.msk [tilespmem:v10+s13+$0x0], $0xffff  }
0x145: {  	v14 =	vld.idx.msk [tilespmem:v10+s12+$0x0], $0xffff  }
0x146: {  	v10 =	vld.idx.msk [tilespmem:v10+s9+$0x0], $0xffff  }
0x147: {  	v9 =	vld.idx.msk [tilespmem:v9+s7+$0x0], $0xffff;
	_ =	sdelay $0x2  }
0x148: {  	s23 =	simm.s32 $0x4;
	v11 =	vsub.f32 v14, v11  }
0x149: {  	v14 =	vmov s23;
	v10 =	vsub.f32 v10, v12  }
0x14a: {  	v13 =	vsub.f32 v13, v9;
	v12 =	vand.u32 $0xFFFFFFFE, v14;
	vm1 =	vgt.f32 v11, $1.000000000e+05  }
0x14b: {  	[tilespmem:s11+$0x14270] =	vst v11;
	v12 =	vbroadcast v12, $0x0;
	vm2 =	vgt.f32 v10, $1.000000000e+05;
	v11 =	vsel vm1, $0x0, v11  }
0x14c: {  	v9 =	vld [tilespmem:s11+$0xC1C0];
	[tilespmem:s11+$0x13A70] =	vst v10;
	vm1 =	vgt.f32 v13, $1.000000000e+05;
	v10 =	vsel vm2, $0x0, v10;
	v11 =	vmul.f32 v11, v6  }
0x14d: {  	s30 =	simm.s32 $0x3;
	[tilespmem:s11+$0x14A70] =	vst v13;
	v13 =	vsel vm1, $0x0, v13;
	v10 =	vmul.f32 v10, v6  }
0x14e: {  	v14 =	vmov s30;
	v13 =	vmul.f32 v13, v6;
	[tilespmem:s11+$0x15A70] =	vst v11  }
0x14f: {  	[tilespmem:s11+$0x15270] =	vst v10  }
0x150: {  	s6 =	simm.s32 $0x5;
	[tilespmem:s11+$0x16270] =	vst v13  }
0x151: {  	v10 =	vld.idx.msk [tilespmem:v12+s7+$0x0], $0xffff;
	v12 =	vmov s6;
	_ =	sdelay $0x1  }
0x152: {  	s15 =	simm.s32 $0x0;
	v11 =	vld.idx.msk [tilespmem:v14+s7+$0x0], $0xffff  }
.LBB2_8:
0x153: {  	s15 =	sadd.s32 $0x2, s15;
	v13 =	vld.idx.msk [tilespmem:v9+s9+$0x0], $0xffff;
	s14 =	sadd.s32 $0x80, s14;
	s6 =	sadd.s32 $0x6, s6  }
0x154: {  	p0 =	slt.u32 s15, $0x7E;
	v14 =	vld.idx.msk [tilespmem:v9+s13+$0x0], $0xffff  }
0x155: {  	s8 =	sshra.s32 s14, $0x2;
	s10 =	sadd.s32 $0xFFFFFFFB, s6;
	s16 =	sadd.s32 $0xFFFFFFFD, s6;
	v12 =	vld.idx.msk [tilespmem:v12+s7+$0x0], $0xffff  }
0x156: {  	v15 =	vmov s10;
	v16 =	vmov s16;
	v9 =	vld.idx.msk [tilespmem:v9+s12+$0x0], $0xffff  }
0x157: {  	v15 =	vand.u32 $0xFFFFFFFE, v15;
	v16 =	vand.u32 $0xFFFFFFFE, v16  }
0x158: {  	s10 =	sadd.s32 $0xFFFFFFFC, s6;
	v15 =	vbroadcast v15, $0x0  }
0x159: {  	v17 =	vmov s10;
	v11 =	vsub.f32 v13, v11;
	_ =	sdelay $0x1  }
0x15a: {  	v12 =	vsub.f32 v14, v12;
	vm1 =	vgt.f32 v11, $1.000000000e+05;
	[tilespmem:s11+$0x13A80] =	vst v11  }
0x15b: {  	v13 =	vbroadcast v16, $0x0;
	v9 =	vsub.f32 v9, v10;
	v10 =	vsel vm1, $0x0, v11  }
0x15c: {  	v10 =	vmul.f32 v10, v6;
	vm1 =	vgt.f32 v12, $1.000000000e+05;
	v11 =	vld [tilespmem:s8+$0xC1B0];
	[tilespmem:s11+$0x14A80] =	vst v12  }
0x15d: {  	vm2 =	vgt.f32 v9, $1.000000000e+05;
	v12 =	vsel vm1, $0x0, v12;
	[tilespmem:s11+$0x14280] =	vst v9  }
0x15e: {  	v9 =	vsel vm2, $0x0, v9;
	[tilespmem:s11+$0x15280] =	vst v10;
	v10 =	vmul.f32 v12, v6  }
0x15f: {  	v9 =	vmul.f32 v9, v6  }
0x160: {  	[tilespmem:s11+$0x16280] =	vst v10  }
0x161: {  	[tilespmem:s11+$0x15A80] =	vst v9;
	s11 =	smov.u32 s8  }
0x162: {  	v10 =	vld.idx.msk [tilespmem:v17+s7+$0x0], $0xffff  }
0x163: {  	v12 =	vld.idx.msk [tilespmem:v13+s7+$0x0], $0xffff  }
0x164: {  	v13 =	vld.idx.msk [tilespmem:v11+s13+$0x0], $0xffff  }
0x165: {  	v14 =	vld.idx.msk [tilespmem:v11+s12+$0x0], $0xffff  }
0x166: {  	v15 =	vld.idx.msk [tilespmem:v15+s7+$0x0], $0xffff  }
0x167: {  	v11 =	vld.idx.msk [tilespmem:v11+s9+$0x0], $0xffff;
	_ =	sdelay $0x1  }
0x168: {  	v9 =	vld [tilespmem:s11+$0xC1C0]  }
0x169: {  	s8 =	sadd.s32 $0xFFFFFFFF, s6  }
0x16a: {  	v10 =	vsub.f32 v14, v10;
	v14 =	vmov s8  }
0x16b: {  	v12 =	vsub.f32 v13, v12  }
0x16c: {  	v13 =	vand.u32 $0xFFFFFFFE, v14;
	v11 =	vsub.f32 v11, v15;
	vm1 =	vgt.f32 v10, $1.000000000e+05;
	[tilespmem:s11+$0x14270] =	vst v10  }
0x16d: {  	v13 =	vbroadcast v13, $0x0;
	v10 =	vsel vm1, $0x0, v10;
	vm1 =	vgt.f32 v12, $1.000000000e+05;
	[tilespmem:s11+$0x14A70] =	vst v12  }
0x16e: {  	s8 =	sadd.s32 $0xFFFFFFFE, s6;
	vm2 =	vgt.f32 v11, $1.000000000e+05;
	v10 =	vmul.f32 v10, v6;
	v12 =	vsel vm1, $0x0, v12;
	[tilespmem:s11+$0x13A70] =	vst v11  }
0x16f: {  	v14 =	vmov s8;
	v11 =	vsel vm2, $0x0, v11;
	v12 =	vmul.f32 v12, v6  }
.Ltmp3:
0x170: {  	v11 =	vmul.f32 v11, v6;
	[tilespmem:s11+$0x15A70] =	vst v10;
	(pc) =	sbr.rel @p0 .LBB2_8-.Ltmp3, $4  }
0x171: {  	[tilespmem:s11+$0x16270] =	vst v12  }
0x172: {  	v12 =	vmov s6;
	[tilespmem:s11+$0x15270] =	vst v11  }
0x173: {  	v10 =	vld.idx.msk [tilespmem:v13+s7+$0x0], $0xffff  }
0x174: {  	v11 =	vld.idx.msk [tilespmem:v14+s7+$0x0], $0xffff  }
0x175: {  	_ =	sdelay $0x3  }
0x176: {  	v13 =	vld.idx.msk [tilespmem:v9+s9+$0x0], $0xffff  }
0x177: {  	v14 =	vld.idx.msk [tilespmem:v9+s13+$0x0], $0xffff  }
0x178: {  	v9 =	vld.idx.msk [tilespmem:v9+s12+$0x0], $0xffff  }
0x179: {  	v12 =	vld.idx.msk [tilespmem:v12+s7+$0x0], $0xffff;
	_ =	sdelay $0x2  }
0x17a: {  	v11 =	vsub.f32 v13, v11  }
0x17b: {  	v9 =	vsub.f32 v9, v10  }
0x17c: {  	v12 =	vsub.f32 v14, v12;
	vm1 =	vgt.f32 v11, $1.000000000e+05  }
0x17d: {  	[tilespmem:s11+$0x13A80] =	vst v11;
	vm2 =	vgt.f32 v9, $1.000000000e+05;
	v10 =	vsel vm1, $0x0, v11  }
0x17e: {  	[tilespmem:s11+$0x14280] =	vst v9;
	vm1 =	vgt.f32 v12, $1.000000000e+05;
	v9 =	vsel vm2, $0x0, v9;
	v10 =	vmul.f32 v10, v6  }
0x17f: {  	[tilespmem:s11+$0x14A80] =	vst v12;
	v11 =	vsel vm1, $0x0, v12;
	v9 =	vmul.f32 v9, v6  }
0x180: {  	v11 =	vmul.f32 v11, v6;
	[tilespmem:s11+$0x15280] =	vst v10  }
0x181: {  	[tilespmem:s11+$0x15A80] =	vst v9  }
0x182: {  	s6 =	rddreg [dreg:$0x9];
	s8 =	simm.s32 $0x13A70;
	[tilespmem:s11+$0x16280] =	vst v11;
	s11 =	simm.s32 $0x0  }
0x183: {  	[hbm4b:s6+s11] =	stream.linear.scatter [tilespmem:s8], [sflag:$0x5], $0x800, $0x38;
	[tilespmem:$0x16A70] =	vst v63  }
0x184: {  	s15 =	rddreg [dreg:$0xb];
	s16 =	simm.s32 $0x14270  }
0x185: {  	[hbm4b:s15+s11] =	stream.linear.scatter [tilespmem:s16], [sflag:$0x5], $0x800, $0x38;
	[tilespmem:$0x16A70] =	vst v63  }
0x186: {  	s23 =	rddreg [dreg:$0xc];
	s30 =	simm.s32 $0x14A70  }
0x187: {  	[hbm4b:s23+s11] =	stream.linear.scatter [tilespmem:s30], [sflag:$0x5], $0x800, $0x38;
	[tilespmem:$0x16A70] =	vst v63  }
0x188: {  	s10 =	rddreg [dreg:$0xa];
	s8 =	simm.s32 $0x15270  }
0x189: {  	[hbm4b:s10+s11] =	stream.linear.scatter [tilespmem:s8], [sflag:$0x5], $0x800, $0x38;
	[tilespmem:$0x16A70] =	vst v63  }
0x18a: {  	s14 =	rddreg [dreg:$0xd];
	s10 =	simm.s32 $0x15A70  }
0x18b: {  	[hbm4b:s14+s11] =	stream.linear.scatter [tilespmem:s10], [sflag:$0x5], $0x800, $0x38;
	[tilespmem:$0x16A70] =	vst v63  }
0x18c: {  	s15 =	rddreg [dreg:$0xe];
	s14 =	simm.s32 $0x16270  }
0x18d: {  	[hbm4b:s15+s11] =	stream.linear.scatter [tilespmem:s14], [sflag:$0x5], $0x800, $0x38;
	[tilespmem:$0x16A70] =	vst v63  }
0x18e: {  	s16 =	rddreg [dreg:$0xf]  }
0x18f: {  	[hbm4b:s16+s11] =	stream.linear.scatter [tilespmem:s8], [sflag:$0x5], $0x800, $0x38;
	[tilespmem:$0x16A70] =	vst v63  }
0x190: {  	s23 =	rddreg [dreg:$0x10]  }
0x191: {  	[hbm4b:s23+s11] =	stream.linear.scatter [tilespmem:s10], [sflag:$0x5], $0x800, $0x38;
	[tilespmem:$0x16A70] =	vst v63  }
0x192: {  	s30 =	rddreg [dreg:$0x12]  }
0x193: {  	[hbm4b:s30+s11] =	stream.linear.scatter [tilespmem:s14], [sflag:$0x5], $0x800, $0x38;
	[tilespmem:$0x16A70] =	vst v63  }
0x194: {  	s15 =	rddreg [dreg:$0x15]  }
0x195: {  	[hbm4b:s15+s11] =	stream.linear.scatter [tilespmem:s8], [sflag:$0x5], $0x800, $0x38;
	[tilespmem:$0x16A70] =	vst v63  }
0x196: {  	s16 =	rddreg [dreg:$0x16]  }
0x197: {  	[hbm4b:s16+s11] =	stream.linear.scatter [tilespmem:s10], [sflag:$0x5], $0x800, $0x38;
	[tilespmem:$0x16A70] =	vst v63  }
0x198: {  	s23 =	rddreg [dreg:$0x17]  }
0x199: {  	[hbm4b:s23+s11] =	stream.linear.scatter [tilespmem:s14], [sflag:$0x5], $0x800, $0x38;
	[tilespmem:$0x16A70] =	vst v63  }
0x19a: {  	s30 =	rddreg [dreg:$0x18]  }
0x19b: {  	[hbm4b:s30+s11] =	stream.linear.scatter [tilespmem:s8], [sflag:$0x5], $0x800, $0x38;
	[tilespmem:$0x16A70] =	vst v63  }
0x19c: {  	s8 =	rddreg [dreg:$0x19]  }
0x19d: {  	[hbm4b:s8+s11] =	stream.linear.scatter [tilespmem:s10], [sflag:$0x5], $0x800, $0x38;
	[tilespmem:$0x16A70] =	vst v63  }
0x19e: {  	s10 =	rddreg [dreg:$0x1a]  }
0x19f: {  	[hbm4b:s10+s11] =	stream.linear.scatter [tilespmem:s14], [sflag:$0x5], $0x800, $0x38;
	[tilespmem:$0x16A70] =	vst v63  }
0x1a0: {  	[bflag:$0x0] =	sbarrier.arrive $0xFFFF  }
0x1a1: {  	s16 =	simm.s32 $0xC9B0;
	s23 =	simm.s32 $0x6;
	s15 =	rddreg [dreg:$0x11]  }
0x1a2: {  	[tilespmem:s16], [sflag:$0x6] =	stream.linear.gather [hbm4b:s15+s11], $0x800, $0x38;
	[tilespmem:$0x16A70] =	vst v63  }
0x1a3: {  	_ =	swait.ge [sflag:s23], $0x800  }
0x1a4: {  	[sflag:s23] =	ssyncset.done $0x0  }
0x1a5: {  	s30 =	rddreg [dreg:$0x13];
	[sflag:s23] =	ssyncadd.s32 $0xFFFFF800  }
0x1a6: {  	[tilespmem:s19], [sflag:$0x1] =	stream.linear.gather [hbm4b:s30+s11], $0x2000, $0x38;
	[tilespmem:$0x16A70] =	vst v63  }
.LBB2_10:
0x1a7: {  	s6 =	sshll.u32 s11, $0x1  }
0x1a8: {  	s14 =	sadd.s32 s17, s6  }
0x1a9: {  	s6 =	sor.u32 $0x1, s14  }
0x1aa: {  	s8 =	sshll.u32 s6, $0xD  }
0x1ab: {  	_ =	swait.ge [sflag:s21], $0x2000;
	s8 =	sadd.s32 s18, s8  }
0x1ac: {  	[sflag:s21] =	ssyncset.done $0x0;
	s8 =	sshrl.u32 s8, $0x3  }
0x1ad: {  	p0 =	seq.s32 s11, $0x0;
	[sflag:s21] =	ssyncadd.s32 $0xFFFFE000;
	s8 =	sadd.s32 s4, s8  }
0x1ae: {  	[tilespmem:s22], [sflag:$0x2] =	stream.linear.gather [hbm4b:s8+s3], $0x2000, $0x38;
	[tilespmem:$0x16A70] =	vst v63  }
0x1af: {  	s8 =	simm.s32 @!p0 $0x3  }
0x1b0: {  	_ =	swait.ge @!p0 [sflag:s8], $0x800  }
0x1b1: {  	[sflag:s8] =	ssyncset.done @!p0 $0x0  }
0x1b2: {  	[sflag:s8] =	ssyncadd.s32 @!p0 $0xFFFFF800  }
0x1b3: {  	_ =	swait.ge @!p0 [sflag:s8], $0x800  }
0x1b4: {  	s10 =	simm.s32 $0xFFFFFFFC;
	s15 =	simm.s32 $0x11A90;
	[sflag:s8] =	ssyncset.done @!p0 $0x0  }
0x1b5: {  	s30 =	simm.s32 $0xC1D0;
	s23 =	simm.s32 $0xFFFFFFFC;
	[sflag:s8] =	ssyncadd.s32 @!p0 $0xFFFFF800  }
.LBB2_11:
0x1b6: {  	v9 =	vld [tilespmem:s30+$0xFFFFFFE0];
	_ =	sdelay $0x7  }
0x1b7: {  	v9 =	vld.idx.msk [tilespmem:v9+s19+$0x0], $0xffff;
	_ =	sdelay $0x4  }
0x1b8: {  	[tilespmem:s15+$0xFFFFFFE0] =	vst v9  }
0x1b9: {  	v9 =	vld [tilespmem:s30+$0xFFFFFFF0];
	_ =	sdelay $0x7  }
0x1ba: {  	v9 =	vld.idx.msk [tilespmem:v9+s19+$0x0], $0xffff;
	_ =	sdelay $0x4  }
0x1bb: {  	[tilespmem:s15+$0xFFFFFFF0] =	vst v9  }
0x1bc: {  	v9 =	vld [tilespmem:s30+$0x0];
	_ =	sdelay $0x7  }
0x1bd: {  	v9 =	vld.idx.msk [tilespmem:v9+s19+$0x0], $0xffff;
	_ =	sdelay $0x4  }
0x1be: {  	[tilespmem:s15+$0x0] =	vst v9  }
0x1bf: {  	v9 =	vld [tilespmem:s30+$0x10];
	_ =	sdelay $0x6  }
0x1c0: {  	s23 =	sadd.s32 $0x4, s23  }
0x1c1: {  	p0 =	slt.u32 s23, $0x7C;
	v9 =	vld.idx.msk [tilespmem:v9+s19+$0x0], $0xffff  }
.Ltmp4:
0x1c2: {  	_ = 	snop;
	(pc) =	sbr.rel @p0 .LBB2_11-.Ltmp4, $3  }
0x1c3: {  	_ =	sdelay $0x1  }
0x1c4: {  	s16 =	simm.s32 $0x12290  }
0x1c5: {  	s8 =	simm.s32 $0xC9D0;
	s30 =	sadd.s32 $0x40, s30;
	[tilespmem:s15+$0x10] =	vst v9;
	s15 =	sadd.s32 $0x40, s15  }
.LBB2_12:
0x1c6: {  	v9 =	vld [tilespmem:s8+$0xFFFFFFE0];
	_ =	sdelay $0x7  }
0x1c7: {  	v9 =	vld.idx.msk [tilespmem:v9+s19+$0x0], $0xffff;
	_ =	sdelay $0x4  }
0x1c8: {  	[tilespmem:s16+$0xFFFFFFE0] =	vst v9  }
0x1c9: {  	v9 =	vld [tilespmem:s8+$0xFFFFFFF0];
	_ =	sdelay $0x7  }
0x1ca: {  	v9 =	vld.idx.msk [tilespmem:v9+s19+$0x0], $0xffff;
	_ =	sdelay $0x4  }
0x1cb: {  	[tilespmem:s16+$0xFFFFFFF0] =	vst v9  }
0x1cc: {  	v9 =	vld [tilespmem:s8+$0x0];
	_ =	sdelay $0x7  }
0x1cd: {  	v9 =	vld.idx.msk [tilespmem:v9+s19+$0x0], $0xffff;
	_ =	sdelay $0x4  }
0x1ce: {  	[tilespmem:s16+$0x0] =	vst v9  }
0x1cf: {  	v9 =	vld [tilespmem:s8+$0x10];
	_ =	sdelay $0x6  }
0x1d0: {  	s10 =	sadd.s32 $0x4, s10  }
0x1d1: {  	p0 =	slt.u32 s10, $0x7C;
	v9 =	vld.idx.msk [tilespmem:v9+s19+$0x0], $0xffff  }
.Ltmp5:
0x1d2: {  	_ = 	snop;
	(pc) =	sbr.rel @p0 .LBB2_12-.Ltmp5, $2  }
0x1d3: {  	_ =	sdelay $0x2  }
0x1d4: {  	s8 =	sadd.s32 $0x40, s8;
	[tilespmem:s16+$0x10] =	vst v9;
	s16 =	sadd.s32 $0x40, s16  }
0x1d5: {  	s8 =	sand.u32 $0x1, s11  }
0x1d6: {  	p0 =	seq.s32 s14, $0x0;
	p1 =	seq.s32 s8, $0x1  }
0x1d7: {  	p0 =	por !p0, !p1  }
0x1d8: {  	s8 =	simm.s32 $0x1;
	p0 =	por !p0, !p0  }
0x1d9: {  	s10 =	sshrl.u32 s14, $0x2;
	s15 =	sshll.u32 s11, $0x10;
	s8 =	simm.s32 @!p0 $0x0  }
0x1da: {  	s23 =	sand.u32 $0x10000, s15;
	s8 =	ssub.s32 s10, s8  }
0x1db: {  	s10 =	sor.u32 s23, s24;
	s8 =	sshll.u32 s8, $0x11  }
0x1dc: {  	s8 =	sadd.s32 s8, s10  }
0x1dd: {  	s10 =	sor.u32 s5, s8  }
0x1de: {  	s8 =	sadd.s32 s20, s8;
	s10 =	sshrl.u32 s10, $0x3  }
0x1df: {  	s30 =	simm.s32 $0x11A70;
	s8 =	sshrl.u32 s8, $0x3;
	s10 =	sadd.s32 s1, s10  }
0x1e0: {  	[hbm4b:s10+s3] =	stream.linear.scatter [tilespmem:s30], [sflag:$0x3], $0x800, $0x38;
	[tilespmem:$0x16A70] =	vst v63  }
0x1e1: {  	p0 =	seq.s32 s11, $0x1F;
	s8 =	sadd.s32 s1, s8  }
0x1e2: {  	[hbm4b:s8+s3] =	stream.linear.scatter [tilespmem:s25], [sflag:$0x3], $0x800, $0x38;
	[tilespmem:$0x16A70] =	vst v63  }
0x1e3: {  	s8 =	sshll.u32 @!p0 s14, $0xD  }
0x1e4: {  	p1 =	seq.s32 @!p0 s11, $0x0;
	_ =	swait.ge [sflag:s26], $0x2000;
	s8 =	sadd.s32 @!p0 s8, s0  }
0x1e5: {  	s15 =	simm.s32 @!p0 $0xDA50;
	[sflag:s26] =	ssyncset.done $0x0;
	s8 =	sshrl.u32 @!p0 s8, $0x3  }
0x1e6: {  	s10 =	simm.s32 @!p0 $0x0;
	[sflag:s26] =	ssyncadd.s32 $0xFFFFE000;
	s8 =	sadd.s32 @!p0 s4, s8  }
0x1e7: {  	[tilespmem:s15], [sflag:$0x1] =	stream.linear.gather @!p0 [hbm4b:s8+s10], $0x2000, $0x38;
	[tilespmem:$0x16A70] =	vst v63  }
0x1e8: {  	p0 =	por p0, !p1  }
0x1e9: {  	_ =	swait.ge @p0 [sflag:s31], $0x800  }
0x1ea: {  	[sflag:s31] =	ssyncset.done @p0 $0x0  }
0x1eb: {  	[sflag:s31] =	ssyncadd.s32 @p0 $0xFFFFF800  }
0x1ec: {  	s11 =	sadd.s32 $0x1, s11;
	_ =	swait.ge @p0 [sflag:s31], $0x800  }
0x1ed: {  	s23 =	simm.s32 $0xFFFFFFFC;
	s10 =	simm.s32 $0xFFFFFFFC;
	[sflag:s31] =	ssyncset.done @p0 $0x0  }
0x1ee: {  	s15 =	simm.s32 $0x12A90;
	s8 =	simm.s32 $0xC1D0;
	[sflag:s31] =	ssyncadd.s32 @p0 $0xFFFFF800  }
.LBB2_14:
0x1ef: {  	v9 =	vld [tilespmem:s8+$0xFFFFFFE0];
	_ =	sdelay $0x7  }
0x1f0: {  	v9 =	vld.idx.msk [tilespmem:v9+s22+$0x0], $0xffff;
	_ =	sdelay $0x4  }
0x1f1: {  	[tilespmem:s15+$0xFFFFFFE0] =	vst v9  }
0x1f2: {  	v9 =	vld [tilespmem:s8+$0xFFFFFFF0];
	_ =	sdelay $0x7  }
0x1f3: {  	v9 =	vld.idx.msk [tilespmem:v9+s22+$0x0], $0xffff;
	_ =	sdelay $0x4  }
0x1f4: {  	[tilespmem:s15+$0xFFFFFFF0] =	vst v9  }
0x1f5: {  	v9 =	vld [tilespmem:s8+$0x0];
	_ =	sdelay $0x7  }
0x1f6: {  	v9 =	vld.idx.msk [tilespmem:v9+s22+$0x0], $0xffff;
	_ =	sdelay $0x4  }
0x1f7: {  	[tilespmem:s15+$0x0] =	vst v9  }
0x1f8: {  	v9 =	vld [tilespmem:s8+$0x10];
	_ =	sdelay $0x6  }
0x1f9: {  	s23 =	sadd.s32 $0x4, s23  }
0x1fa: {  	p0 =	slt.u32 s23, $0x7C;
	v9 =	vld.idx.msk [tilespmem:v9+s22+$0x0], $0xffff  }
.Ltmp6:
0x1fb: {  	_ = 	snop;
	(pc) =	sbr.rel @p0 .LBB2_14-.Ltmp6, $3  }
0x1fc: {  	_ =	sdelay $0x1  }
0x1fd: {  	s16 =	simm.s32 $0x13290  }
0x1fe: {  	s30 =	simm.s32 $0xC9D0;
	s8 =	sadd.s32 $0x40, s8;
	[tilespmem:s15+$0x10] =	vst v9;
	s15 =	sadd.s32 $0x40, s15  }
.LBB2_15:
0x1ff: {  	v9 =	vld [tilespmem:s30+$0xFFFFFFE0];
	_ =	sdelay $0x7  }
0x200: {  	v9 =	vld.idx.msk [tilespmem:v9+s22+$0x0], $0xffff;
	_ =	sdelay $0x4  }
0x201: {  	[tilespmem:s16+$0xFFFFFFE0] =	vst v9  }
0x202: {  	v9 =	vld [tilespmem:s30+$0xFFFFFFF0];
	_ =	sdelay $0x7  }
0x203: {  	v9 =	vld.idx.msk [tilespmem:v9+s22+$0x0], $0xffff;
	_ =	sdelay $0x4  }
0x204: {  	[tilespmem:s16+$0xFFFFFFF0] =	vst v9  }
0x205: {  	v9 =	vld [tilespmem:s30+$0x0];
	_ =	sdelay $0x7  }
0x206: {  	v9 =	vld.idx.msk [tilespmem:v9+s22+$0x0], $0xffff;
	_ =	sdelay $0x4  }
0x207: {  	[tilespmem:s16+$0x0] =	vst v9  }
0x208: {  	v9 =	vld [tilespmem:s30+$0x10];
	_ =	sdelay $0x6  }
0x209: {  	s10 =	sadd.s32 $0x4, s10  }
0x20a: {  	p0 =	slt.u32 s10, $0x7C;
	v9 =	vld.idx.msk [tilespmem:v9+s22+$0x0], $0xffff  }
.Ltmp7:
0x20b: {  	_ = 	snop;
	(pc) =	sbr.rel @p0 .LBB2_15-.Ltmp7, $2  }
0x20c: {  	_ =	sdelay $0x2  }
0x20d: {  	s30 =	sadd.s32 $0x40, s30;
	[tilespmem:s16+$0x10] =	vst v9;
	s16 =	sadd.s32 $0x40, s16  }
0x20e: {  	s8 =	sshll.u32 s14, $0xF  }
0x20f: {  	s6 =	sshll.u32 s6, $0xF;
	s8 =	sand.u32 $0x3E0000, s8  }
0x210: {  	s6 =	sand.u32 $0x18000, s6;
	s8 =	sadd.s32 s8, s24  }
0x211: {  	s6 =	sor.u32 s6, s8  }
0x212: {  	p0 =	sne.s32 s11, $0x20;
	s8 =	sor.u32 s5, s6  }
.Ltmp8:
0x213: {  	s6 =	sadd.s32 s20, s6;
	s8 =	sshrl.u32 s8, $0x3;
	(pc) =	sbr.rel @p0 .LBB2_10-.Ltmp8, $4  }
0x214: {  	s6 =	sshrl.u32 s6, $0x3;
	s8 =	sadd.s32 s1, s8  }
0x215: {  	[hbm4b:s8+s3] =	stream.linear.scatter [tilespmem:s28], [sflag:$0x4], $0x800, $0x38;
	[tilespmem:$0x16A70] =	vst v63  }
0x216: {  	s6 =	sadd.s32 s1, s6  }
0x217: {  	[hbm4b:s6+s3] =	stream.linear.scatter [tilespmem:s29], [sflag:$0x4], $0x800, $0x38;
	[tilespmem:$0x16A70] =	vst v63  }
0x218: {  	s6 =	simm.s32 $0x3  }
0x219: {  	_ =	swait.ge [sflag:s6], $0x800  }
0x21a: {  	[sflag:s6] =	ssyncset.done $0x0  }
0x21b: {  	[sflag:s6] =	ssyncadd.s32 $0xFFFFF800  }
0x21c: {  	_ =	swait.ge [sflag:s6], $0x800  }
0x21d: {  	[sflag:s6] =	ssyncset.done $0x0  }
0x21e: {  	[sflag:s6] =	ssyncadd.s32 $0xFFFFF800  }
0x21f: {  	_ =	swait.ge [sflag:s31], $0x800  }
0x220: {  	[sflag:s31] =	ssyncset.done $0x0  }
0x221: {  	[sflag:s31] =	ssyncadd.s32 $0xFFFFF800  }
0x222: {  	_ =	swait.ge [sflag:s31], $0x800  }
0x223: {  	[sflag:s31] =	ssyncset.done $0x0  }
0x224: {  	[sflag:s31] =	ssyncadd.s32 $0xFFFFF800  }
0x225: {  	_ =	swait.ge [sflag:s2], $0x800  }
0x226: {  	[sflag:s2] =	ssyncset.done $0x0  }
0x227: {  	[sflag:s2] =	ssyncadd.s32 $0xFFFFF800  }
0x228: {  	_ =	swait.ge [sflag:s2], $0x800  }
0x229: {  	[sflag:s2] =	ssyncset.done $0x0  }
0x22a: {  	[sflag:s2] =	ssyncadd.s32 $0xFFFFF800  }
0x22b: {  	_ =	swait.ge [sflag:s2], $0x800  }
0x22c: {  	[sflag:s2] =	ssyncset.done $0x0  }
0x22d: {  	[sflag:s2] =	ssyncadd.s32 $0xFFFFF800  }
0x22e: {  	_ =	swait.ge [sflag:s2], $0x800  }
0x22f: {  	[sflag:s2] =	ssyncset.done $0x0  }
0x230: {  	[sflag:s2] =	ssyncadd.s32 $0xFFFFF800  }
0x231: {  	_ =	swait.ge [sflag:s2], $0x800  }
0x232: {  	[sflag:s2] =	ssyncset.done $0x0  }
0x233: {  	[sflag:s2] =	ssyncadd.s32 $0xFFFFF800  }
0x234: {  	_ =	swait.ge [sflag:s2], $0x800  }
0x235: {  	[sflag:s2] =	ssyncset.done $0x0  }
0x236: {  	[sflag:s2] =	ssyncadd.s32 $0xFFFFF800  }
0x237: {  	_ =	swait.ge [sflag:s2], $0x800  }
0x238: {  	[sflag:s2] =	ssyncset.done $0x0  }
0x239: {  	[sflag:s2] =	ssyncadd.s32 $0xFFFFF800  }
0x23a: {  	_ =	swait.ge [sflag:s2], $0x800  }
0x23b: {  	[sflag:s2] =	ssyncset.done $0x0  }
0x23c: {  	[sflag:s2] =	ssyncadd.s32 $0xFFFFF800  }
0x23d: {  	_ =	swait.ge [sflag:s2], $0x800  }
0x23e: {  	[sflag:s2] =	ssyncset.done $0x0  }
0x23f: {  	[sflag:s2] =	ssyncadd.s32 $0xFFFFF800  }
0x240: {  	_ =	swait.ge [sflag:s2], $0x800  }
0x241: {  	[sflag:s2] =	ssyncset.done $0x0  }
0x242: {  	[sflag:s2] =	ssyncadd.s32 $0xFFFFF800  }
0x243: {  	_ =	swait.ge [sflag:s2], $0x800  }
0x244: {  	[sflag:s2] =	ssyncset.done $0x0  }
0x245: {  	[sflag:s2] =	ssyncadd.s32 $0xFFFFF800  }
0x246: {  	_ =	swait.ge [sflag:s2], $0x800  }
0x247: {  	[sflag:s2] =	ssyncset.done $0x0  }
0x248: {  	[sflag:s2] =	ssyncadd.s32 $0xFFFFF800  }
0x249: {  	_ =	swait.ge [sflag:s2], $0x800  }
0x24a: {  	[sflag:s2] =	ssyncset.done $0x0  }
0x24b: {  	[sflag:s2] =	ssyncadd.s32 $0xFFFFF800  }
0x24c: {  	_ =	swait.ge [sflag:s2], $0x800  }
0x24d: {  	[sflag:s2] =	ssyncset.done $0x0  }
0x24e: {  	[sflag:s2] =	ssyncadd.s32 $0xFFFFF800  }
0x24f: {  	_ =	swait.ge [sflag:s2], $0x800  }
0x250: {  	[sflag:s2] =	ssyncset.done $0x0  }
0x251: {  	[sflag:s2] =	ssyncadd.s32 $0xFFFFF800  }
0x252: {  	_ =	swait.ge [sflag:s2], $0x800  }
0x253: {  	s8 =	rddreg [dreg:$0x1b]  }
0x254: {  	s30 =	rddreg [dreg:$0x14];
	s8 =	sadd.s32 $0x1, s8  }
0x255: {  	p0 =	sne.s32 s8, s30  }
.Ltmp9:
0x256: {  	_ = 	snop;
	(pc) =	sbr.rel @p0 .LBB2_1-.Ltmp9, $3  }
0x257: {  	_ =	sdelay $0x1  }
0x258: {  	[sflag:s2] =	ssyncset.done $0x0  }
0x259: {  	[sflag:s2] =	ssyncadd.s32 $0xFFFFF800  }
0x25a: {  	_ =	sfence.sel $0x180000  }
0x25b: {  	[bflag:$0x0] =	sbarrier.arrive $0xFFFF  }
0x25c: {  	_ =	strace $0x90000047  }
0x25d: {  	s0 =	stileid.u32;
	[bflag:$0x2] =	sbarrier.arrive $0xFFFF  }
0x25e: {  	p0 =	sne.s32 s0, $0x0;
	s0 =	rddreg [dreg:$0x4]  }
0x25f: {  	s0 =	sadd.s32 @!p0 $0x100000, s0  }
0x260: {  	[sflag:s0] =	ssyncadd.tile.s32 @!p0 $0x1;
	_ =	shalt  }
.Lfunc_end2:
_tile_overlayer_lowered:
.L_overlay_start_2:
0x261: {  	(tag) =	ssettag $0x2  }
0x262: {  	s0 =	rddreg [dreg:$0x0];
	s2 =	stileid.u32  }
0x263: {  	s1 =	rddreg [dreg:$0x1];
	p0 =	sne.s32 s2, $0x0  }
0x264: {  	s3 =	rddreg [dreg:$0x2];
	[bflag:$0x3] =	sbarrier.arrive $0xFFFF;
	s2 =	simm.s32 @!p0 $0x1C06  }
0x265: {  	[timem:s3], [sflag:s2] =	dma.local @!p0 [hbm:s0], s1  }
0x266: {  	s0 =	simm.s32 @!p0 $0x6  }
0x267: {  	_ =	swait.ge @!p0 [sflag:s0], s1  }
0x268: {  	s1 =	ssub.s32 @!p0 $0x0, s1;
	[sflag:s0] =	ssyncset.done @!p0 $0x0  }
0x269: {  	[sflag:s0] =	ssyncadd.s32 @!p0 s1  }
0x26a: {  	[bflag:$0x3] =	sbarrier.arrive $0xFFFF  }
0x26b: {  	_ =	shalt  }

// kernel: sparse-core-data-format-call.cloned.1.call-start
scs
called_computation_lowered:
.L_overlay_start_0:
0x0: {  	s2 =	sld [smem:$0x3FD9]  }
0x1: {  	s3 =	sld [smem:$0x3FFE];
	_ =	sdelay $0x1  }
0x2: {  	s1 =	srdreg.scid  }
0x3: {  	s0 =	sand.u32 $0x1, s1  }
0x4: {  	s15 =	sshll.u32 s0, $0xA;
	s2 =	sadd.s32 s3, s2  }
0x5: {  	s2 =	sadd.s32 s2, s15  }
0x6: {  	[smem:$0x3FC5] =	sst s2  }
0x7: {  	_ = 	snop  }
0x8: {  	s2 =	sld [smem:$0x3FD0];
	_ =	sdelay $0x2  }
0x9: {  	s16 =	simm.s32 $0xA;
	s4 =	simm.s32 $0x10  }
0xa: {  	[smem:s4], [sflag:s16] =	dma.local [hbm:s2], $0x1  }
0xb: {  	_ =	swait.eq [sflag:s16], $0x1  }
0xc: {  	[sflag:s16] =	ssyncset.done $0x0  }
0xd: {  	[sflag:s16] =	ssyncadd.s32 $0xFFFFFFFF  }
0xe: {  	s17 =	sld [smem:$0x10];
	(tm) =	ssettm $0x1  }
0xf: {  	s18 =	sld [smem:$0x3FFB];
	_ =	sdelay $0x3  }
0x10: {  	_ =	strace s18  }
0x11: {  	s3 =	sld [smem:$0x3FFC];
	_ =	sdelay $0x3  }
0x12: {  	_ =	strace s3  }
0x13: {  	s3 =	sld [smem:$0x3FFD];
	_ =	sdelay $0x3  }
0x14: {  	_ =	strace s3  }
0x15: {  	_ =	strace $0x8FFFFFFF  }
0x16: {  	s19 =	sld [smem:$0x3FDB];
	_ =	sdelay $0x1  }
0x17: {  	s20 =	simm.s32 $_scs_section_size  }
0x18: {  	s5 =	simm.s32 $_size__tile_overlayer_lowered;
	s6 =	simm.s32 $_tile_overlayer_lowered  }
0x19: {  	s23 =	simm.s32 $0x1BFF;
	s22 =	sshll.u32 s6, $0x1;
	s3 =	sadd.s32 s20, s19  }
0x1a: {  	s7 =	simm.s32 $0x0;
	s21 =	sshll.u32 s5, $0x1;
	s5 =	sadd.s32 s22, s3  }
0x1b: {  	[timem:s7], [sflag:s23] =	dma.local [hbm:s5], s21  }
0x1c: {  	_ =	swait.ge [sflag:s23], s21  }
0x1d: {  	s4 =	ssub.s32 $0x0, s21;
	[sflag:s23] =	ssyncset.done $0x0  }
0x1e: {  	[sflag:s23] =	ssyncadd.s32 s4;
	_ =	sdelay $0x1  }
0x1f: {  	s24 =	simm.s32 $0x1B8B  }
0x20: {  	_ =	swait.ge [sflag:s24], $0x1  }
0x21: {  	[sflag:s24] =	ssyncset.done $0x0  }
0x22: {  	s26 =	simm.s32 $0x1B8E;
	s25 =	sld [smem:$0x3FFE];
	[sflag:s24] =	ssyncadd.s32 $0xFFFFFFFF  }
0x23: {  	s27 =	simm.s32 $execute0_lowered;
	[smem:$0x3FD2] =	sst s26  }
0x24: {  	s5 =	sshll.u32 s27, $0x1;
	_ =	strace $0x80000049;
	[dreg:$0x1] =	wrdreg $0xFFFFFFFF  }
0x25: {  	s28 =	simm.s32 $_size_execute0_lowered;
	s3 =	sadd.s32 s3, s5;
	[dreg:$0x0] =	wrdreg $0x0  }
0x26: {  	s5 =	sshll.u32 s28, $0x1;
	[dreg:$0x2] =	wrdreg s3  }
0x27: {  	[dreg:$0x3] =	wrdreg s5  }
0x28: {  	[dreg:$0x4] =	wrdreg $0xC0  }
0x29: {  	_ =	task [dreg:s7], $0x5FFFF  }
0x2a: {  	[dreg:$0x1] =	wrdreg $0xFFFFFFFF  }
0x2b: {  	[dreg:$0x0] =	wrdreg $0x60  }
0x2c: {  	[dreg:$0x2] =	wrdreg s25  }
0x2d: {  	[dreg:$0x3] =	wrdreg s17  }
0x2e: {  	[dreg:$0x4] =	wrdreg $0x9  }
0x2f: {  	_ =	task.clear_ibuf [dreg:s7], $0x5FFFF;
	_ =	strace $0x90000049  }
0x30: {  	s29 =	simm.s32 $0x9;
	_ =	strace $0x8000004B  }
0x31: {  	_ =	swait.ge [sflag:s29], $0x1  }
0x32: {  	[sflag:s29] =	ssyncadd.s32 $0xFFFFFFFF  }
0x33: {  	_ =	strace $0x9000004B  }
0x34: {  	_ =	sfence  }
0x35: {  	s30 =	sld [smem:$0x0];
	_ =	sdelay $0x2  }
0x36: {  	s31 =	sshll.u32 s1, $0xD;
	s1 =	sshrl.u32 s1, $0x2  }
0x37: {  	s3 =	sand.u32 $0x4000, s31;
	s1 =	sadd.s32 s1, s30  }
0x38: {  	s0 =	sor.u32 s3, s0;
	s1 =	sshll.u32 s1, $0x11  }
0x39: {  	s0 =	sor.u32 s1, s0  }
0x3a: {  	s0 =	sadd.s32 $0x8F2B, s0  }
0x3b: {  	[sflag:s0] =	ssyncadd.remote.s32 $0x1  }
0x3c: {  	_ =	sfence.sel $0xFFFF  }
0x3d: {  	[dreg:$0x0] =	wrdreg $0xFFFFFFFF;
	(pc) =	sbr.abs _section_cstart, $3  }
0x3e: {  	[dreg:$0x1] =	wrdreg $0xFFFFFFFF  }
0x3f: {  	_ =	task.clear_ibuf [dreg:s7], $0x2FFFF;
	_ =	strace $0x9FFFFFFF  }
0x40: {  	(tm) =	ssettm $0x7FFFFFFF  }
0x41: {  	_ =	shalt  }
tec
execute0_lowered:
.L_overlay_start_1:
0x0: {  	(tag) =	ssettag $0x1  }
0x1: {  	s0 =	stileid.u32;
	s1 =	srdreg.scid  }
0x2: {  	s11 =	rddreg [dreg:$0x0];
	s2 =	sshll.u32 s0, $0x6;
	s1 =	sshll.u32 s1, $0xA  }
0x3: {  	s4 =	rddreg [dreg:$0x1];
	s31 =	simm.s32 $0x2;
	s1 =	sor.u32 s2, s1  }
0x4: {  	s18 =	simm.s32 $0x0;
	s13 =	simm.s32 $0x400;
	s1 =	sand.u32 $0x780, s1  }
0x5: {  	s14 =	simm.s32 $0x4000;
	s2 =	sand.u32 $0x1, s0;
	s3 =	ssub.s32 $0x800, s1  }
0x6: {  	s19 =	simm.s32 $0x0;
	s5 =	ssub.s32 $0x2, s2;
	s6 =	sand.u32 $0x780, s3  }
0x7: {  	s7 =	sshrl.u32 s5, $0x1;
	p0 =	sne.s32 s6, $0x0;
	s6 =	simm.s32 $0x1  }
0x8: {  	s5 =	sand.u32 $0x1, s5;
	s8 =	sshrl.u32 s3, $0xB;
	s6 =	simm.s32 @!p0 $0x0  }
0x9: {  	s20 =	simm.s32 $0x0;
	s7 =	sadd.s32 s5, s7;
	s6 =	sadd.s32 s6, s8  }
0xa: {  	s15 =	simm.s32 $0x0;
	s17 =	simm.s32 $0x0;
	s7 =	smul.u32 s6, s7  }
.Ltmp0:
0xb: {  	s9 =	sadd.s32 $0x9800, s11;
	s10 =	sadd.s32 $0x11800, s11;
	(pc) =	sbr.rel .LBB1_1-.Ltmp0, $4  }
0xc: {  	s3 =	rddreg [dreg:$0x2];
	_ =	strace $0x8000004A;
	s5 =	simm.s32 $0x1  }
0xd: {  	s16 =	smov.u32 s2;
	[sflag:s5] =	ssyncpa.u1 $0x0;
	s7 =	smul.u32 $0x23, s7  }
0xe: {  	[sflag:s31] =	ssyncpa.u1 $0x0;
	p0 =	por $0x0, $0x0;
	s8 =	sshll.u32 s1, $0x4  }
0xf: {  	s6 =	sadd.s32 $0x1800, s11;
	s11 =	sadd.s32 $0x19800, s11;
	s12 =	sadd.s32 $0x1, s7  }
.LBB1_7:
0x10: {  	s21 =	sadd.s32 $0x1, s15  }
0x11: {  	s19 =	sadd.s32 $0x2, s16;
	s22 =	smov.u32 s16;
	p2 =	sgt.s32 s21, $0x22  }
0x12: {  	s22 =	smov.u32 @p2 s19  }
0x13: {  	s21 =	simm.s32 @p2 $0x0;
	p2 =	sgt.s32 s22, $0x1  }
0x14: {  	s22 =	smov.u32 @p2 s2;
	p2 =	sne.s32 s17, s12  }
.Ltmp1:
0x15: {  	p1 =	slt.u32 s17, $0x2;
	(pc) =	sbr.rel @!p2 .LBB1_8-.Ltmp1, $4  }
0x16: {  	s20 =	smov.u32 s16;
	s18 =	simm.s32 @!p1 $0x2  }
0x17: {  	p0 =	por !p0, !p0;
	_ =	swait.ge @!p1 [sflag:s18], $0x2000;
	s19 =	smov.u32 s15  }
0x18: {  	[sflag:s18] =	ssyncset.done @!p1 $0x0;
	s15 =	smov.u32 s21;
	s17 =	sadd.s32 $0x1, s17  }
0x19: {  	[sflag:s18] =	ssyncadd.s32 @!p1 $0xFFFFE000;
	s18 =	smov.u32 s1;
	s16 =	smov.u32 s22  }
.LBB1_1:
0x1a: {  	p1 =	sge.u32 s17, s7  }
0x1b: {  	s21 =	smul.u32 @!p1 $0x460000, s16  }
0x1c: {  	s23 =	sshll.u32 @!p1 s15, $0x11  }
0x1d: {  	s22 =	sxor.u32 @!p1 $0xFFFFFFFF, s17;
	s21 =	sadd.s32 @!p1 s21, s23  }
0x1e: {  	s24 =	simm.s32 @!p1 $0x10;
	s22 =	sshll.u32 @!p1 s22, $0xD;
	s21 =	sor.u32 @!p1 s8, s21  }
0x1f: {  	s25 =	simm.s32 @!p1 $0x80;
	s22 =	sand.u32 @!p1 $0x2000, s22;
	s23 =	sadd.s32 @!p1 s6, s21  }
0x20: {  	[tilespmem:s22], [sflag:$0x1] =	stream.strided.gather @!p1 [hbm4b:s23+s24], $0x800, s25, s24, $0x38;
	[tilespmem:$0x8080] =	vst v63  }
0x21: {  	s26 =	sor.u32 @!p1 $0x800, s22;
	s23 =	sadd.s32 @!p1 s21, s9  }
0x22: {  	[tilespmem:s26], [sflag:$0x1] =	stream.strided.gather @!p1 [hbm4b:s23+s24], $0x800, s25, s24, $0x38;
	[tilespmem:$0x8080] =	vst v63  }
0x23: {  	s23 =	sadd.s32 @!p1 s21, s10;
	s26 =	sor.u32 @!p1 $0x1000, s22  }
0x24: {  	[tilespmem:s26], [sflag:$0x1] =	stream.strided.gather @!p1 [hbm4b:s23+s24], $0x800, s25, s24, $0x38;
	[tilespmem:$0x8080] =	vst v63  }
0x25: {  	s31 =	sadd.s32 $0xFFFFFFFF, s17;
	s21 =	sadd.s32 @!p1 s21, s11;
	s22 =	sor.u32 @!p1 $0x1800, s22  }
0x26: {  	[tilespmem:s22], [sflag:$0x1] =	stream.strided.gather @!p1 [hbm4b:s21+s24], $0x800, s25, s24, $0x38;
	[tilespmem:$0x8080] =	vst v63  }
0x27: {  	p1 =	sge.u32 s31, s7  }
.Ltmp2:
0x28: {  	_ = 	snop;
	(pc) =	sbr.rel @p1 .LBB1_7-.Ltmp2, $1  }
0x29: {  	_ =	sdelay $0x3  }
0x2a: {  	s22 =	simm.s32 $0x1;
	s23 =	sand.u32 $0x1, s17  }
0x2b: {  	_ =	swait.ge [sflag:s5], $0x2000;
	s22 =	simm.s32 @!p0 $0x0;
	s24 =	smul.u32 $0x8100, s23  }
0x2c: {  	[sflag:s5] =	ssyncset.done $0x0;
	s21 =	smul.u32 $0x8100, s22  }
0x2d: {  	s22 =	sshll.u32 s22, $0xD;
	[sflag:s5] =	ssyncadd.s32 $0xFFFFE000  }
0x2e: {  	s23 =	sor.u32 $0x40, s22;
	s31 =	sshrl.u32 s24, $0x2;
	s21 =	sshrl.u32 s21, $0x2  }
0x2f: {  	s24 =	simm.s32 $0x0;
	s22 =	sor.u32 $0x4000, s31;
	s21 =	sor.u32 $0x4007, s21  }
.LBB1_3:
0x30: {  	v3 =	vld [tilespmem:s23+$0x30]  }
0x31: {  	v4 =	vld [tilespmem:s23+$0xFFFFFFD0]  }
0x32: {  	v5 =	vld [tilespmem:s23+$0xFFFFFFE0]  }
0x33: {  	v1 =	vld [tilespmem:s23+$0xFFFFFFF0]  }
0x34: {  	v0 =	vld [tilespmem:s23+$0x0]  }
0x35: {  	v2 =	vld [tilespmem:s23+$0x10];
	[tilespmem:s21+$0x0 ss:$0x81] =	vst.msk $0xffff, v3  }
0x36: {  	[tilespmem:s21+$0xFFFFFFFA ss:$0x81] =	vst.msk $0xffff, v4;
	v4 =	vld [tilespmem:s23+$0x20]  }
0x37: {  	s26 =	simm.s32 $0x0;
	s27 =	sadd.s32 $0x80, s23;
	s25 =	smov.u32 s21;
	v3 =	vld [tilespmem:s23+$0xFFFFFFC0];
	[tilespmem:s21+$0xFFFFFFFB ss:$0x81] =	vst.msk $0xffff, v5  }
.LBB1_4:
0x38: {  	v5 =	vld [tilespmem:s27+$0x30];
	s26 =	sadd.s32 $0x8, s26;
	[tilespmem:s25+$0xFFFFFFFC ss:$0x81] =	vst.msk $0xffff, v1  }
0x39: {  	v6 =	vld [tilespmem:s27+$0xFFFFFFD0];
	p1 =	slt.u32 s26, $0x78;
	[tilespmem:s25+$0xFFFFFFFD ss:$0x81] =	vst.msk $0xffff, v0  }
0x3a: {  	v7 =	vld [tilespmem:s27+$0xFFFFFFE0];
	[tilespmem:s25+$0xFFFFFFFE ss:$0x81] =	vst.msk $0xffff, v2  }
.Ltmp3:
0x3b: {  	v1 =	vld [tilespmem:s27+$0xFFFFFFF0];
	[tilespmem:s25+$0xFFFFFFFF ss:$0x81] =	vst.msk $0xffff, v4;
	(pc) =	sbr.rel @p1 .LBB1_4-.Ltmp3, $4  }
0x3c: {  	v0 =	vld [tilespmem:s27+$0x0];
	[tilespmem:s25+$0xFFFFFFF9 ss:$0x81] =	vst.msk $0xffff, v3;
	s25 =	sadd.s32 $0x8, s25  }
0x3d: {  	v2 =	vld [tilespmem:s27+$0x10];
	[tilespmem:s25+$0x0 ss:$0x81] =	vst.msk $0xffff, v5  }
0x3e: {  	[tilespmem:s25+$0xFFFFFFFA ss:$0x81] =	vst.msk $0xffff, v6;
	v4 =	vld [tilespmem:s27+$0x20]  }
0x3f: {  	v3 =	vld [tilespmem:s27+$0xFFFFFFC0];
	[tilespmem:s25+$0xFFFFFFFB ss:$0x81] =	vst.msk $0xffff, v7;
	s27 =	sadd.s32 $0x80, s27  }
0x40: {  	s24 =	sadd.s32 $0x1, s24  }
0x41: {  	p1 =	sne.s32 s24, $0x4  }
.Ltmp4:
0x42: {  	[tilespmem:s25+$0xFFFFFFFC ss:$0x81] =	vst.msk $0xffff, v1;
	(pc) =	sbr.rel @p1 .LBB1_3-.Ltmp4, $4  }
0x43: {  	[tilespmem:s25+$0xFFFFFFFD ss:$0x81] =	vst.msk $0xffff, v0  }
0x44: {  	[tilespmem:s25+$0xFFFFFFFE ss:$0x81] =	vst.msk $0xffff, v2  }
0x45: {  	[tilespmem:s25+$0xFFFFFFFF ss:$0x81] =	vst.msk $0xffff, v4  }
0x46: {  	s21 =	sadd.s32 $0x810, s21;
	s23 =	sadd.s32 $0x800, s23;
	[tilespmem:s25+$0xFFFFFFF9 ss:$0x81] =	vst.msk $0xffff, v3  }
0x47: {  	s20 =	smul.u32 $0x8C000, s20  }
.Ltmp5:
0x48: {  	_ = 	snop;
	(pc) =	sbr.rel .LBB1_7-.Ltmp5, $4  }
0x49: {  	s19 =	sshll.u32 s19, $0xE;
	s20 =	sadd.s32 s4, s20  }
0x4a: {  	s19 =	sadd.s32 s19, s20  }
0x4b: {  	s18 =	sadd.s32 s18, s19  }
0x4c: {  	[hbm4b:s18+s13] =	stream.strided.scatter [tilespmem:s22], [sflag:$0x2], $0x2000, s14, s13, $0x20;
	[tilespmem:$0x8080] =	vst v63  }
.LBB1_8:
0x4d: {  	_ =	sfence.sel $0x180000  }
0x4e: {  	s1 =	simm.s32 $0x1;
	[bflag:$0x0] =	sbarrier.arrive $0xFFFF  }
0x4f: {  	s31 =	simm.s32 $0x2;
	[sflag:s1] =	ssyncpa.u1 $0x1  }
0x50: {  	[sflag:s31] =	ssyncpa.u1 $0x1  }
0x51: {  	p0 =	sne.s32 s0, $0x0;
	_ =	strace $0x9000004A  }
0x52: {  	s0 =	sadd.s32 @!p0 $0x100000, s3;
	[bflag:$0x2] =	sbarrier.arrive $0xFFFF  }
0x53: {  	[sflag:s0] =	ssyncadd.tile.s32 @!p0 $0x1;
	_ =	shalt  }
.Lfunc_end1:
_tile_overlayer_lowered:
.L_overlay_start_2:
0x54: {  	(tag) =	ssettag $0x2  }
0x55: {  	s0 =	rddreg [dreg:$0x0];
	s2 =	stileid.u32  }
0x56: {  	s1 =	rddreg [dreg:$0x1];
	p0 =	sne.s32 s2, $0x0  }
0x57: {  	s3 =	rddreg [dreg:$0x2];
	[bflag:$0x3] =	sbarrier.arrive $0xFFFF;
	s2 =	simm.s32 @!p0 $0x1C01  }
0x58: {  	[timem:s3], [sflag:s2] =	dma.local @!p0 [hbm:s0], s1  }
0x59: {  	s0 =	simm.s32 @!p0 $0x1  }
0x5a: {  	_ =	swait.ge @!p0 [sflag:s0], s1  }
0x5b: {  	s1 =	ssub.s32 @!p0 $0x0, s1;
	[sflag:s0] =	ssyncset.done @!p0 $0x0  }
0x5c: {  	[sflag:s0] =	ssyncadd.s32 @!p0 s1  }
0x5d: {  	[bflag:$0x3] =	sbarrier.arrive $0xFFFF  }
0x5e: {  	_ =	shalt  }

</sc_bundles>
